<compile_context>
chip_gen: v7x
topology: tpu7x:2x2x1
jax: 0.10.2.dev20260603
libtpu: 0.0.44.dev20260713+nightly
codegen_flags: <defaults>
</compile_context>

<pallas_src>
import functools

import numpy as np
import jax
import jax.numpy as jnp
from jax import lax
from jax.experimental import pallas as pl
from jax.experimental.pallas import tpu as pltpu
from jax.experimental.pallas import tpu_sc as plsc

_AUDIO_RATE = 22050.0 / 256.0
_SIZES = [x * _AUDIO_RATE for x in [2.23147392, 2.62519274, 3.74199546,
                                    5.78800454, 8.02371882]]
_LEVEL_N = [4096, 2048, 1024, 512, 256]
_LEVEL_STRIDE = [1.0, 2.0, 4.0, 8.0, 16.0]
_LEVEL_OFF = [0, 4096, 6144, 7168, 7680]
_LEVEL_LO = [0.0] + _SIZES[:4]
_LEVEL_UP = _SIZES

_B, _G, _C = 16, 30, 8
_A = sum(_LEVEL_N)
_ROWS = _A // 128
_WS = 4096
_NC, _NS = 2, 16



def _i_ge(q):
    qc = jnp.maximum(q, 0.0)
    t = qc.astype(jnp.int32)
    return t + (t.astype(jnp.float32) < qc).astype(jnp.int32)


def _i_gt(q):
    t = jnp.maximum(q, 0.0).astype(jnp.int32)
    return jnp.where(q < 0.0, 0, t + 1)


def _i_le(q):
    t = jnp.maximum(q, 0.0).astype(jnp.int32)
    return jnp.where(q < 0.0, -1, t)


def _i_lt(q):
    qc = jnp.maximum(q, 0.0)
    t = qc.astype(jnp.int32)
    c = t + (t.astype(jnp.float32) < qc).astype(jnp.int32)
    return jnp.where(q <= 0.0, -1, c - 1)


def _sc_mask_body(ann_hbm, cid_hbm, out_hbm, ann_v, cid_v, mask_v):
    b = lax.axis_index("s")
    h = lax.axis_index("c")
    wbase = h * _WS

    lanes = lax.iota(jnp.int32, 16)
    zeros16 = jnp.zeros((16,), jnp.float32)

    def zero_body(i, _):
        mask_v[i >> 3, pl.ds((i & 7) * 16, 16)] = zeros16
        return 0
    lax.fori_loop(0, _WS // 16, zero_body, 0)

    pltpu.sync_copy(ann_hbm.at[b], ann_v)
    pltpu.sync_copy(cid_hbm, cid_v)
    cidf = cid_v[...][0].astype(jnp.float32)

    def fill(glo, ghi, xlo, xhi, nchunks):
        llo = jnp.maximum(glo, wbase) - wbase
        lhi = jnp.minimum(ghi, wbase + _WS - 1) - wbase
        exlo = xlo - wbase
        exhi = xhi - wbase
        cstart = jnp.clip((llo // 16) * 16, 0, _WS - 16)
        for i in range(nchunks):
            c0 = jnp.minimum(cstart + 16 * i, _WS - 16)
            idx = lanes + c0
            m = ((idx >= llo) & (idx <= lhi)
                 & ((idx < exlo) | (idx > exhi)))
            row = c0 >> 7
            col = c0 & 127
            v = mask_v[row, pl.ds(col, 16)]
            mask_v[row, pl.ds(col, 16)] = jnp.where(m, 1.0, v)

    def g_body(g, _):
        av = ann_v[pl.ds(4 * g, 16)]
        s = av[0]
        e = av[1]
        cl = av[2]

        @pl.when(cl == cidf)
        def _():
            chunks = [14, 10, 8, 6, 5]
            for lvl in range(5):
                inv = 1.0 / _LEVEL_STRIDE[lvl]
                off = _LEVEL_OFF[lvl]
                n = _LEVEL_N[lvl]
                lo = _LEVEL_LO[lvl]
                up = _LEVEL_UP[lvl]
                lk = jnp.maximum(_i_ge(s * inv), _i_gt((e - up) * inv))
                hk = jnp.minimum(_i_le(e * inv), _i_lt((s + up) * inv))
                lk = jnp.maximum(lk, 0)
                hk = jnp.minimum(hk, n - 1)
                xl = _i_gt((e - lo) * inv)
                xh = _i_lt((s + lo) * inv)
                fill(lk + off, hk + off, xl + off, xh + off, chunks[lvl])
        return 0

    lax.fori_loop(0, _G, g_body, 0)

    pltpu.sync_copy(mask_v, out_hbm.at[b, pl.ds(h * 32, 32)])


def _sc_mask(ann4, cid_arr):
    mesh = plsc.VectorSubcoreMesh(core_axis_name="c", subcore_axis_name="s",
                                  num_cores=_NC, num_subcores=_NS)
    return pl.kernel(
        _sc_mask_body,
        out_type=jax.ShapeDtypeStruct((_B, 64, 128), jnp.float32),
        mesh=mesh,
        scratch_types=[
            pltpu.VMEM((144,), jnp.float32),
            pltpu.VMEM((16,), jnp.int32),
            pltpu.VMEM((32, 128), jnp.float32),
        ],
    )(ann4, cid_arr)



def _tca_kernel(cid_ref, x_hbm, negs_ref, delta_ref, x_ref, dma_sem):
    cid = cid_ref[0, 0]

    copy = pltpu.make_async_copy(x_hbm, x_ref, dma_sem)
    copy.start()
    copy.wait()

    def b_body(b, carry):
        x = x_ref[b]
        cls = jnp.clip(x, 1e-4, 1.0 - 1e-4)
        neg = 0.75 * cls * cls * (-jnp.log(1.0 - cls))
        negs_ref[b, 0] = jnp.sum(neg)

        xc = x_ref[b, pl.ds(cid * _ROWS, _ROWS), :]
        cc = jnp.clip(xc, 1e-4, 1.0 - 1e-4)
        one_m = 1.0 - cc
        post = 0.25 * one_m * one_m * (-jnp.log(cc))
        negt = 0.75 * cc * cc * (-jnp.log(one_m))
        delta_ref[b] = post - negt
        return carry

    lax.fori_loop(0, _B, b_body, 0)


def _tcb_kernel(negs_ref, m_ref, d_ref, out_ref):
    out_ref[0, 0] = 0.0

    def b_body(b, carry):
        m = m_ref[b, 0:_ROWS, :]
        npos = jnp.sum(m)
        corr = jnp.sum(m * d_ref[b])
        out_ref[0, 0] += ((negs_ref[b, 0] + corr)
                          / jnp.maximum(npos, 1.0)) / _B
        return carry

    lax.fori_loop(0, _B, b_body, 0)


def kernel(classifications, annotations, anchors0, anchors1, anchors2,
           anchors3, anchors4, class_id):
    B, A, C = classifications.shape
    ann4 = jnp.pad(
        jnp.pad(annotations, ((0, 0), (0, 2), (0, 1))).reshape(B, 128),
        ((0, 0), (0, 16)))
    cid_arr = jnp.full((16,), class_id, jnp.int32)
    cid = jnp.asarray(class_id, jnp.int32).reshape(1, 1)
    xt = jnp.transpose(classifications, (0, 2, 1)).reshape(B, C * _ROWS, 128)

    mask = _sc_mask(ann4, cid_arr)

    negs, delta = pl.pallas_call(
        _tca_kernel,
        in_specs=[
            pl.BlockSpec(memory_space=pltpu.SMEM),
            pl.BlockSpec(memory_space=pl.ANY),
        ],
        out_specs=[
            pl.BlockSpec(memory_space=pltpu.SMEM),
            pl.BlockSpec(memory_space=pltpu.VMEM),
        ],
        out_shape=[
            jax.ShapeDtypeStruct((_B, 1), jnp.float32),
            jax.ShapeDtypeStruct((_B, _ROWS, 128), jnp.float32),
        ],
        scratch_shapes=[
            pltpu.VMEM((_B, _C * _ROWS, 128), jnp.float32),
            pltpu.SemaphoreType.DMA,
        ],
    )(cid, xt)

    out = pl.pallas_call(
        _tcb_kernel,
        in_specs=[
            pl.BlockSpec(memory_space=pltpu.SMEM),
            pl.BlockSpec(memory_space=pltpu.VMEM),
            pl.BlockSpec(memory_space=pltpu.VMEM),
        ],
        out_specs=pl.BlockSpec(memory_space=pltpu.SMEM),
        out_shape=jax.ShapeDtypeStruct((1, 1), jnp.float32),
    )(negs, mask, delta)
    return out[0, 0]

# --- scband reference (transcript-rebuilt; emitter-appended) ---
"""Pipeline reference for scband-focal-loss-9612136808648 (READ-ONLY COPY).

The authoritative reference and input builder live on the scoring server;
editing this copy changes nothing except your own understanding.
"""

import jax, jax.numpy as jnp
import numpy as np

AUDIO_RATE = 22050.0 / 256.0
SIZES = [x * AUDIO_RATE for x in [2.23147392, 2.62519274, 3.74199546, 5.78800454, 8.02371882, float('inf')]]


def _fcos_positive_mask(ann, anchors_list, class_id):
    # ann: [B, G, 3] (start, end, class). Returns bool [B, A_total] of positive anchors.
    valid = ann[:, :, 2] == class_id
    starts = ann[:, :, 0]
    ends = ann[:, :, 1]
    masks = []
    for i, P in enumerate(anchors_list):
        in_box = (P[None, None, :] >= starts[:, :, None]) & (P[None, None, :] <= ends[:, :, None])
        l_star = P[None, None, :] - starts[:, :, None]
        r_star = ends[:, :, None] - P[None, None, :]
        m = jnp.maximum(l_star, r_star)
        lower = SIZES[i - 1] if i > 0 else 0.0
        upper = SIZES[i]
        in_range = ~((m < lower) | (m >= upper))
        masks.append((in_box & in_range & valid[:, :, None]).any(axis=1))
    return jnp.concatenate(masks, axis=1)


def _build_targets(annotations, anchors_list, class_id, num_classes):
    pos = _fcos_positive_mask(annotations, anchors_list, class_id)
    onehot = jax.nn.one_hot(class_id, num_classes, dtype=jnp.float32)
    return pos[:, :, None].astype(jnp.float32) * onehot[None, None, :]


def setup_inputs(seed: int = 0):
    key = jax.random.key(seed)
    k1, k2, k3, k4 = jax.random.split(key, 4)
    B, G, C = 16, 30, 8
    L = 4096.0
    starts = jax.random.uniform(k1, (B, G), dtype=jnp.float32) * (L - 700.0)
    durs = jax.random.uniform(k2, (B, G), dtype=jnp.float32) * 550.0 + 150.0
    ends = starts + durs
    classes = jax.random.randint(k3, (B, G), 0, C).astype(jnp.float32)
    annotations = jnp.stack([starts, ends, classes], axis=-1)
    A_total = 4096 + 2048 + 1024 + 512 + 256
    classifications = jax.random.uniform(k4, (B, A_total, C), dtype=jnp.float32)
    anchors0 = jnp.arange(4096, dtype=jnp.float32) * 1.0
    anchors1 = jnp.arange(2048, dtype=jnp.float32) * 2.0
    anchors2 = jnp.arange(1024, dtype=jnp.float32) * 4.0
    anchors3 = jnp.arange(512, dtype=jnp.float32) * 8.0
    anchors4 = jnp.arange(256, dtype=jnp.float32) * 16.0
    return {"classifications": classifications, "annotations": annotations,
            "anchors0": anchors0, "anchors1": anchors1, "anchors2": anchors2,
            "anchors3": anchors3, "anchors4": anchors4, "class_id": 1}


def reference(classifications, annotations, anchors0, anchors1, anchors2, anchors3, anchors4, class_id):
    alpha = 0.25
    gamma = 2.0
    anchors_list = [anchors0, anchors1, anchors2, anchors3, anchors4]
    num_classes = classifications.shape[2]
    # FCOS positive-anchor assignment (per batch element, per class_id)
    targets = _build_targets(annotations, anchors_list, class_id, num_classes)
    cls = jnp.clip(classifications, 1e-4, 1.0 - 1e-4)
    alpha_factor = jnp.where(targets == 1.0, alpha, 1.0 - alpha)
    focal_weight = jnp.where(targets == 1.0, 1.0 - cls, cls)
    focal_weight = alpha_factor * focal_weight ** gamma
    bce = -(targets * jnp.log(cls) + (1.0 - targets) * jnp.log(1.0 - cls))
    cls_loss = focal_weight * bce
    num_pos = jnp.clip(targets.sum(axis=(1, 2)), 1.0, None)
    per_batch = cls_loss.sum(axis=(1, 2)) / num_pos
    return per_batch.mean()

if __name__ == "__main__":
    import jax
    _d = setup_inputs()
    print(jax.jit(kernel)(*tuple(_d.values())))

</pallas_src>

<mosaic_0001>
#map = affine_map<(d0, d1) -> (0, 0)>
#map1 = affine_map<(d0, d1) -> (0)>
#map2 = affine_map<(d0, d1) -> (0, 0, 0)>
module attributes {stable_mosaic.version = 14 : i64} {
  func.func @_sc_mask_body(%arg0: i32, %arg1: i32, %arg2: memref<16x144xf32, #tpu.memory_space<hbm>>, %arg3: memref<16xi32, #tpu.memory_space<hbm>>, %arg4: memref<16x64x128xf32, #tpu.memory_space<hbm>>, %arg5: memref<144xf32, #tpu.memory_space<vmem>>, %arg6: memref<16xi32, #tpu.memory_space<vmem>>, %arg7: memref<32x128xf32, #tpu.memory_space<vmem>>) attributes {dimension_semantics = [#tpu.dimension_semantics<core_parallel>, #tpu.dimension_semantics<subcore_parallel>], iteration_bounds = array<i64: 2, 16>, scalar_prefetch = 0 : i64, scratch_operands = 3 : i64, tpu.core_type = #tpu.core_type<sc_vector_subcore>, window_params = [{transform_indices = #map}, {transform_indices = #map1}, {transform_indices = #map2}]} {
    %mul3A = arith.constant 4096 : i32
    %mul3A_0 = arith.muli %arg0, %mul3A : i32
    %iota3A = tpu.iota {dimensions = array<i32: 0>} : vector<16xi32>
    %broadcast_in_dim3A = arith.constant 0.000000e+00 : f32
    %broadcast_in_dim3A_1 = vector.broadcast %broadcast_in_dim3A : f32 to vector<16xf32>
    %scan3A = arith.constant 0 : i32
    %scan3A_2 = arith.constant 0 : i32
    %scan3A_3 = arith.constant 256 : i32
    %scan3A_4 = arith.addi %scan3A_2, %scan3A_3 : i32
    %scan3A_5 = arith.constant 1 : i32
    %scan3A_6 = scf.for %scan3A_19 = %scan3A_2 to %scan3A_4 step %scan3A_5 iter_args(%scan3A_20 = %scan3A) -> (i32)  : i32 {
      %shift_right_arithmetic3A = arith.constant 3 : i32
      %shift_right_arithmetic3A_21 = arith.shrsi %scan3A_19, %shift_right_arithmetic3A : i32
      %and3A = arith.constant 7 : i32
      %and3A_22 = arith.andi %scan3A_19, %and3A : i32
      %mul3A_23 = arith.constant 16 : i32
      %mul3A_24 = arith.muli %and3A_22, %mul3A_23 : i32
      %swap3A = arith.index_cast %shift_right_arithmetic3A_21 : i32 to index
      %swap3A_25 = arith.index_cast %mul3A_24 : i32 to index
      %swap3A_26 = tpu.vector_load %arg7[%swap3A, %swap3A_25] {strides = array<i32>} : memref<32x128xf32, #tpu.memory_space<vmem>>, vector<1x16xf32>,
      %swap3A_27 = vector.shape_cast %swap3A_26 : vector<1x16xf32> to vector<16xf32>
      %swap3A_28 = vector.shape_cast %broadcast_in_dim3A_1 : vector<16xf32> to vector<1x16xf32>
      tpu.vector_store %arg7[%swap3A, %swap3A_25], %swap3A_28 {strides = array<i32>} : memref<32x128xf32, #tpu.memory_space<vmem>>, vector<1x16xf32>,
      %scan3A_29 = arith.constant 0 : i32
      scf.yield %scan3A_29 : i32
    }
    %scan3A_7 = arith.constant 256 : i32
    "tpu.region"() ({
      %run_scoped3A = tpu.sem_alloc : memref<!tpu.dma_semaphore, #tpu.memory_space<semaphore_mem>>
      %dma_start3A = arith.constant 0 : i32
      %dma_start3A_19 = tpu.memref_slice %arg2[%arg1, %dma_start3A] : memref<16x144xf32, #tpu.memory_space<hbm>> -> memref<1x144xf32, #tpu.memory_space<hbm>>
      %dma_start3A_20 = tpu.memref_squeeze %dma_start3A_19 : memref<1x144xf32, #tpu.memory_space<hbm>> -> memref<144xf32, #tpu.memory_space<hbm>>
      %dma_start3A_21 = arith.constant 0 : i32
      %dma_start3A_22 = tpu.memref_slice %arg2[%arg1, %dma_start3A_21] : memref<16x144xf32, #tpu.memory_space<hbm>> -> memref<1x144xf32, #tpu.memory_space<hbm>>
      %dma_start3A_23 = tpu.memref_squeeze %dma_start3A_22 : memref<1x144xf32, #tpu.memory_space<hbm>> -> memref<144xf32, #tpu.memory_space<hbm>>
      tpu.enqueue_dma source(%dma_start3A_23 : memref<144xf32, #tpu.memory_space<hbm>>) target(%arg5 : memref<144xf32, #tpu.memory_space<vmem>>) target_semaphore(%run_scoped3A : memref<!tpu.dma_semaphore, #tpu.memory_space<semaphore_mem>>)
      %dma_wait3A = arith.constant 0 : i32
      %dma_wait3A_24 = tpu.memref_slice %arg2[%arg1, %dma_wait3A] : memref<16x144xf32, #tpu.memory_space<hbm>> -> memref<1x144xf32, #tpu.memory_space<hbm>>
      %dma_wait3A_25 = tpu.memref_squeeze %dma_wait3A_24 : memref<1x144xf32, #tpu.memory_space<hbm>> -> memref<144xf32, #tpu.memory_space<hbm>>
      %dma_wait3A_26 = arith.constant 0 : i32
      %dma_wait3A_27 = tpu.memref_slice %arg2[%arg1, %dma_wait3A_26] : memref<16x144xf32, #tpu.memory_space<hbm>> -> memref<1x144xf32, #tpu.memory_space<hbm>>
      %dma_wait3A_28 = tpu.memref_squeeze %dma_wait3A_27 : memref<1x144xf32, #tpu.memory_space<hbm>> -> memref<144xf32, #tpu.memory_space<hbm>>
      tpu.wait_dma2 semaphore(%run_scoped3A : memref<!tpu.dma_semaphore, #tpu.memory_space<semaphore_mem>>) src(%dma_wait3A_28 : memref<144xf32, #tpu.memory_space<hbm>>) dst(%arg5 : memref<144xf32, #tpu.memory_space<vmem>>)
      tpu.yield
    }) : () -> ()
    "tpu.region"() ({
      %run_scoped3A = tpu.sem_alloc : memref<!tpu.dma_semaphore, #tpu.memory_space<semaphore_mem>>
      tpu.enqueue_dma source(%arg3 : memref<16xi32, #tpu.memory_space<hbm>>) target(%arg6 : memref<16xi32, #tpu.memory_space<vmem>>) target_semaphore(%run_scoped3A : memref<!tpu.dma_semaphore, #tpu.memory_space<semaphore_mem>>)
      tpu.wait_dma2 semaphore(%run_scoped3A : memref<!tpu.dma_semaphore, #tpu.memory_space<semaphore_mem>>) src(%arg3 : memref<16xi32, #tpu.memory_space<hbm>>) dst(%arg6 : memref<16xi32, #tpu.memory_space<vmem>>)
      tpu.yield
    }) : () -> ()
    %get3A = arith.constant 0 : index
    %get3A_8 = tpu.vector_load %arg6[%get3A] {strides = array<i32>} : memref<16xi32, #tpu.memory_space<vmem>>, vector<16xi32>,
    %get3A_9 = vector.shape_cast %get3A_8 : vector<16xi32> to vector<16xi32>
    %slice3A = vector.extract_strided_slice %get3A_9 {offsets = [0], sizes = [1], strides = [1]} : vector<16xi32> to vector<1xi32>
    %squeeze3A = vector.extract %slice3A[0] : i32 from vector<1xi32>
    %convert_element_type3A = arith.sitofp %squeeze3A : i32 to f32
    %scan3A_10 = arith.constant 0 : i32
    %scan3A_11 = arith.constant 0 : i32
    %scan3A_12 = arith.constant 30 : i32
    %scan3A_13 = arith.addi %scan3A_11, %scan3A_12 : i32
    %scan3A_14 = arith.constant 1 : i32
    %scan3A_15 = scf.for %scan3A_19 = %scan3A_11 to %scan3A_13 step %scan3A_14 iter_args(%scan3A_20 = %scan3A_10) -> (i32)  : i32 {
      %mul3A_21 = arith.constant 4 : i32
      %mul3A_22 = arith.muli %mul3A_21, %scan3A_19 : i32
      %get3A_23 = arith.index_cast %mul3A_22 : i32 to index
      %get3A_24 = tpu.vector_load %arg5[%get3A_23] {strides = array<i32>} : memref<144xf32, #tpu.memory_space<vmem>>, vector<16xf32>,
      %get3A_25 = vector.shape_cast %get3A_24 : vector<16xf32> to vector<16xf32>
      %slice3A_26 = vector.extract_strided_slice %get3A_25 {offsets = [0], sizes = [1], strides = [1]} : vector<16xf32> to vector<1xf32>
      %squeeze3A_27 = vector.extract %slice3A_26[0] : f32 from vector<1xf32>
      %slice3A_28 = vector.extract_strided_slice %get3A_25 {offsets = [1], sizes = [1], strides = [1]} : vector<16xf32> to vector<1xf32>
      %squeeze3A_29 = vector.extract %slice3A_28[0] : f32 from vector<1xf32>
      %slice3A_30 = vector.extract_strided_slice %get3A_25 {offsets = [2], sizes = [1], strides = [1]} : vector<16xf32> to vector<1xf32>
      %squeeze3A_31 = vector.extract %slice3A_30[0] : f32 from vector<1xf32>
      %eq3A = arith.cmpf oeq, %squeeze3A_31, %convert_element_type3A : f32
      %convert_element_type3A_32 = arith.extui %eq3A : i1 to i32
      %cond3A = arith.constant 0 : i32
      %cond3A_33 = arith.cmpi ne, %convert_element_type3A_32, %cond3A : i32
      scf.if %cond3A_33 {
        %mul3A_35 = arith.constant 1.000000e+00 : f32
        %mul3A_36 = arith.mulf %squeeze3A_27, %mul3A_35 : f32
        %max3A = arith.constant 0.000000e+00 : f32
        %max3A_37 = arith.maximumf %mul3A_36, %max3A : f32
        %convert_element_type3A_38 = arith.fptosi %max3A_37 : f32 to i32
        %convert_element_type3A_39 = arith.sitofp %convert_element_type3A_38 : i32 to f32
        %lt3A = arith.cmpf olt, %convert_element_type3A_39, %max3A_37 : f32
        %convert_element_type3A_40 = arith.extui %lt3A : i1 to i32
        %add3A = arith.addi %convert_element_type3A_38, %convert_element_type3A_40 : i32
        %sub3A = arith.constant 192.203125 : f32
        %sub3A_41 = arith.subf %squeeze3A_29, %sub3A : f32
        %mul3A_42 = arith.constant 1.000000e+00 : f32
        %mul3A_43 = arith.mulf %sub3A_41, %mul3A_42 : f32
        %max3A_44 = arith.constant 0.000000e+00 : f32
        %max3A_45 = arith.maximumf %mul3A_43, %max3A_44 : f32
        %convert_element_type3A_46 = arith.fptosi %max3A_45 : f32 to i32
        %lt3A_47 = arith.constant 0.000000e+00 : f32
        %lt3A_48 = arith.cmpf olt, %mul3A_43, %lt3A_47 : f32
        %add3A_49 = arith.constant 1 : i32
        %add3A_50 = arith.addi %convert_element_type3A_46, %add3A_49 : i32
        %jit3A = arith.constant 0 : i32
        %select_n3A = arith.select %lt3A_48, %jit3A, %add3A_50 : i32
        %max3A_51 = arith.maxsi %add3A, %select_n3A : i32
        %mul3A_52 = arith.constant 1.000000e+00 : f32
        %mul3A_53 = arith.mulf %squeeze3A_29, %mul3A_52 : f32
        %max3A_54 = arith.constant 0.000000e+00 : f32
        %max3A_55 = arith.maximumf %mul3A_53, %max3A_54 : f32
        %convert_element_type3A_56 = arith.fptosi %max3A_55 : f32 to i32
        %lt3A_57 = arith.constant 0.000000e+00 : f32
        %lt3A_58 = arith.cmpf olt, %mul3A_53, %lt3A_57 : f32
        %jit3A_59 = arith.constant -1 : i32
        %select_n3A_60 = arith.select %lt3A_58, %jit3A_59, %convert_element_type3A_56 : i32
        %add3A_61 = arith.constant 192.203125 : f32
        %add3A_62 = arith.addf %squeeze3A_27, %add3A_61 : f32
        %mul3A_63 = arith.constant 1.000000e+00 : f32
        %mul3A_64 = arith.mulf %add3A_62, %mul3A_63 : f32
        %max3A_65 = arith.constant 0.000000e+00 : f32
        %max3A_66 = arith.maximumf %mul3A_64, %max3A_65 : f32
        %convert_element_type3A_67 = arith.fptosi %max3A_66 : f32 to i32
        %convert_element_type3A_68 = arith.sitofp %convert_element_type3A_67 : i32 to f32
        %lt3A_69 = arith.cmpf olt, %convert_element_type3A_68, %max3A_66 : f32
        %convert_element_type3A_70 = arith.extui %lt3A_69 : i1 to i32
        %add3A_71 = arith.addi %convert_element_type3A_67, %convert_element_type3A_70 : i32
        %le3A = arith.constant 0.000000e+00 : f32
        %le3A_72 = arith.cmpf ole, %mul3A_64, %le3A : f32
        %sub3A_73 = arith.constant 1 : i32
        %sub3A_74 = arith.subi %add3A_71, %sub3A_73 : i32
        %jit3A_75 = arith.constant -1 : i32
        %select_n3A_76 = arith.select %le3A_72, %jit3A_75, %sub3A_74 : i32
        %min3A = arith.minsi %select_n3A_60, %select_n3A_76 : i32
        %max3A_77 = arith.constant 0 : i32
        %max3A_78 = arith.maxsi %max3A_51, %max3A_77 : i32
        %min3A_79 = arith.constant 4095 : i32
        %min3A_80 = arith.minsi %min3A, %min3A_79 : i32
        %sub3A_81 = arith.constant 0.000000e+00 : f32
        %sub3A_82 = arith.subf %squeeze3A_29, %sub3A_81 : f32
        %mul3A_83 = arith.constant 1.000000e+00 : f32
        %mul3A_84 = arith.mulf %sub3A_82, %mul3A_83 : f32
        %max3A_85 = arith.constant 0.000000e+00 : f32
        %max3A_86 = arith.maximumf %mul3A_84, %max3A_85 : f32
        %convert_element_type3A_87 = arith.fptosi %max3A_86 : f32 to i32
        %lt3A_88 = arith.constant 0.000000e+00 : f32
        %lt3A_89 = arith.cmpf olt, %mul3A_84, %lt3A_88 : f32
        %add3A_90 = arith.constant 1 : i32
        %add3A_91 = arith.addi %convert_element_type3A_87, %add3A_90 : i32
        %jit3A_92 = arith.constant 0 : i32
        %select_n3A_93 = arith.select %lt3A_89, %jit3A_92, %add3A_91 : i32
        %add3A_94 = arith.constant 0.000000e+00 : f32
        %add3A_95 = arith.addf %squeeze3A_27, %add3A_94 : f32
        %mul3A_96 = arith.constant 1.000000e+00 : f32
        %mul3A_97 = arith.mulf %add3A_95, %mul3A_96 : f32
        %max3A_98 = arith.constant 0.000000e+00 : f32
        %max3A_99 = arith.maximumf %mul3A_97, %max3A_98 : f32
        %convert_element_type3A_100 = arith.fptosi %max3A_99 : f32 to i32
        %convert_element_type3A_101 = arith.sitofp %convert_element_type3A_100 : i32 to f32
        %lt3A_102 = arith.cmpf olt, %convert_element_type3A_101, %max3A_99 : f32
        %convert_element_type3A_103 = arith.extui %lt3A_102 : i1 to i32
        %add3A_104 = arith.addi %convert_element_type3A_100, %convert_element_type3A_103 : i32
        %le3A_105 = arith.constant 0.000000e+00 : f32
        %le3A_106 = arith.cmpf ole, %mul3A_97, %le3A_105 : f32
        %sub3A_107 = arith.constant 1 : i32
        %sub3A_108 = arith.subi %add3A_104, %sub3A_107 : i32
        %jit3A_109 = arith.constant -1 : i32
        %select_n3A_110 = arith.select %le3A_106, %jit3A_109, %sub3A_108 : i32
        %add3A_111 = arith.constant 0 : i32
        %add3A_112 = arith.addi %max3A_78, %add3A_111 : i32
        %add3A_113 = arith.constant 0 : i32
        %add3A_114 = arith.addi %min3A_80, %add3A_113 : i32
        %add3A_115 = arith.constant 0 : i32
        %add3A_116 = arith.addi %select_n3A_93, %add3A_115 : i32
        %add3A_117 = arith.constant 0 : i32
        %add3A_118 = arith.addi %select_n3A_110, %add3A_117 : i32
        %max3A_119 = arith.maxsi %add3A_112, %mul3A_0 : i32
        %sub3A_120 = arith.subi %max3A_119, %mul3A_0 : i32
        %add3A_121 = arith.constant 4096 : i32
        %add3A_122 = arith.addi %mul3A_0, %add3A_121 : i32
        %sub3A_123 = arith.constant 1 : i32
        %sub3A_124 = arith.subi %add3A_122, %sub3A_123 : i32
        %min3A_125 = arith.minsi %add3A_114, %sub3A_124 : i32
        %sub3A_126 = arith.subi %min3A_125, %mul3A_0 : i32
        %sub3A_127 = arith.subi %add3A_116, %mul3A_0 : i32
        %sub3A_128 = arith.subi %add3A_118, %mul3A_0 : i32
        %jit3A_129 = arith.constant 16 : i32
        %div3A = arith.divsi %sub3A_120, %jit3A_129 : i32
        %sign3A = arith.constant 0 : i32
        %sign3A_130 = arith.cmpi sgt, %sub3A_120, %sign3A : i32
        %sign3A_131 = arith.extui %sign3A_130 : i1 to i32
        %sign3A_132 = arith.constant 0 : i32
        %sign3A_133 = arith.cmpi slt, %sub3A_120, %sign3A_132 : i32
        %sign3A_134 = arith.extui %sign3A_133 : i1 to i32
        %sign3A_135 = arith.subi %sign3A_131, %sign3A_134 : i32
        %sign3A_136 = arith.constant 0 : i32
        %sign3A_137 = arith.cmpi sgt, %jit3A_129, %sign3A_136 : i32
        %sign3A_138 = arith.extui %sign3A_137 : i1 to i32
        %sign3A_139 = arith.constant 0 : i32
        %sign3A_140 = arith.cmpi slt, %jit3A_129, %sign3A_139 : i32
        %sign3A_141 = arith.extui %sign3A_140 : i1 to i32
        %sign3A_142 = arith.subi %sign3A_138, %sign3A_141 : i32
        %ne3A = arith.cmpi ne, %sign3A_135, %sign3A_142 : i32
        %rem3A = arith.remsi %sub3A_120, %jit3A_129 : i32
        %ne3A_143 = arith.constant 0 : i32
        %ne3A_144 = arith.cmpi ne, %rem3A, %ne3A_143 : i32
        %and3A = arith.andi %ne3A, %ne3A_144 : i1
        %sub3A_145 = arith.constant 1 : i32
        %sub3A_146 = arith.subi %div3A, %sub3A_145 : i32
        %select_n3A_147 = arith.select %and3A, %sub3A_146, %div3A : i32
        %mul3A_148 = arith.constant 16 : i32
        %mul3A_149 = arith.muli %select_n3A_147, %mul3A_148 : i32
        %jit3A_150 = arith.constant 0 : i32
        %jit3A_151 = arith.constant 4080 : i32
        %max3A_152 = arith.maxsi %jit3A_150, %mul3A_149 : i32
        %min3A_153 = arith.minsi %jit3A_151, %max3A_152 : i32
        %add3A_154 = arith.constant 0 : i32
        %add3A_155 = arith.addi %min3A_153, %add3A_154 : i32
        %min3A_156 = arith.constant 4080 : i32
        %min3A_157 = arith.minsi %add3A_155, %min3A_156 : i32
        %add3A_158 = vector.broadcast %min3A_157 : i32 to vector<16xi32>
        %add3A_159 = arith.addi %iota3A, %add3A_158 : vector<16xi32>
        %ge3A = vector.broadcast %sub3A_120 : i32 to vector<16xi32>
        %ge3A_160 = arith.cmpi sge, %add3A_159, %ge3A : vector<16xi32>
        %le3A_161 = vector.broadcast %sub3A_126 : i32 to vector<16xi32>
        %le3A_162 = arith.cmpi sle, %add3A_159, %le3A_161 : vector<16xi32>
        %and3A_163 = arith.andi %ge3A_160, %le3A_162 : vector<16xi1>
        %lt3A_164 = vector.broadcast %sub3A_127 : i32 to vector<16xi32>
        %lt3A_165 = arith.cmpi slt, %add3A_159, %lt3A_164 : vector<16xi32>
        %gt3A = vector.broadcast %sub3A_128 : i32 to vector<16xi32>
        %gt3A_166 = arith.cmpi sgt, %add3A_159, %gt3A : vector<16xi32>
        %or3A = arith.ori %lt3A_165, %gt3A_166 : vector<16xi1>
        %and3A_167 = arith.andi %and3A_163, %or3A : vector<16xi1>
        %shift_right_arithmetic3A = arith.constant 7 : i32
        %shift_right_arithmetic3A_168 = arith.shrsi %min3A_157, %shift_right_arithmetic3A : i32
        %and3A_169 = arith.constant 127 : i32
        %and3A_170 = arith.andi %min3A_157, %and3A_169 : i32
        %get3A_171 = arith.index_cast %shift_right_arithmetic3A_168 : i32 to index
        %get3A_172 = arith.index_cast %and3A_170 : i32 to index
        %get3A_173 = tpu.vector_load %arg7[%get3A_171, %get3A_172] {strides = array<i32>} : memref<32x128xf32, #tpu.memory_space<vmem>>, vector<1x16xf32>,
        %get3A_174 = vector.shape_cast %get3A_173 : vector<1x16xf32> to vector<16xf32>
        %jit3A_175 = arith.constant 1.000000e+00 : f32
        %broadcast_in_dim3A_176 = vector.broadcast %jit3A_175 : f32 to vector<16xf32>
        %select_n3A_177 = arith.select %and3A_167, %broadcast_in_dim3A_176, %get3A_174 : vector<16xi1>, vector<16xf32>
        %swap3A = arith.index_cast %shift_right_arithmetic3A_168 : i32 to index
        %swap3A_178 = arith.index_cast %and3A_170 : i32 to index
        %swap3A_179 = tpu.vector_load %arg7[%swap3A, %swap3A_178] {strides = array<i32>} : memref<32x128xf32, #tpu.memory_space<vmem>>, vector<1x16xf32>,
        %swap3A_180 = vector.shape_cast %swap3A_179 : vector<1x16xf32> to vector<16xf32>
        %swap3A_181 = vector.shape_cast %select_n3A_177 : vector<16xf32> to vector<1x16xf32>
        tpu.vector_store %arg7[%swap3A, %swap3A_178], %swap3A_181 {strides = array<i32>} : memref<32x128xf32, #tpu.memory_space<vmem>>, vector<1x16xf32>,
        %add3A_182 = arith.constant 16 : i32
        %add3A_183 = arith.addi %min3A_153, %add3A_182 : i32
        %min3A_184 = arith.constant 4080 : i32
        %min3A_185 = arith.minsi %add3A_183, %min3A_184 : i32
        %add3A_186 = vector.broadcast %min3A_185 : i32 to vector<16xi32>
        %add3A_187 = arith.addi %iota3A, %add3A_186 : vector<16xi32>
        %ge3A_188 = vector.broadcast %sub3A_120 : i32 to vector<16xi32>
        %ge3A_189 = arith.cmpi sge, %add3A_187, %ge3A_188 : vector<16xi32>
        %le3A_190 = vector.broadcast %sub3A_126 : i32 to vector<16xi32>
        %le3A_191 = arith.cmpi sle, %add3A_187, %le3A_190 : vector<16xi32>
        %and3A_192 = arith.andi %ge3A_189, %le3A_191 : vector<16xi1>
        %lt3A_193 = vector.broadcast %sub3A_127 : i32 to vector<16xi32>
        %lt3A_194 = arith.cmpi slt, %add3A_187, %lt3A_193 : vector<16xi32>
        %gt3A_195 = vector.broadcast %sub3A_128 : i32 to vector<16xi32>
        %gt3A_196 = arith.cmpi sgt, %add3A_187, %gt3A_195 : vector<16xi32>
        %or3A_197 = arith.ori %lt3A_194, %gt3A_196 : vector<16xi1>
        %and3A_198 = arith.andi %and3A_192, %or3A_197 : vector<16xi1>
        %shift_right_arithmetic3A_199 = arith.constant 7 : i32
        %shift_right_arithmetic3A_200 = arith.shrsi %min3A_185, %shift_right_arithmetic3A_199 : i32
        %and3A_201 = arith.constant 127 : i32
        %and3A_202 = arith.andi %min3A_185, %and3A_201 : i32
        %get3A_203 = arith.index_cast %shift_right_arithmetic3A_200 : i32 to index
        %get3A_204 = arith.index_cast %and3A_202 : i32 to index
        %get3A_205 = tpu.vector_load %arg7[%get3A_203, %get3A_204] {strides = array<i32>} : memref<32x128xf32, #tpu.memory_space<vmem>>, vector<1x16xf32>,
        %get3A_206 = vector.shape_cast %get3A_205 : vector<1x16xf32> to vector<16xf32>
        %jit3A_207 = arith.constant 1.000000e+00 : f32
        %broadcast_in_dim3A_208 = vector.broadcast %jit3A_207 : f32 to vector<16xf32>
        %select_n3A_209 = arith.select %and3A_198, %broadcast_in_dim3A_208, %get3A_206 : vector<16xi1>, vector<16xf32>
        %swap3A_210 = arith.index_cast %shift_right_arithmetic3A_200 : i32 to index
        %swap3A_211 = arith.index_cast %and3A_202 : i32 to index
        %swap3A_212 = tpu.vector_load %arg7[%swap3A_210, %swap3A_211] {strides = array<i32>} : memref<32x128xf32, #tpu.memory_space<vmem>>, vector<1x16xf32>,
        %swap3A_213 = vector.shape_cast %swap3A_212 : vector<1x16xf32> to vector<16xf32>
        %swap3A_214 = vector.shape_cast %select_n3A_209 : vector<16xf32> to vector<1x16xf32>
        tpu.vector_store %arg7[%swap3A_210, %swap3A_211], %swap3A_214 {strides = array<i32>} : memref<32x128xf32, #tpu.memory_space<vmem>>, vector<1x16xf32>,
        %add3A_215 = arith.constant 32 : i32
        %add3A_216 = arith.addi %min3A_153, %add3A_215 : i32
        %min3A_217 = arith.constant 4080 : i32
        %min3A_218 = arith.minsi %add3A_216, %min3A_217 : i32
        %add3A_219 = vector.broadcast %min3A_218 : i32 to vector<16xi32>
        %add3A_220 = arith.addi %iota3A, %add3A_219 : vector<16xi32>
        %ge3A_221 = vector.broadcast %sub3A_120 : i32 to vector<16xi32>
        %ge3A_222 = arith.cmpi sge, %add3A_220, %ge3A_221 : vector<16xi32>
        %le3A_223 = vector.broadcast %sub3A_126 : i32 to vector<16xi32>
        %le3A_224 = arith.cmpi sle, %add3A_220, %le3A_223 : vector<16xi32>
        %and3A_225 = arith.andi %ge3A_222, %le3A_224 : vector<16xi1>
        %lt3A_226 = vector.broadcast %sub3A_127 : i32 to vector<16xi32>
        %lt3A_227 = arith.cmpi slt, %add3A_220, %lt3A_226 : vector<16xi32>
        %gt3A_228 = vector.broadcast %sub3A_128 : i32 to vector<16xi32>
        %gt3A_229 = arith.cmpi sgt, %add3A_220, %gt3A_228 : vector<16xi32>
        %or3A_230 = arith.ori %lt3A_227, %gt3A_229 : vector<16xi1>
        %and3A_231 = arith.andi %and3A_225, %or3A_230 : vector<16xi1>
        %shift_right_arithmetic3A_232 = arith.constant 7 : i32
        %shift_right_arithmetic3A_233 = arith.shrsi %min3A_218, %shift_right_arithmetic3A_232 : i32
        %and3A_234 = arith.constant 127 : i32
        %and3A_235 = arith.andi %min3A_218, %and3A_234 : i32
        %get3A_236 = arith.index_cast %shift_right_arithmetic3A_233 : i32 to index
        %get3A_237 = arith.index_cast %and3A_235 : i32 to index
        %get3A_238 = tpu.vector_load %arg7[%get3A_236, %get3A_237] {strides = array<i32>} : memref<32x128xf32, #tpu.memory_space<vmem>>, vector<1x16xf32>,
        %get3A_239 = vector.shape_cast %get3A_238 : vector<1x16xf32> to vector<16xf32>
        %jit3A_240 = arith.constant 1.000000e+00 : f32
        %broadcast_in_dim3A_241 = vector.broadcast %jit3A_240 : f32 to vector<16xf32>
        %select_n3A_242 = arith.select %and3A_231, %broadcast_in_dim3A_241, %get3A_239 : vector<16xi1>, vector<16xf32>
        %swap3A_243 = arith.index_cast %shift_right_arithmetic3A_233 : i32 to index
        %swap3A_244 = arith.index_cast %and3A_235 : i32 to index
        %swap3A_245 = tpu.vector_load %arg7[%swap3A_243, %swap3A_244] {strides = array<i32>} : memref<32x128xf32, #tpu.memory_space<vmem>>, vector<1x16xf32>,
        %swap3A_246 = vector.shape_cast %swap3A_245 : vector<1x16xf32> to vector<16xf32>
        %swap3A_247 = vector.shape_cast %select_n3A_242 : vector<16xf32> to vector<1x16xf32>
        tpu.vector_store %arg7[%swap3A_243, %swap3A_244], %swap3A_247 {strides = array<i32>} : memref<32x128xf32, #tpu.memory_space<vmem>>, vector<1x16xf32>,
        %add3A_248 = arith.constant 48 : i32
        %add3A_249 = arith.addi %min3A_153, %add3A_248 : i32
        %min3A_250 = arith.constant 4080 : i32
        %min3A_251 = arith.minsi %add3A_249, %min3A_250 : i32
        %add3A_252 = vector.broadcast %min3A_251 : i32 to vector<16xi32>
        %add3A_253 = arith.addi %iota3A, %add3A_252 : vector<16xi32>
        %ge3A_254 = vector.broadcast %sub3A_120 : i32 to vector<16xi32>
        %ge3A_255 = arith.cmpi sge, %add3A_253, %ge3A_254 : vector<16xi32>
        %le3A_256 = vector.broadcast %sub3A_126 : i32 to vector<16xi32>
        %le3A_257 = arith.cmpi sle, %add3A_253, %le3A_256 : vector<16xi32>
        %and3A_258 = arith.andi %ge3A_255, %le3A_257 : vector<16xi1>
        %lt3A_259 = vector.broadcast %sub3A_127 : i32 to vector<16xi32>
        %lt3A_260 = arith.cmpi slt, %add3A_253, %lt3A_259 : vector<16xi32>
        %gt3A_261 = vector.broadcast %sub3A_128 : i32 to vector<16xi32>
        %gt3A_262 = arith.cmpi sgt, %add3A_253, %gt3A_261 : vector<16xi32>
        %or3A_263 = arith.ori %lt3A_260, %gt3A_262 : vector<16xi1>
        %and3A_264 = arith.andi %and3A_258, %or3A_263 : vector<16xi1>
        %shift_right_arithmetic3A_265 = arith.constant 7 : i32
        %shift_right_arithmetic3A_266 = arith.shrsi %min3A_251, %shift_right_arithmetic3A_265 : i32
        %and3A_267 = arith.constant 127 : i32
        %and3A_268 = arith.andi %min3A_251, %and3A_267 : i32
        %get3A_269 = arith.index_cast %shift_right_arithmetic3A_266 : i32 to index
        %get3A_270 = arith.index_cast %and3A_268 : i32 to index
        %get3A_271 = tpu.vector_load %arg7[%get3A_269, %get3A_270] {strides = array<i32>} : memref<32x128xf32, #tpu.memory_space<vmem>>, vector<1x16xf32>,
        %get3A_272 = vector.shape_cast %get3A_271 : vector<1x16xf32> to vector<16xf32>
        %jit3A_273 = arith.constant 1.000000e+00 : f32
        %broadcast_in_dim3A_274 = vector.broadcast %jit3A_273 : f32 to vector<16xf32>
        %select_n3A_275 = arith.select %and3A_264, %broadcast_in_dim3A_274, %get3A_272 : vector<16xi1>, vector<16xf32>
        %swap3A_276 = arith.index_cast %shift_right_arithmetic3A_266 : i32 to index
        %swap3A_277 = arith.index_cast %and3A_268 : i32 to index
        %swap3A_278 = tpu.vector_load %arg7[%swap3A_276, %swap3A_277] {strides = array<i32>} : memref<32x128xf32, #tpu.memory_space<vmem>>, vector<1x16xf32>,
        %swap3A_279 = vector.shape_cast %swap3A_278 : vector<1x16xf32> to vector<16xf32>
        %swap3A_280 = vector.shape_cast %select_n3A_275 : vector<16xf32> to vector<1x16xf32>
        tpu.vector_store %arg7[%swap3A_276, %swap3A_277], %swap3A_280 {strides = array<i32>} : memref<32x128xf32, #tpu.memory_space<vmem>>, vector<1x16xf32>,
        %add3A_281 = arith.constant 64 : i32
        %add3A_282 = arith.addi %min3A_153, %add3A_281 : i32
        %min3A_283 = arith.constant 4080 : i32
        %min3A_284 = arith.minsi %add3A_282, %min3A_283 : i32
        %add3A_285 = vector.broadcast %min3A_284 : i32 to vector<16xi32>
        %add3A_286 = arith.addi %iota3A, %add3A_285 : vector<16xi32>
        %ge3A_287 = vector.broadcast %sub3A_120 : i32 to vector<16xi32>
        %ge3A_288 = arith.cmpi sge, %add3A_286, %ge3A_287 : vector<16xi32>
        %le3A_289 = vector.broadcast %sub3A_126 : i32 to vector<16xi32>
        %le3A_290 = arith.cmpi sle, %add3A_286, %le3A_289 : vector<16xi32>
        %and3A_291 = arith.andi %ge3A_288, %le3A_290 : vector<16xi1>
        %lt3A_292 = vector.broadcast %sub3A_127 : i32 to vector<16xi32>
        %lt3A_293 = arith.cmpi slt, %add3A_286, %lt3A_292 : vector<16xi32>
        %gt3A_294 = vector.broadcast %sub3A_128 : i32 to vector<16xi32>
        %gt3A_295 = arith.cmpi sgt, %add3A_286, %gt3A_294 : vector<16xi32>
        %or3A_296 = arith.ori %lt3A_293, %gt3A_295 : vector<16xi1>
        %and3A_297 = arith.andi %and3A_291, %or3A_296 : vector<16xi1>
        %shift_right_arithmetic3A_298 = arith.constant 7 : i32
        %shift_right_arithmetic3A_299 = arith.shrsi %min3A_284, %shift_right_arithmetic3A_298 : i32
        %and3A_300 = arith.constant 127 : i32
        %and3A_301 = arith.andi %min3A_284, %and3A_300 : i32
        %get3A_302 = arith.index_cast %shift_right_arithmetic3A_299 : i32 to index
        %get3A_303 = arith.index_cast %and3A_301 : i32 to index
        %get3A_304 = tpu.vector_load %arg7[%get3A_302, %get3A_303] {strides = array<i32>} : memref<32x128xf32, #tpu.memory_space<vmem>>, vector<1x16xf32>,
        %get3A_305 = vector.shape_cast %get3A_304 : vector<1x16xf32> to vector<16xf32>
        %jit3A_306 = arith.constant 1.000000e+00 : f32
        %broadcast_in_dim3A_307 = vector.broadcast %jit3A_306 : f32 to vector<16xf32>
        %select_n3A_308 = arith.select %and3A_297, %broadcast_in_dim3A_307, %get3A_305 : vector<16xi1>, vector<16xf32>
        %swap3A_309 = arith.index_cast %shift_right_arithmetic3A_299 : i32 to index
        %swap3A_310 = arith.index_cast %and3A_301 : i32 to index
        %swap3A_311 = tpu.vector_load %arg7[%swap3A_309, %swap3A_310] {strides = array<i32>} : memref<32x128xf32, #tpu.memory_space<vmem>>, vector<1x16xf32>,
        %swap3A_312 = vector.shape_cast %swap3A_311 : vector<1x16xf32> to vector<16xf32>
        %swap3A_313 = vector.shape_cast %select_n3A_308 : vector<16xf32> to vector<1x16xf32>
        tpu.vector_store %arg7[%swap3A_309, %swap3A_310], %swap3A_313 {strides = array<i32>} : memref<32x128xf32, #tpu.memory_space<vmem>>, vector<1x16xf32>,
        %add3A_314 = arith.constant 80 : i32
        %add3A_315 = arith.addi %min3A_153, %add3A_314 : i32
        %min3A_316 = arith.constant 4080 : i32
        %min3A_317 = arith.minsi %add3A_315, %min3A_316 : i32
        %add3A_318 = vector.broadcast %min3A_317 : i32 to vector<16xi32>
        %add3A_319 = arith.addi %iota3A, %add3A_318 : vector<16xi32>
        %ge3A_320 = vector.broadcast %sub3A_120 : i32 to vector<16xi32>
        %ge3A_321 = arith.cmpi sge, %add3A_319, %ge3A_320 : vector<16xi32>
        %le3A_322 = vector.broadcast %sub3A_126 : i32 to vector<16xi32>
        %le3A_323 = arith.cmpi sle, %add3A_319, %le3A_322 : vector<16xi32>
        %and3A_324 = arith.andi %ge3A_321, %le3A_323 : vector<16xi1>
        %lt3A_325 = vector.broadcast %sub3A_127 : i32 to vector<16xi32>
        %lt3A_326 = arith.cmpi slt, %add3A_319, %lt3A_325 : vector<16xi32>
        %gt3A_327 = vector.broadcast %sub3A_128 : i32 to vector<16xi32>
        %gt3A_328 = arith.cmpi sgt, %add3A_319, %gt3A_327 : vector<16xi32>
        %or3A_329 = arith.ori %lt3A_326, %gt3A_328 : vector<16xi1>
        %and3A_330 = arith.andi %and3A_324, %or3A_329 : vector<16xi1>
        %shift_right_arithmetic3A_331 = arith.constant 7 : i32
        %shift_right_arithmetic3A_332 = arith.shrsi %min3A_317, %shift_right_arithmetic3A_331 : i32
        %and3A_333 = arith.constant 127 : i32
        %and3A_334 = arith.andi %min3A_317, %and3A_333 : i32
        %get3A_335 = arith.index_cast %shift_right_arithmetic3A_332 : i32 to index
        %get3A_336 = arith.index_cast %and3A_334 : i32 to index
        %get3A_337 = tpu.vector_load %arg7[%get3A_335, %get3A_336] {strides = array<i32>} : memref<32x128xf32, #tpu.memory_space<vmem>>, vector<1x16xf32>,
        %get3A_338 = vector.shape_cast %get3A_337 : vector<1x16xf32> to vector<16xf32>
        %jit3A_339 = arith.constant 1.000000e+00 : f32
        %broadcast_in_dim3A_340 = vector.broadcast %jit3A_339 : f32 to vector<16xf32>
        %select_n3A_341 = arith.select %and3A_330, %broadcast_in_dim3A_340, %get3A_338 : vector<16xi1>, vector<16xf32>
        %swap3A_342 = arith.index_cast %shift_right_arithmetic3A_332 : i32 to index
        %swap3A_343 = arith.index_cast %and3A_334 : i32 to index
        %swap3A_344 = tpu.vector_load %arg7[%swap3A_342, %swap3A_343] {strides = array<i32>} : memref<32x128xf32, #tpu.memory_space<vmem>>, vector<1x16xf32>,
        %swap3A_345 = vector.shape_cast %swap3A_344 : vector<1x16xf32> to vector<16xf32>
        %swap3A_346 = vector.shape_cast %select_n3A_341 : vector<16xf32> to vector<1x16xf32>
        tpu.vector_store %arg7[%swap3A_342, %swap3A_343], %swap3A_346 {strides = array<i32>} : memref<32x128xf32, #tpu.memory_space<vmem>>, vector<1x16xf32>,
        %add3A_347 = arith.constant 96 : i32
        %add3A_348 = arith.addi %min3A_153, %add3A_347 : i32
        %min3A_349 = arith.constant 4080 : i32
        %min3A_350 = arith.minsi %add3A_348, %min3A_349 : i32
        %add3A_351 = vector.broadcast %min3A_350 : i32 to vector<16xi32>
        %add3A_352 = arith.addi %iota3A, %add3A_351 : vector<16xi32>
        %ge3A_353 = vector.broadcast %sub3A_120 : i32 to vector<16xi32>
        %ge3A_354 = arith.cmpi sge, %add3A_352, %ge3A_353 : vector<16xi32>
        %le3A_355 = vector.broadcast %sub3A_126 : i32 to vector<16xi32>
        %le3A_356 = arith.cmpi sle, %add3A_352, %le3A_355 : vector<16xi32>
        %and3A_357 = arith.andi %ge3A_354, %le3A_356 : vector<16xi1>
        %lt3A_358 = vector.broadcast %sub3A_127 : i32 to vector<16xi32>
        %lt3A_359 = arith.cmpi slt, %add3A_352, %lt3A_358 : vector<16xi32>
        %gt3A_360 = vector.broadcast %sub3A_128 : i32 to vector<16xi32>
        %gt3A_361 = arith.cmpi sgt, %add3A_352, %gt3A_360 : vector<16xi32>
        %or3A_362 = arith.ori %lt3A_359, %gt3A_361 : vector<16xi1>
        %and3A_363 = arith.andi %and3A_357, %or3A_362 : vector<16xi1>
        %shift_right_arithmetic3A_364 = arith.constant 7 : i32
        %shift_right_arithmetic3A_365 = arith.shrsi %min3A_350, %shift_right_arithmetic3A_364 : i32
        %and3A_366 = arith.constant 127 : i32
        %and3A_367 = arith.andi %min3A_350, %and3A_366 : i32
        %get3A_368 = arith.index_cast %shift_right_arithmetic3A_365 : i32 to index
        %get3A_369 = arith.index_cast %and3A_367 : i32 to index
        %get3A_370 = tpu.vector_load %arg7[%get3A_368, %get3A_369] {strides = array<i32>} : memref<32x128xf32, #tpu.memory_space<vmem>>, vector<1x16xf32>,
        %get3A_371 = vector.shape_cast %get3A_370 : vector<1x16xf32> to vector<16xf32>
        %jit3A_372 = arith.constant 1.000000e+00 : f32
        %broadcast_in_dim3A_373 = vector.broadcast %jit3A_372 : f32 to vector<16xf32>
        %select_n3A_374 = arith.select %and3A_363, %broadcast_in_dim3A_373, %get3A_371 : vector<16xi1>, vector<16xf32>
        %swap3A_375 = arith.index_cast %shift_right_arithmetic3A_365 : i32 to index
        %swap3A_376 = arith.index_cast %and3A_367 : i32 to index
        %swap3A_377 = tpu.vector_load %arg7[%swap3A_375, %swap3A_376] {strides = array<i32>} : memref<32x128xf32, #tpu.memory_space<vmem>>, vector<1x16xf32>,
        %swap3A_378 = vector.shape_cast %swap3A_377 : vector<1x16xf32> to vector<16xf32>
        %swap3A_379 = vector.shape_cast %select_n3A_374 : vector<16xf32> to vector<1x16xf32>
        tpu.vector_store %arg7[%swap3A_375, %swap3A_376], %swap3A_379 {strides = array<i32>} : memref<32x128xf32, #tpu.memory_space<vmem>>, vector<1x16xf32>,
        %add3A_380 = arith.constant 112 : i32
        %add3A_381 = arith.addi %min3A_153, %add3A_380 : i32
        %min3A_382 = arith.constant 4080 : i32
        %min3A_383 = arith.minsi %add3A_381, %min3A_382 : i32
        %add3A_384 = vector.broadcast %min3A_383 : i32 to vector<16xi32>
        %add3A_385 = arith.addi %iota3A, %add3A_384 : vector<16xi32>
        %ge3A_386 = vector.broadcast %sub3A_120 : i32 to vector<16xi32>
        %ge3A_387 = arith.cmpi sge, %add3A_385, %ge3A_386 : vector<16xi32>
        %le3A_388 = vector.broadcast %sub3A_126 : i32 to vector<16xi32>
        %le3A_389 = arith.cmpi sle, %add3A_385, %le3A_388 : vector<16xi32>
        %and3A_390 = arith.andi %ge3A_387, %le3A_389 : vector<16xi1>
        %lt3A_391 = vector.broadcast %sub3A_127 : i32 to vector<16xi32>
        %lt3A_392 = arith.cmpi slt, %add3A_385, %lt3A_391 : vector<16xi32>
        %gt3A_393 = vector.broadcast %sub3A_128 : i32 to vector<16xi32>
        %gt3A_394 = arith.cmpi sgt, %add3A_385, %gt3A_393 : vector<16xi32>
        %or3A_395 = arith.ori %lt3A_392, %gt3A_394 : vector<16xi1>
        %and3A_396 = arith.andi %and3A_390, %or3A_395 : vector<16xi1>
        %shift_right_arithmetic3A_397 = arith.constant 7 : i32
        %shift_right_arithmetic3A_398 = arith.shrsi %min3A_383, %shift_right_arithmetic3A_397 : i32
        %and3A_399 = arith.constant 127 : i32
        %and3A_400 = arith.andi %min3A_383, %and3A_399 : i32
        %get3A_401 = arith.index_cast %shift_right_arithmetic3A_398 : i32 to index
        %get3A_402 = arith.index_cast %and3A_400 : i32 to index
        %get3A_403 = tpu.vector_load %arg7[%get3A_401, %get3A_402] {strides = array<i32>} : memref<32x128xf32, #tpu.memory_space<vmem>>, vector<1x16xf32>,
        %get3A_404 = vector.shape_cast %get3A_403 : vector<1x16xf32> to vector<16xf32>
        %jit3A_405 = arith.constant 1.000000e+00 : f32
        %broadcast_in_dim3A_406 = vector.broadcast %jit3A_405 : f32 to vector<16xf32>
        %select_n3A_407 = arith.select %and3A_396, %broadcast_in_dim3A_406, %get3A_404 : vector<16xi1>, vector<16xf32>
        %swap3A_408 = arith.index_cast %shift_right_arithmetic3A_398 : i32 to index
        %swap3A_409 = arith.index_cast %and3A_400 : i32 to index
        %swap3A_410 = tpu.vector_load %arg7[%swap3A_408, %swap3A_409] {strides = array<i32>} : memref<32x128xf32, #tpu.memory_space<vmem>>, vector<1x16xf32>,
        %swap3A_411 = vector.shape_cast %swap3A_410 : vector<1x16xf32> to vector<16xf32>
        %swap3A_412 = vector.shape_cast %select_n3A_407 : vector<16xf32> to vector<1x16xf32>
        tpu.vector_store %arg7[%swap3A_408, %swap3A_409], %swap3A_412 {strides = array<i32>} : memref<32x128xf32, #tpu.memory_space<vmem>>, vector<1x16xf32>,
        %add3A_413 = arith.constant 128 : i32
        %add3A_414 = arith.addi %min3A_153, %add3A_413 : i32
        %min3A_415 = arith.constant 4080 : i32
        %min3A_416 = arith.minsi %add3A_414, %min3A_415 : i32
        %add3A_417 = vector.broadcast %min3A_416 : i32 to vector<16xi32>
        %add3A_418 = arith.addi %iota3A, %add3A_417 : vector<16xi32>
        %ge3A_419 = vector.broadcast %sub3A_120 : i32 to vector<16xi32>
        %ge3A_420 = arith.cmpi sge, %add3A_418, %ge3A_419 : vector<16xi32>
        %le3A_421 = vector.broadcast %sub3A_126 : i32 to vector<16xi32>
        %le3A_422 = arith.cmpi sle, %add3A_418, %le3A_421 : vector<16xi32>
        %and3A_423 = arith.andi %ge3A_420, %le3A_422 : vector<16xi1>
        %lt3A_424 = vector.broadcast %sub3A_127 : i32 to vector<16xi32>
        %lt3A_425 = arith.cmpi slt, %add3A_418, %lt3A_424 : vector<16xi32>
        %gt3A_426 = vector.broadcast %sub3A_128 : i32 to vector<16xi32>
        %gt3A_427 = arith.cmpi sgt, %add3A_418, %gt3A_426 : vector<16xi32>
        %or3A_428 = arith.ori %lt3A_425, %gt3A_427 : vector<16xi1>
        %and3A_429 = arith.andi %and3A_423, %or3A_428 : vector<16xi1>
        %shift_right_arithmetic3A_430 = arith.constant 7 : i32
        %shift_right_arithmetic3A_431 = arith.shrsi %min3A_416, %shift_right_arithmetic3A_430 : i32
        %and3A_432 = arith.constant 127 : i32
        %and3A_433 = arith.andi %min3A_416, %and3A_432 : i32
        %get3A_434 = arith.index_cast %shift_right_arithmetic3A_431 : i32 to index
        %get3A_435 = arith.index_cast %and3A_433 : i32 to index
        %get3A_436 = tpu.vector_load %arg7[%get3A_434, %get3A_435] {strides = array<i32>} : memref<32x128xf32, #tpu.memory_space<vmem>>, vector<1x16xf32>,
        %get3A_437 = vector.shape_cast %get3A_436 : vector<1x16xf32> to vector<16xf32>
        %jit3A_438 = arith.constant 1.000000e+00 : f32
        %broadcast_in_dim3A_439 = vector.broadcast %jit3A_438 : f32 to vector<16xf32>
        %select_n3A_440 = arith.select %and3A_429, %broadcast_in_dim3A_439, %get3A_437 : vector<16xi1>, vector<16xf32>
        %swap3A_441 = arith.index_cast %shift_right_arithmetic3A_431 : i32 to index
        %swap3A_442 = arith.index_cast %and3A_433 : i32 to index
        %swap3A_443 = tpu.vector_load %arg7[%swap3A_441, %swap3A_442] {strides = array<i32>} : memref<32x128xf32, #tpu.memory_space<vmem>>, vector<1x16xf32>,
        %swap3A_444 = vector.shape_cast %swap3A_443 : vector<1x16xf32> to vector<16xf32>
        %swap3A_445 = vector.shape_cast %select_n3A_440 : vector<16xf32> to vector<1x16xf32>
        tpu.vector_store %arg7[%swap3A_441, %swap3A_442], %swap3A_445 {strides = array<i32>} : memref<32x128xf32, #tpu.memory_space<vmem>>, vector<1x16xf32>,
        %add3A_446 = arith.constant 144 : i32
        %add3A_447 = arith.addi %min3A_153, %add3A_446 : i32
        %min3A_448 = arith.constant 4080 : i32
        %min3A_449 = arith.minsi %add3A_447, %min3A_448 : i32
        %add3A_450 = vector.broadcast %min3A_449 : i32 to vector<16xi32>
        %add3A_451 = arith.addi %iota3A, %add3A_450 : vector<16xi32>
        %ge3A_452 = vector.broadcast %sub3A_120 : i32 to vector<16xi32>
        %ge3A_453 = arith.cmpi sge, %add3A_451, %ge3A_452 : vector<16xi32>
        %le3A_454 = vector.broadcast %sub3A_126 : i32 to vector<16xi32>
        %le3A_455 = arith.cmpi sle, %add3A_451, %le3A_454 : vector<16xi32>
        %and3A_456 = arith.andi %ge3A_453, %le3A_455 : vector<16xi1>
        %lt3A_457 = vector.broadcast %sub3A_127 : i32 to vector<16xi32>
        %lt3A_458 = arith.cmpi slt, %add3A_451, %lt3A_457 : vector<16xi32>
        %gt3A_459 = vector.broadcast %sub3A_128 : i32 to vector<16xi32>
        %gt3A_460 = arith.cmpi sgt, %add3A_451, %gt3A_459 : vector<16xi32>
        %or3A_461 = arith.ori %lt3A_458, %gt3A_460 : vector<16xi1>
        %and3A_462 = arith.andi %and3A_456, %or3A_461 : vector<16xi1>
        %shift_right_arithmetic3A_463 = arith.constant 7 : i32
        %shift_right_arithmetic3A_464 = arith.shrsi %min3A_449, %shift_right_arithmetic3A_463 : i32
        %and3A_465 = arith.constant 127 : i32
        %and3A_466 = arith.andi %min3A_449, %and3A_465 : i32
        %get3A_467 = arith.index_cast %shift_right_arithmetic3A_464 : i32 to index
        %get3A_468 = arith.index_cast %and3A_466 : i32 to index
        %get3A_469 = tpu.vector_load %arg7[%get3A_467, %get3A_468] {strides = array<i32>} : memref<32x128xf32, #tpu.memory_space<vmem>>, vector<1x16xf32>,
        %get3A_470 = vector.shape_cast %get3A_469 : vector<1x16xf32> to vector<16xf32>
        %jit3A_471 = arith.constant 1.000000e+00 : f32
        %broadcast_in_dim3A_472 = vector.broadcast %jit3A_471 : f32 to vector<16xf32>
        %select_n3A_473 = arith.select %and3A_462, %broadcast_in_dim3A_472, %get3A_470 : vector<16xi1>, vector<16xf32>
        %swap3A_474 = arith.index_cast %shift_right_arithmetic3A_464 : i32 to index
        %swap3A_475 = arith.index_cast %and3A_466 : i32 to index
        %swap3A_476 = tpu.vector_load %arg7[%swap3A_474, %swap3A_475] {strides = array<i32>} : memref<32x128xf32, #tpu.memory_space<vmem>>, vector<1x16xf32>,
        %swap3A_477 = vector.shape_cast %swap3A_476 : vector<1x16xf32> to vector<16xf32>
        %swap3A_478 = vector.shape_cast %select_n3A_473 : vector<16xf32> to vector<1x16xf32>
        tpu.vector_store %arg7[%swap3A_474, %swap3A_475], %swap3A_478 {strides = array<i32>} : memref<32x128xf32, #tpu.memory_space<vmem>>, vector<1x16xf32>,
        %add3A_479 = arith.constant 160 : i32
        %add3A_480 = arith.addi %min3A_153, %add3A_479 : i32
        %min3A_481 = arith.constant 4080 : i32
        %min3A_482 = arith.minsi %add3A_480, %min3A_481 : i32
        %add3A_483 = vector.broadcast %min3A_482 : i32 to vector<16xi32>
        %add3A_484 = arith.addi %iota3A, %add3A_483 : vector<16xi32>
        %ge3A_485 = vector.broadcast %sub3A_120 : i32 to vector<16xi32>
        %ge3A_486 = arith.cmpi sge, %add3A_484, %ge3A_485 : vector<16xi32>
        %le3A_487 = vector.broadcast %sub3A_126 : i32 to vector<16xi32>
        %le3A_488 = arith.cmpi sle, %add3A_484, %le3A_487 : vector<16xi32>
        %and3A_489 = arith.andi %ge3A_486, %le3A_488 : vector<16xi1>
        %lt3A_490 = vector.broadcast %sub3A_127 : i32 to vector<16xi32>
        %lt3A_491 = arith.cmpi slt, %add3A_484, %lt3A_490 : vector<16xi32>
        %gt3A_492 = vector.broadcast %sub3A_128 : i32 to vector<16xi32>
        %gt3A_493 = arith.cmpi sgt, %add3A_484, %gt3A_492 : vector<16xi32>
        %or3A_494 = arith.ori %lt3A_491, %gt3A_493 : vector<16xi1>
        %and3A_495 = arith.andi %and3A_489, %or3A_494 : vector<16xi1>
        %shift_right_arithmetic3A_496 = arith.constant 7 : i32
        %shift_right_arithmetic3A_497 = arith.shrsi %min3A_482, %shift_right_arithmetic3A_496 : i32
        %and3A_498 = arith.constant 127 : i32
        %and3A_499 = arith.andi %min3A_482, %and3A_498 : i32
        %get3A_500 = arith.index_cast %shift_right_arithmetic3A_497 : i32 to index
        %get3A_501 = arith.index_cast %and3A_499 : i32 to index
        %get3A_502 = tpu.vector_load %arg7[%get3A_500, %get3A_501] {strides = array<i32>} : memref<32x128xf32, #tpu.memory_space<vmem>>, vector<1x16xf32>,
        %get3A_503 = vector.shape_cast %get3A_502 : vector<1x16xf32> to vector<16xf32>
        %jit3A_504 = arith.constant 1.000000e+00 : f32
        %broadcast_in_dim3A_505 = vector.broadcast %jit3A_504 : f32 to vector<16xf32>
        %select_n3A_506 = arith.select %and3A_495, %broadcast_in_dim3A_505, %get3A_503 : vector<16xi1>, vector<16xf32>
        %swap3A_507 = arith.index_cast %shift_right_arithmetic3A_497 : i32 to index
        %swap3A_508 = arith.index_cast %and3A_499 : i32 to index
        %swap3A_509 = tpu.vector_load %arg7[%swap3A_507, %swap3A_508] {strides = array<i32>} : memref<32x128xf32, #tpu.memory_space<vmem>>, vector<1x16xf32>,
        %swap3A_510 = vector.shape_cast %swap3A_509 : vector<1x16xf32> to vector<16xf32>
        %swap3A_511 = vector.shape_cast %select_n3A_506 : vector<16xf32> to vector<1x16xf32>
        tpu.vector_store %arg7[%swap3A_507, %swap3A_508], %swap3A_511 {strides = array<i32>} : memref<32x128xf32, #tpu.memory_space<vmem>>, vector<1x16xf32>,
        %add3A_512 = arith.constant 176 : i32
        %add3A_513 = arith.addi %min3A_153, %add3A_512 : i32
        %min3A_514 = arith.constant 4080 : i32
        %min3A_515 = arith.minsi %add3A_513, %min3A_514 : i32
        %add3A_516 = vector.broadcast %min3A_515 : i32 to vector<16xi32>
        %add3A_517 = arith.addi %iota3A, %add3A_516 : vector<16xi32>
        %ge3A_518 = vector.broadcast %sub3A_120 : i32 to vector<16xi32>
        %ge3A_519 = arith.cmpi sge, %add3A_517, %ge3A_518 : vector<16xi32>
        %le3A_520 = vector.broadcast %sub3A_126 : i32 to vector<16xi32>
        %le3A_521 = arith.cmpi sle, %add3A_517, %le3A_520 : vector<16xi32>
        %and3A_522 = arith.andi %ge3A_519, %le3A_521 : vector<16xi1>
        %lt3A_523 = vector.broadcast %sub3A_127 : i32 to vector<16xi32>
        %lt3A_524 = arith.cmpi slt, %add3A_517, %lt3A_523 : vector<16xi32>
        %gt3A_525 = vector.broadcast %sub3A_128 : i32 to vector<16xi32>
        %gt3A_526 = arith.cmpi sgt, %add3A_517, %gt3A_525 : vector<16xi32>
        %or3A_527 = arith.ori %lt3A_524, %gt3A_526 : vector<16xi1>
        %and3A_528 = arith.andi %and3A_522, %or3A_527 : vector<16xi1>
        %shift_right_arithmetic3A_529 = arith.constant 7 : i32
        %shift_right_arithmetic3A_530 = arith.shrsi %min3A_515, %shift_right_arithmetic3A_529 : i32
        %and3A_531 = arith.constant 127 : i32
        %and3A_532 = arith.andi %min3A_515, %and3A_531 : i32
        %get3A_533 = arith.index_cast %shift_right_arithmetic3A_530 : i32 to index
        %get3A_534 = arith.index_cast %and3A_532 : i32 to index
        %get3A_535 = tpu.vector_load %arg7[%get3A_533, %get3A_534] {strides = array<i32>} : memref<32x128xf32, #tpu.memory_space<vmem>>, vector<1x16xf32>,
        %get3A_536 = vector.shape_cast %get3A_535 : vector<1x16xf32> to vector<16xf32>
        %jit3A_537 = arith.constant 1.000000e+00 : f32
        %broadcast_in_dim3A_538 = vector.broadcast %jit3A_537 : f32 to vector<16xf32>
        %select_n3A_539 = arith.select %and3A_528, %broadcast_in_dim3A_538, %get3A_536 : vector<16xi1>, vector<16xf32>
        %swap3A_540 = arith.index_cast %shift_right_arithmetic3A_530 : i32 to index
        %swap3A_541 = arith.index_cast %and3A_532 : i32 to index
        %swap3A_542 = tpu.vector_load %arg7[%swap3A_540, %swap3A_541] {strides = array<i32>} : memref<32x128xf32, #tpu.memory_space<vmem>>, vector<1x16xf32>,
        %swap3A_543 = vector.shape_cast %swap3A_542 : vector<1x16xf32> to vector<16xf32>
        %swap3A_544 = vector.shape_cast %select_n3A_539 : vector<16xf32> to vector<1x16xf32>
        tpu.vector_store %arg7[%swap3A_540, %swap3A_541], %swap3A_544 {strides = array<i32>} : memref<32x128xf32, #tpu.memory_space<vmem>>, vector<1x16xf32>,
        %add3A_545 = arith.constant 192 : i32
        %add3A_546 = arith.addi %min3A_153, %add3A_545 : i32
        %min3A_547 = arith.constant 4080 : i32
        %min3A_548 = arith.minsi %add3A_546, %min3A_547 : i32
        %add3A_549 = vector.broadcast %min3A_548 : i32 to vector<16xi32>
        %add3A_550 = arith.addi %iota3A, %add3A_549 : vector<16xi32>
        %ge3A_551 = vector.broadcast %sub3A_120 : i32 to vector<16xi32>
        %ge3A_552 = arith.cmpi sge, %add3A_550, %ge3A_551 : vector<16xi32>
        %le3A_553 = vector.broadcast %sub3A_126 : i32 to vector<16xi32>
        %le3A_554 = arith.cmpi sle, %add3A_550, %le3A_553 : vector<16xi32>
        %and3A_555 = arith.andi %ge3A_552, %le3A_554 : vector<16xi1>
        %lt3A_556 = vector.broadcast %sub3A_127 : i32 to vector<16xi32>
        %lt3A_557 = arith.cmpi slt, %add3A_550, %lt3A_556 : vector<16xi32>
        %gt3A_558 = vector.broadcast %sub3A_128 : i32 to vector<16xi32>
        %gt3A_559 = arith.cmpi sgt, %add3A_550, %gt3A_558 : vector<16xi32>
        %or3A_560 = arith.ori %lt3A_557, %gt3A_559 : vector<16xi1>
        %and3A_561 = arith.andi %and3A_555, %or3A_560 : vector<16xi1>
        %shift_right_arithmetic3A_562 = arith.constant 7 : i32
        %shift_right_arithmetic3A_563 = arith.shrsi %min3A_548, %shift_right_arithmetic3A_562 : i32
        %and3A_564 = arith.constant 127 : i32
        %and3A_565 = arith.andi %min3A_548, %and3A_564 : i32
        %get3A_566 = arith.index_cast %shift_right_arithmetic3A_563 : i32 to index
        %get3A_567 = arith.index_cast %and3A_565 : i32 to index
        %get3A_568 = tpu.vector_load %arg7[%get3A_566, %get3A_567] {strides = array<i32>} : memref<32x128xf32, #tpu.memory_space<vmem>>, vector<1x16xf32>,
        %get3A_569 = vector.shape_cast %get3A_568 : vector<1x16xf32> to vector<16xf32>
        %jit3A_570 = arith.constant 1.000000e+00 : f32
        %broadcast_in_dim3A_571 = vector.broadcast %jit3A_570 : f32 to vector<16xf32>
        %select_n3A_572 = arith.select %and3A_561, %broadcast_in_dim3A_571, %get3A_569 : vector<16xi1>, vector<16xf32>
        %swap3A_573 = arith.index_cast %shift_right_arithmetic3A_563 : i32 to index
        %swap3A_574 = arith.index_cast %and3A_565 : i32 to index
        %swap3A_575 = tpu.vector_load %arg7[%swap3A_573, %swap3A_574] {strides = array<i32>} : memref<32x128xf32, #tpu.memory_space<vmem>>, vector<1x16xf32>,
        %swap3A_576 = vector.shape_cast %swap3A_575 : vector<1x16xf32> to vector<16xf32>
        %swap3A_577 = vector.shape_cast %select_n3A_572 : vector<16xf32> to vector<1x16xf32>
        tpu.vector_store %arg7[%swap3A_573, %swap3A_574], %swap3A_577 {strides = array<i32>} : memref<32x128xf32, #tpu.memory_space<vmem>>, vector<1x16xf32>,
        %add3A_578 = arith.constant 208 : i32
        %add3A_579 = arith.addi %min3A_153, %add3A_578 : i32
        %min3A_580 = arith.constant 4080 : i32
        %min3A_581 = arith.minsi %add3A_579, %min3A_580 : i32
        %add3A_582 = vector.broadcast %min3A_581 : i32 to vector<16xi32>
        %add3A_583 = arith.addi %iota3A, %add3A_582 : vector<16xi32>
        %ge3A_584 = vector.broadcast %sub3A_120 : i32 to vector<16xi32>
        %ge3A_585 = arith.cmpi sge, %add3A_583, %ge3A_584 : vector<16xi32>
        %le3A_586 = vector.broadcast %sub3A_126 : i32 to vector<16xi32>
        %le3A_587 = arith.cmpi sle, %add3A_583, %le3A_586 : vector<16xi32>
        %and3A_588 = arith.andi %ge3A_585, %le3A_587 : vector<16xi1>
        %lt3A_589 = vector.broadcast %sub3A_127 : i32 to vector<16xi32>
        %lt3A_590 = arith.cmpi slt, %add3A_583, %lt3A_589 : vector<16xi32>
        %gt3A_591 = vector.broadcast %sub3A_128 : i32 to vector<16xi32>
        %gt3A_592 = arith.cmpi sgt, %add3A_583, %gt3A_591 : vector<16xi32>
        %or3A_593 = arith.ori %lt3A_590, %gt3A_592 : vector<16xi1>
        %and3A_594 = arith.andi %and3A_588, %or3A_593 : vector<16xi1>
        %shift_right_arithmetic3A_595 = arith.constant 7 : i32
        %shift_right_arithmetic3A_596 = arith.shrsi %min3A_581, %shift_right_arithmetic3A_595 : i32
        %and3A_597 = arith.constant 127 : i32
        %and3A_598 = arith.andi %min3A_581, %and3A_597 : i32
        %get3A_599 = arith.index_cast %shift_right_arithmetic3A_596 : i32 to index
        %get3A_600 = arith.index_cast %and3A_598 : i32 to index
        %get3A_601 = tpu.vector_load %arg7[%get3A_599, %get3A_600] {strides = array<i32>} : memref<32x128xf32, #tpu.memory_space<vmem>>, vector<1x16xf32>,
        %get3A_602 = vector.shape_cast %get3A_601 : vector<1x16xf32> to vector<16xf32>
        %jit3A_603 = arith.constant 1.000000e+00 : f32
        %broadcast_in_dim3A_604 = vector.broadcast %jit3A_603 : f32 to vector<16xf32>
        %select_n3A_605 = arith.select %and3A_594, %broadcast_in_dim3A_604, %get3A_602 : vector<16xi1>, vector<16xf32>
        %swap3A_606 = arith.index_cast %shift_right_arithmetic3A_596 : i32 to index
        %swap3A_607 = arith.index_cast %and3A_598 : i32 to index
        %swap3A_608 = tpu.vector_load %arg7[%swap3A_606, %swap3A_607] {strides = array<i32>} : memref<32x128xf32, #tpu.memory_space<vmem>>, vector<1x16xf32>,
        %swap3A_609 = vector.shape_cast %swap3A_608 : vector<1x16xf32> to vector<16xf32>
        %swap3A_610 = vector.shape_cast %select_n3A_605 : vector<16xf32> to vector<1x16xf32>
        tpu.vector_store %arg7[%swap3A_606, %swap3A_607], %swap3A_610 {strides = array<i32>} : memref<32x128xf32, #tpu.memory_space<vmem>>, vector<1x16xf32>,
        %mul3A_611 = arith.constant 5.000000e-01 : f32
        %mul3A_612 = arith.mulf %squeeze3A_27, %mul3A_611 : f32
        %max3A_613 = arith.constant 0.000000e+00 : f32
        %max3A_614 = arith.maximumf %mul3A_612, %max3A_613 : f32
        %convert_element_type3A_615 = arith.fptosi %max3A_614 : f32 to i32
        %convert_element_type3A_616 = arith.sitofp %convert_element_type3A_615 : i32 to f32
        %lt3A_617 = arith.cmpf olt, %convert_element_type3A_616, %max3A_614 : f32
        %convert_element_type3A_618 = arith.extui %lt3A_617 : i1 to i32
        %add3A_619 = arith.addi %convert_element_type3A_615, %convert_element_type3A_618 : i32
        %sub3A_620 = arith.constant 226.115234 : f32
        %sub3A_621 = arith.subf %squeeze3A_29, %sub3A_620 : f32
        %mul3A_622 = arith.constant 5.000000e-01 : f32
        %mul3A_623 = arith.mulf %sub3A_621, %mul3A_622 : f32
        %max3A_624 = arith.constant 0.000000e+00 : f32
        %max3A_625 = arith.maximumf %mul3A_623, %max3A_624 : f32
        %convert_element_type3A_626 = arith.fptosi %max3A_625 : f32 to i32
        %lt3A_627 = arith.constant 0.000000e+00 : f32
        %lt3A_628 = arith.cmpf olt, %mul3A_623, %lt3A_627 : f32
        %add3A_629 = arith.constant 1 : i32
        %add3A_630 = arith.addi %convert_element_type3A_626, %add3A_629 : i32
        %jit3A_631 = arith.constant 0 : i32
        %select_n3A_632 = arith.select %lt3A_628, %jit3A_631, %add3A_630 : i32
        %max3A_633 = arith.maxsi %add3A_619, %select_n3A_632 : i32
        %mul3A_634 = arith.constant 5.000000e-01 : f32
        %mul3A_635 = arith.mulf %squeeze3A_29, %mul3A_634 : f32
        %max3A_636 = arith.constant 0.000000e+00 : f32
        %max3A_637 = arith.maximumf %mul3A_635, %max3A_636 : f32
        %convert_element_type3A_638 = arith.fptosi %max3A_637 : f32 to i32
        %lt3A_639 = arith.constant 0.000000e+00 : f32
        %lt3A_640 = arith.cmpf olt, %mul3A_635, %lt3A_639 : f32
        %jit3A_641 = arith.constant -1 : i32
        %select_n3A_642 = arith.select %lt3A_640, %jit3A_641, %convert_element_type3A_638 : i32
        %add3A_643 = arith.constant 226.115234 : f32
        %add3A_644 = arith.addf %squeeze3A_27, %add3A_643 : f32
        %mul3A_645 = arith.constant 5.000000e-01 : f32
        %mul3A_646 = arith.mulf %add3A_644, %mul3A_645 : f32
        %max3A_647 = arith.constant 0.000000e+00 : f32
        %max3A_648 = arith.maximumf %mul3A_646, %max3A_647 : f32
        %convert_element_type3A_649 = arith.fptosi %max3A_648 : f32 to i32
        %convert_element_type3A_650 = arith.sitofp %convert_element_type3A_649 : i32 to f32
        %lt3A_651 = arith.cmpf olt, %convert_element_type3A_650, %max3A_648 : f32
        %convert_element_type3A_652 = arith.extui %lt3A_651 : i1 to i32
        %add3A_653 = arith.addi %convert_element_type3A_649, %convert_element_type3A_652 : i32
        %le3A_654 = arith.constant 0.000000e+00 : f32
        %le3A_655 = arith.cmpf ole, %mul3A_646, %le3A_654 : f32
        %sub3A_656 = arith.constant 1 : i32
        %sub3A_657 = arith.subi %add3A_653, %sub3A_656 : i32
        %jit3A_658 = arith.constant -1 : i32
        %select_n3A_659 = arith.select %le3A_655, %jit3A_658, %sub3A_657 : i32
        %min3A_660 = arith.minsi %select_n3A_642, %select_n3A_659 : i32
        %max3A_661 = arith.constant 0 : i32
        %max3A_662 = arith.maxsi %max3A_633, %max3A_661 : i32
        %min3A_663 = arith.constant 2047 : i32
        %min3A_664 = arith.minsi %min3A_660, %min3A_663 : i32
        %sub3A_665 = arith.constant 192.203125 : f32
        %sub3A_666 = arith.subf %squeeze3A_29, %sub3A_665 : f32
        %mul3A_667 = arith.constant 5.000000e-01 : f32
        %mul3A_668 = arith.mulf %sub3A_666, %mul3A_667 : f32
        %max3A_669 = arith.constant 0.000000e+00 : f32
        %max3A_670 = arith.maximumf %mul3A_668, %max3A_669 : f32
        %convert_element_type3A_671 = arith.fptosi %max3A_670 : f32 to i32
        %lt3A_672 = arith.constant 0.000000e+00 : f32
        %lt3A_673 = arith.cmpf olt, %mul3A_668, %lt3A_672 : f32
        %add3A_674 = arith.constant 1 : i32
        %add3A_675 = arith.addi %convert_element_type3A_671, %add3A_674 : i32
        %jit3A_676 = arith.constant 0 : i32
        %select_n3A_677 = arith.select %lt3A_673, %jit3A_676, %add3A_675 : i32
        %add3A_678 = arith.constant 192.203125 : f32
        %add3A_679 = arith.addf %squeeze3A_27, %add3A_678 : f32
        %mul3A_680 = arith.constant 5.000000e-01 : f32
        %mul3A_681 = arith.mulf %add3A_679, %mul3A_680 : f32
        %max3A_682 = arith.constant 0.000000e+00 : f32
        %max3A_683 = arith.maximumf %mul3A_681, %max3A_682 : f32
        %convert_element_type3A_684 = arith.fptosi %max3A_683 : f32 to i32
        %convert_element_type3A_685 = arith.sitofp %convert_element_type3A_684 : i32 to f32
        %lt3A_686 = arith.cmpf olt, %convert_element_type3A_685, %max3A_683 : f32
        %convert_element_type3A_687 = arith.extui %lt3A_686 : i1 to i32
        %add3A_688 = arith.addi %convert_element_type3A_684, %convert_element_type3A_687 : i32
        %le3A_689 = arith.constant 0.000000e+00 : f32
        %le3A_690 = arith.cmpf ole, %mul3A_681, %le3A_689 : f32
        %sub3A_691 = arith.constant 1 : i32
        %sub3A_692 = arith.subi %add3A_688, %sub3A_691 : i32
        %jit3A_693 = arith.constant -1 : i32
        %select_n3A_694 = arith.select %le3A_690, %jit3A_693, %sub3A_692 : i32
        %add3A_695 = arith.constant 4096 : i32
        %add3A_696 = arith.addi %max3A_662, %add3A_695 : i32
        %add3A_697 = arith.constant 4096 : i32
        %add3A_698 = arith.addi %min3A_664, %add3A_697 : i32
        %add3A_699 = arith.constant 4096 : i32
        %add3A_700 = arith.addi %select_n3A_677, %add3A_699 : i32
        %add3A_701 = arith.constant 4096 : i32
        %add3A_702 = arith.addi %select_n3A_694, %add3A_701 : i32
        %max3A_703 = arith.maxsi %add3A_696, %mul3A_0 : i32
        %sub3A_704 = arith.subi %max3A_703, %mul3A_0 : i32
        %add3A_705 = arith.constant 4096 : i32
        %add3A_706 = arith.addi %mul3A_0, %add3A_705 : i32
        %sub3A_707 = arith.constant 1 : i32
        %sub3A_708 = arith.subi %add3A_706, %sub3A_707 : i32
        %min3A_709 = arith.minsi %add3A_698, %sub3A_708 : i32
        %sub3A_710 = arith.subi %min3A_709, %mul3A_0 : i32
        %sub3A_711 = arith.subi %add3A_700, %mul3A_0 : i32
        %sub3A_712 = arith.subi %add3A_702, %mul3A_0 : i32
        %jit3A_713 = arith.constant 16 : i32
        %div3A_714 = arith.divsi %sub3A_704, %jit3A_713 : i32
        %sign3A_715 = arith.constant 0 : i32
        %sign3A_716 = arith.cmpi sgt, %sub3A_704, %sign3A_715 : i32
        %sign3A_717 = arith.extui %sign3A_716 : i1 to i32
        %sign3A_718 = arith.constant 0 : i32
        %sign3A_719 = arith.cmpi slt, %sub3A_704, %sign3A_718 : i32
        %sign3A_720 = arith.extui %sign3A_719 : i1 to i32
        %sign3A_721 = arith.subi %sign3A_717, %sign3A_720 : i32
        %sign3A_722 = arith.constant 0 : i32
        %sign3A_723 = arith.cmpi sgt, %jit3A_713, %sign3A_722 : i32
        %sign3A_724 = arith.extui %sign3A_723 : i1 to i32
        %sign3A_725 = arith.constant 0 : i32
        %sign3A_726 = arith.cmpi slt, %jit3A_713, %sign3A_725 : i32
        %sign3A_727 = arith.extui %sign3A_726 : i1 to i32
        %sign3A_728 = arith.subi %sign3A_724, %sign3A_727 : i32
        %ne3A_729 = arith.cmpi ne, %sign3A_721, %sign3A_728 : i32
        %rem3A_730 = arith.remsi %sub3A_704, %jit3A_713 : i32
        %ne3A_731 = arith.constant 0 : i32
        %ne3A_732 = arith.cmpi ne, %rem3A_730, %ne3A_731 : i32
        %and3A_733 = arith.andi %ne3A_729, %ne3A_732 : i1
        %sub3A_734 = arith.constant 1 : i32
        %sub3A_735 = arith.subi %div3A_714, %sub3A_734 : i32
        %select_n3A_736 = arith.select %and3A_733, %sub3A_735, %div3A_714 : i32
        %mul3A_737 = arith.constant 16 : i32
        %mul3A_738 = arith.muli %select_n3A_736, %mul3A_737 : i32
        %jit3A_739 = arith.constant 0 : i32
        %jit3A_740 = arith.constant 4080 : i32
        %max3A_741 = arith.maxsi %jit3A_739, %mul3A_738 : i32
        %min3A_742 = arith.minsi %jit3A_740, %max3A_741 : i32
        %add3A_743 = arith.constant 0 : i32
        %add3A_744 = arith.addi %min3A_742, %add3A_743 : i32
        %min3A_745 = arith.constant 4080 : i32
        %min3A_746 = arith.minsi %add3A_744, %min3A_745 : i32
        %add3A_747 = vector.broadcast %min3A_746 : i32 to vector<16xi32>
        %add3A_748 = arith.addi %iota3A, %add3A_747 : vector<16xi32>
        %ge3A_749 = vector.broadcast %sub3A_704 : i32 to vector<16xi32>
        %ge3A_750 = arith.cmpi sge, %add3A_748, %ge3A_749 : vector<16xi32>
        %le3A_751 = vector.broadcast %sub3A_710 : i32 to vector<16xi32>
        %le3A_752 = arith.cmpi sle, %add3A_748, %le3A_751 : vector<16xi32>
        %and3A_753 = arith.andi %ge3A_750, %le3A_752 : vector<16xi1>
        %lt3A_754 = vector.broadcast %sub3A_711 : i32 to vector<16xi32>
        %lt3A_755 = arith.cmpi slt, %add3A_748, %lt3A_754 : vector<16xi32>
        %gt3A_756 = vector.broadcast %sub3A_712 : i32 to vector<16xi32>
        %gt3A_757 = arith.cmpi sgt, %add3A_748, %gt3A_756 : vector<16xi32>
        %or3A_758 = arith.ori %lt3A_755, %gt3A_757 : vector<16xi1>
        %and3A_759 = arith.andi %and3A_753, %or3A_758 : vector<16xi1>
        %shift_right_arithmetic3A_760 = arith.constant 7 : i32
        %shift_right_arithmetic3A_761 = arith.shrsi %min3A_746, %shift_right_arithmetic3A_760 : i32
        %and3A_762 = arith.constant 127 : i32
        %and3A_763 = arith.andi %min3A_746, %and3A_762 : i32
        %get3A_764 = arith.index_cast %shift_right_arithmetic3A_761 : i32 to index
        %get3A_765 = arith.index_cast %and3A_763 : i32 to index
        %get3A_766 = tpu.vector_load %arg7[%get3A_764, %get3A_765] {strides = array<i32>} : memref<32x128xf32, #tpu.memory_space<vmem>>, vector<1x16xf32>,
        %get3A_767 = vector.shape_cast %get3A_766 : vector<1x16xf32> to vector<16xf32>
        %jit3A_768 = arith.constant 1.000000e+00 : f32
        %broadcast_in_dim3A_769 = vector.broadcast %jit3A_768 : f32 to vector<16xf32>
        %select_n3A_770 = arith.select %and3A_759, %broadcast_in_dim3A_769, %get3A_767 : vector<16xi1>, vector<16xf32>
        %swap3A_771 = arith.index_cast %shift_right_arithmetic3A_761 : i32 to index
        %swap3A_772 = arith.index_cast %and3A_763 : i32 to index
        %swap3A_773 = tpu.vector_load %arg7[%swap3A_771, %swap3A_772] {strides = array<i32>} : memref<32x128xf32, #tpu.memory_space<vmem>>, vector<1x16xf32>,
        %swap3A_774 = vector.shape_cast %swap3A_773 : vector<1x16xf32> to vector<16xf32>
        %swap3A_775 = vector.shape_cast %select_n3A_770 : vector<16xf32> to vector<1x16xf32>
        tpu.vector_store %arg7[%swap3A_771, %swap3A_772], %swap3A_775 {strides = array<i32>} : memref<32x128xf32, #tpu.memory_space<vmem>>, vector<1x16xf32>,
        %add3A_776 = arith.constant 16 : i32
        %add3A_777 = arith.addi %min3A_742, %add3A_776 : i32
        %min3A_778 = arith.constant 4080 : i32
        %min3A_779 = arith.minsi %add3A_777, %min3A_778 : i32
        %add3A_780 = vector.broadcast %min3A_779 : i32 to vector<16xi32>
        %add3A_781 = arith.addi %iota3A, %add3A_780 : vector<16xi32>
        %ge3A_782 = vector.broadcast %sub3A_704 : i32 to vector<16xi32>
        %ge3A_783 = arith.cmpi sge, %add3A_781, %ge3A_782 : vector<16xi32>
        %le3A_784 = vector.broadcast %sub3A_710 : i32 to vector<16xi32>
        %le3A_785 = arith.cmpi sle, %add3A_781, %le3A_784 : vector<16xi32>
        %and3A_786 = arith.andi %ge3A_783, %le3A_785 : vector<16xi1>
        %lt3A_787 = vector.broadcast %sub3A_711 : i32 to vector<16xi32>
        %lt3A_788 = arith.cmpi slt, %add3A_781, %lt3A_787 : vector<16xi32>
        %gt3A_789 = vector.broadcast %sub3A_712 : i32 to vector<16xi32>
        %gt3A_790 = arith.cmpi sgt, %add3A_781, %gt3A_789 : vector<16xi32>
        %or3A_791 = arith.ori %lt3A_788, %gt3A_790 : vector<16xi1>
        %and3A_792 = arith.andi %and3A_786, %or3A_791 : vector<16xi1>
        %shift_right_arithmetic3A_793 = arith.constant 7 : i32
        %shift_right_arithmetic3A_794 = arith.shrsi %min3A_779, %shift_right_arithmetic3A_793 : i32
        %and3A_795 = arith.constant 127 : i32
        %and3A_796 = arith.andi %min3A_779, %and3A_795 : i32
        %get3A_797 = arith.index_cast %shift_right_arithmetic3A_794 : i32 to index
        %get3A_798 = arith.index_cast %and3A_796 : i32 to index
        %get3A_799 = tpu.vector_load %arg7[%get3A_797, %get3A_798] {strides = array<i32>} : memref<32x128xf32, #tpu.memory_space<vmem>>, vector<1x16xf32>,
        %get3A_800 = vector.shape_cast %get3A_799 : vector<1x16xf32> to vector<16xf32>
        %jit3A_801 = arith.constant 1.000000e+00 : f32
        %broadcast_in_dim3A_802 = vector.broadcast %jit3A_801 : f32 to vector<16xf32>
        %select_n3A_803 = arith.select %and3A_792, %broadcast_in_dim3A_802, %get3A_800 : vector<16xi1>, vector<16xf32>
        %swap3A_804 = arith.index_cast %shift_right_arithmetic3A_794 : i32 to index
        %swap3A_805 = arith.index_cast %and3A_796 : i32 to index
        %swap3A_806 = tpu.vector_load %arg7[%swap3A_804, %swap3A_805] {strides = array<i32>} : memref<32x128xf32, #tpu.memory_space<vmem>>, vector<1x16xf32>,
        %swap3A_807 = vector.shape_cast %swap3A_806 : vector<1x16xf32> to vector<16xf32>
        %swap3A_808 = vector.shape_cast %select_n3A_803 : vector<16xf32> to vector<1x16xf32>
        tpu.vector_store %arg7[%swap3A_804, %swap3A_805], %swap3A_808 {strides = array<i32>} : memref<32x128xf32, #tpu.memory_space<vmem>>, vector<1x16xf32>,
        %add3A_809 = arith.constant 32 : i32
        %add3A_810 = arith.addi %min3A_742, %add3A_809 : i32
        %min3A_811 = arith.constant 4080 : i32
        %min3A_812 = arith.minsi %add3A_810, %min3A_811 : i32
        %add3A_813 = vector.broadcast %min3A_812 : i32 to vector<16xi32>
        %add3A_814 = arith.addi %iota3A, %add3A_813 : vector<16xi32>
        %ge3A_815 = vector.broadcast %sub3A_704 : i32 to vector<16xi32>
        %ge3A_816 = arith.cmpi sge, %add3A_814, %ge3A_815 : vector<16xi32>
        %le3A_817 = vector.broadcast %sub3A_710 : i32 to vector<16xi32>
        %le3A_818 = arith.cmpi sle, %add3A_814, %le3A_817 : vector<16xi32>
        %and3A_819 = arith.andi %ge3A_816, %le3A_818 : vector<16xi1>
        %lt3A_820 = vector.broadcast %sub3A_711 : i32 to vector<16xi32>
        %lt3A_821 = arith.cmpi slt, %add3A_814, %lt3A_820 : vector<16xi32>
        %gt3A_822 = vector.broadcast %sub3A_712 : i32 to vector<16xi32>
        %gt3A_823 = arith.cmpi sgt, %add3A_814, %gt3A_822 : vector<16xi32>
        %or3A_824 = arith.ori %lt3A_821, %gt3A_823 : vector<16xi1>
        %and3A_825 = arith.andi %and3A_819, %or3A_824 : vector<16xi1>
        %shift_right_arithmetic3A_826 = arith.constant 7 : i32
        %shift_right_arithmetic3A_827 = arith.shrsi %min3A_812, %shift_right_arithmetic3A_826 : i32
        %and3A_828 = arith.constant 127 : i32
        %and3A_829 = arith.andi %min3A_812, %and3A_828 : i32
        %get3A_830 = arith.index_cast %shift_right_arithmetic3A_827 : i32 to index
        %get3A_831 = arith.index_cast %and3A_829 : i32 to index
        %get3A_832 = tpu.vector_load %arg7[%get3A_830, %get3A_831] {strides = array<i32>} : memref<32x128xf32, #tpu.memory_space<vmem>>, vector<1x16xf32>,
        %get3A_833 = vector.shape_cast %get3A_832 : vector<1x16xf32> to vector<16xf32>
        %jit3A_834 = arith.constant 1.000000e+00 : f32
        %broadcast_in_dim3A_835 = vector.broadcast %jit3A_834 : f32 to vector<16xf32>
        %select_n3A_836 = arith.select %and3A_825, %broadcast_in_dim3A_835, %get3A_833 : vector<16xi1>, vector<16xf32>
        %swap3A_837 = arith.index_cast %shift_right_arithmetic3A_827 : i32 to index
        %swap3A_838 = arith.index_cast %and3A_829 : i32 to index
        %swap3A_839 = tpu.vector_load %arg7[%swap3A_837, %swap3A_838] {strides = array<i32>} : memref<32x128xf32, #tpu.memory_space<vmem>>, vector<1x16xf32>,
        %swap3A_840 = vector.shape_cast %swap3A_839 : vector<1x16xf32> to vector<16xf32>
        %swap3A_841 = vector.shape_cast %select_n3A_836 : vector<16xf32> to vector<1x16xf32>
        tpu.vector_store %arg7[%swap3A_837, %swap3A_838], %swap3A_841 {strides = array<i32>} : memref<32x128xf32, #tpu.memory_space<vmem>>, vector<1x16xf32>,
        %add3A_842 = arith.constant 48 : i32
        %add3A_843 = arith.addi %min3A_742, %add3A_842 : i32
        %min3A_844 = arith.constant 4080 : i32
        %min3A_845 = arith.minsi %add3A_843, %min3A_844 : i32
        %add3A_846 = vector.broadcast %min3A_845 : i32 to vector<16xi32>
        %add3A_847 = arith.addi %iota3A, %add3A_846 : vector<16xi32>
        %ge3A_848 = vector.broadcast %sub3A_704 : i32 to vector<16xi32>
        %ge3A_849 = arith.cmpi sge, %add3A_847, %ge3A_848 : vector<16xi32>
        %le3A_850 = vector.broadcast %sub3A_710 : i32 to vector<16xi32>
        %le3A_851 = arith.cmpi sle, %add3A_847, %le3A_850 : vector<16xi32>
        %and3A_852 = arith.andi %ge3A_849, %le3A_851 : vector<16xi1>
        %lt3A_853 = vector.broadcast %sub3A_711 : i32 to vector<16xi32>
        %lt3A_854 = arith.cmpi slt, %add3A_847, %lt3A_853 : vector<16xi32>
        %gt3A_855 = vector.broadcast %sub3A_712 : i32 to vector<16xi32>
        %gt3A_856 = arith.cmpi sgt, %add3A_847, %gt3A_855 : vector<16xi32>
        %or3A_857 = arith.ori %lt3A_854, %gt3A_856 : vector<16xi1>
        %and3A_858 = arith.andi %and3A_852, %or3A_857 : vector<16xi1>
        %shift_right_arithmetic3A_859 = arith.constant 7 : i32
        %shift_right_arithmetic3A_860 = arith.shrsi %min3A_845, %shift_right_arithmetic3A_859 : i32
        %and3A_861 = arith.constant 127 : i32
        %and3A_862 = arith.andi %min3A_845, %and3A_861 : i32
        %get3A_863 = arith.index_cast %shift_right_arithmetic3A_860 : i32 to index
        %get3A_864 = arith.index_cast %and3A_862 : i32 to index
        %get3A_865 = tpu.vector_load %arg7[%get3A_863, %get3A_864] {strides = array<i32>} : memref<32x128xf32, #tpu.memory_space<vmem>>, vector<1x16xf32>,
        %get3A_866 = vector.shape_cast %get3A_865 : vector<1x16xf32> to vector<16xf32>
        %jit3A_867 = arith.constant 1.000000e+00 : f32
        %broadcast_in_dim3A_868 = vector.broadcast %jit3A_867 : f32 to vector<16xf32>
        %select_n3A_869 = arith.select %and3A_858, %broadcast_in_dim3A_868, %get3A_866 : vector<16xi1>, vector<16xf32>
        %swap3A_870 = arith.index_cast %shift_right_arithmetic3A_860 : i32 to index
        %swap3A_871 = arith.index_cast %and3A_862 : i32 to index
        %swap3A_872 = tpu.vector_load %arg7[%swap3A_870, %swap3A_871] {strides = array<i32>} : memref<32x128xf32, #tpu.memory_space<vmem>>, vector<1x16xf32>,
        %swap3A_873 = vector.shape_cast %swap3A_872 : vector<1x16xf32> to vector<16xf32>
        %swap3A_874 = vector.shape_cast %select_n3A_869 : vector<16xf32> to vector<1x16xf32>
        tpu.vector_store %arg7[%swap3A_870, %swap3A_871], %swap3A_874 {strides = array<i32>} : memref<32x128xf32, #tpu.memory_space<vmem>>, vector<1x16xf32>,
        %add3A_875 = arith.constant 64 : i32
        %add3A_876 = arith.addi %min3A_742, %add3A_875 : i32
        %min3A_877 = arith.constant 4080 : i32
        %min3A_878 = arith.minsi %add3A_876, %min3A_877 : i32
        %add3A_879 = vector.broadcast %min3A_878 : i32 to vector<16xi32>
        %add3A_880 = arith.addi %iota3A, %add3A_879 : vector<16xi32>
        %ge3A_881 = vector.broadcast %sub3A_704 : i32 to vector<16xi32>
        %ge3A_882 = arith.cmpi sge, %add3A_880, %ge3A_881 : vector<16xi32>
        %le3A_883 = vector.broadcast %sub3A_710 : i32 to vector<16xi32>
        %le3A_884 = arith.cmpi sle, %add3A_880, %le3A_883 : vector<16xi32>
        %and3A_885 = arith.andi %ge3A_882, %le3A_884 : vector<16xi1>
        %lt3A_886 = vector.broadcast %sub3A_711 : i32 to vector<16xi32>
        %lt3A_887 = arith.cmpi slt, %add3A_880, %lt3A_886 : vector<16xi32>
        %gt3A_888 = vector.broadcast %sub3A_712 : i32 to vector<16xi32>
        %gt3A_889 = arith.cmpi sgt, %add3A_880, %gt3A_888 : vector<16xi32>
        %or3A_890 = arith.ori %lt3A_887, %gt3A_889 : vector<16xi1>
        %and3A_891 = arith.andi %and3A_885, %or3A_890 : vector<16xi1>
        %shift_right_arithmetic3A_892 = arith.constant 7 : i32
        %shift_right_arithmetic3A_893 = arith.shrsi %min3A_878, %shift_right_arithmetic3A_892 : i32
        %and3A_894 = arith.constant 127 : i32
        %and3A_895 = arith.andi %min3A_878, %and3A_894 : i32
        %get3A_896 = arith.index_cast %shift_right_arithmetic3A_893 : i32 to index
        %get3A_897 = arith.index_cast %and3A_895 : i32 to index
        %get3A_898 = tpu.vector_load %arg7[%get3A_896, %get3A_897] {strides = array<i32>} : memref<32x128xf32, #tpu.memory_space<vmem>>, vector<1x16xf32>,
        %get3A_899 = vector.shape_cast %get3A_898 : vector<1x16xf32> to vector<16xf32>
        %jit3A_900 = arith.constant 1.000000e+00 : f32
        %broadcast_in_dim3A_901 = vector.broadcast %jit3A_900 : f32 to vector<16xf32>
        %select_n3A_902 = arith.select %and3A_891, %broadcast_in_dim3A_901, %get3A_899 : vector<16xi1>, vector<16xf32>
        %swap3A_903 = arith.index_cast %shift_right_arithmetic3A_893 : i32 to index
        %swap3A_904 = arith.index_cast %and3A_895 : i32 to index
        %swap3A_905 = tpu.vector_load %arg7[%swap3A_903, %swap3A_904] {strides = array<i32>} : memref<32x128xf32, #tpu.memory_space<vmem>>, vector<1x16xf32>,
        %swap3A_906 = vector.shape_cast %swap3A_905 : vector<1x16xf32> to vector<16xf32>
        %swap3A_907 = vector.shape_cast %select_n3A_902 : vector<16xf32> to vector<1x16xf32>
        tpu.vector_store %arg7[%swap3A_903, %swap3A_904], %swap3A_907 {strides = array<i32>} : memref<32x128xf32, #tpu.memory_space<vmem>>, vector<1x16xf32>,
        %add3A_908 = arith.constant 80 : i32
        %add3A_909 = arith.addi %min3A_742, %add3A_908 : i32
        %min3A_910 = arith.constant 4080 : i32
        %min3A_911 = arith.minsi %add3A_909, %min3A_910 : i32
        %add3A_912 = vector.broadcast %min3A_911 : i32 to vector<16xi32>
        %add3A_913 = arith.addi %iota3A, %add3A_912 : vector<16xi32>
        %ge3A_914 = vector.broadcast %sub3A_704 : i32 to vector<16xi32>
        %ge3A_915 = arith.cmpi sge, %add3A_913, %ge3A_914 : vector<16xi32>
        %le3A_916 = vector.broadcast %sub3A_710 : i32 to vector<16xi32>
        %le3A_917 = arith.cmpi sle, %add3A_913, %le3A_916 : vector<16xi32>
        %and3A_918 = arith.andi %ge3A_915, %le3A_917 : vector<16xi1>
        %lt3A_919 = vector.broadcast %sub3A_711 : i32 to vector<16xi32>
        %lt3A_920 = arith.cmpi slt, %add3A_913, %lt3A_919 : vector<16xi32>
        %gt3A_921 = vector.broadcast %sub3A_712 : i32 to vector<16xi32>
        %gt3A_922 = arith.cmpi sgt, %add3A_913, %gt3A_921 : vector<16xi32>
        %or3A_923 = arith.ori %lt3A_920, %gt3A_922 : vector<16xi1>
        %and3A_924 = arith.andi %and3A_918, %or3A_923 : vector<16xi1>
        %shift_right_arithmetic3A_925 = arith.constant 7 : i32
        %shift_right_arithmetic3A_926 = arith.shrsi %min3A_911, %shift_right_arithmetic3A_925 : i32
        %and3A_927 = arith.constant 127 : i32
        %and3A_928 = arith.andi %min3A_911, %and3A_927 : i32
        %get3A_929 = arith.index_cast %shift_right_arithmetic3A_926 : i32 to index
        %get3A_930 = arith.index_cast %and3A_928 : i32 to index
        %get3A_931 = tpu.vector_load %arg7[%get3A_929, %get3A_930] {strides = array<i32>} : memref<32x128xf32, #tpu.memory_space<vmem>>, vector<1x16xf32>,
        %get3A_932 = vector.shape_cast %get3A_931 : vector<1x16xf32> to vector<16xf32>
        %jit3A_933 = arith.constant 1.000000e+00 : f32
        %broadcast_in_dim3A_934 = vector.broadcast %jit3A_933 : f32 to vector<16xf32>
        %select_n3A_935 = arith.select %and3A_924, %broadcast_in_dim3A_934, %get3A_932 : vector<16xi1>, vector<16xf32>
        %swap3A_936 = arith.index_cast %shift_right_arithmetic3A_926 : i32 to index
        %swap3A_937 = arith.index_cast %and3A_928 : i32 to index
        %swap3A_938 = tpu.vector_load %arg7[%swap3A_936, %swap3A_937] {strides = array<i32>} : memref<32x128xf32, #tpu.memory_space<vmem>>, vector<1x16xf32>,
        %swap3A_939 = vector.shape_cast %swap3A_938 : vector<1x16xf32> to vector<16xf32>
        %swap3A_940 = vector.shape_cast %select_n3A_935 : vector<16xf32> to vector<1x16xf32>
        tpu.vector_store %arg7[%swap3A_936, %swap3A_937], %swap3A_940 {strides = array<i32>} : memref<32x128xf32, #tpu.memory_space<vmem>>, vector<1x16xf32>,
        %add3A_941 = arith.constant 96 : i32
        %add3A_942 = arith.addi %min3A_742, %add3A_941 : i32
        %min3A_943 = arith.constant 4080 : i32
        %min3A_944 = arith.minsi %add3A_942, %min3A_943 : i32
        %add3A_945 = vector.broadcast %min3A_944 : i32 to vector<16xi32>
        %add3A_946 = arith.addi %iota3A, %add3A_945 : vector<16xi32>
        %ge3A_947 = vector.broadcast %sub3A_704 : i32 to vector<16xi32>
        %ge3A_948 = arith.cmpi sge, %add3A_946, %ge3A_947 : vector<16xi32>
        %le3A_949 = vector.broadcast %sub3A_710 : i32 to vector<16xi32>
        %le3A_950 = arith.cmpi sle, %add3A_946, %le3A_949 : vector<16xi32>
        %and3A_951 = arith.andi %ge3A_948, %le3A_950 : vector<16xi1>
        %lt3A_952 = vector.broadcast %sub3A_711 : i32 to vector<16xi32>
        %lt3A_953 = arith.cmpi slt, %add3A_946, %lt3A_952 : vector<16xi32>
        %gt3A_954 = vector.broadcast %sub3A_712 : i32 to vector<16xi32>
        %gt3A_955 = arith.cmpi sgt, %add3A_946, %gt3A_954 : vector<16xi32>
        %or3A_956 = arith.ori %lt3A_953, %gt3A_955 : vector<16xi1>
        %and3A_957 = arith.andi %and3A_951, %or3A_956 : vector<16xi1>
        %shift_right_arithmetic3A_958 = arith.constant 7 : i32
        %shift_right_arithmetic3A_959 = arith.shrsi %min3A_944, %shift_right_arithmetic3A_958 : i32
        %and3A_960 = arith.constant 127 : i32
        %and3A_961 = arith.andi %min3A_944, %and3A_960 : i32
        %get3A_962 = arith.index_cast %shift_right_arithmetic3A_959 : i32 to index
        %get3A_963 = arith.index_cast %and3A_961 : i32 to index
        %get3A_964 = tpu.vector_load %arg7[%get3A_962, %get3A_963] {strides = array<i32>} : memref<32x128xf32, #tpu.memory_space<vmem>>, vector<1x16xf32>,
        %get3A_965 = vector.shape_cast %get3A_964 : vector<1x16xf32> to vector<16xf32>
        %jit3A_966 = arith.constant 1.000000e+00 : f32
        %broadcast_in_dim3A_967 = vector.broadcast %jit3A_966 : f32 to vector<16xf32>
        %select_n3A_968 = arith.select %and3A_957, %broadcast_in_dim3A_967, %get3A_965 : vector<16xi1>, vector<16xf32>
        %swap3A_969 = arith.index_cast %shift_right_arithmetic3A_959 : i32 to index
        %swap3A_970 = arith.index_cast %and3A_961 : i32 to index
        %swap3A_971 = tpu.vector_load %arg7[%swap3A_969, %swap3A_970] {strides = array<i32>} : memref<32x128xf32, #tpu.memory_space<vmem>>, vector<1x16xf32>,
        %swap3A_972 = vector.shape_cast %swap3A_971 : vector<1x16xf32> to vector<16xf32>
        %swap3A_973 = vector.shape_cast %select_n3A_968 : vector<16xf32> to vector<1x16xf32>
        tpu.vector_store %arg7[%swap3A_969, %swap3A_970], %swap3A_973 {strides = array<i32>} : memref<32x128xf32, #tpu.memory_space<vmem>>, vector<1x16xf32>,
        %add3A_974 = arith.constant 112 : i32
        %add3A_975 = arith.addi %min3A_742, %add3A_974 : i32
        %min3A_976 = arith.constant 4080 : i32
        %min3A_977 = arith.minsi %add3A_975, %min3A_976 : i32
        %add3A_978 = vector.broadcast %min3A_977 : i32 to vector<16xi32>
        %add3A_979 = arith.addi %iota3A, %add3A_978 : vector<16xi32>
        %ge3A_980 = vector.broadcast %sub3A_704 : i32 to vector<16xi32>
        %ge3A_981 = arith.cmpi sge, %add3A_979, %ge3A_980 : vector<16xi32>
        %le3A_982 = vector.broadcast %sub3A_710 : i32 to vector<16xi32>
        %le3A_983 = arith.cmpi sle, %add3A_979, %le3A_982 : vector<16xi32>
        %and3A_984 = arith.andi %ge3A_981, %le3A_983 : vector<16xi1>
        %lt3A_985 = vector.broadcast %sub3A_711 : i32 to vector<16xi32>
        %lt3A_986 = arith.cmpi slt, %add3A_979, %lt3A_985 : vector<16xi32>
        %gt3A_987 = vector.broadcast %sub3A_712 : i32 to vector<16xi32>
        %gt3A_988 = arith.cmpi sgt, %add3A_979, %gt3A_987 : vector<16xi32>
        %or3A_989 = arith.ori %lt3A_986, %gt3A_988 : vector<16xi1>
        %and3A_990 = arith.andi %and3A_984, %or3A_989 : vector<16xi1>
        %shift_right_arithmetic3A_991 = arith.constant 7 : i32
        %shift_right_arithmetic3A_992 = arith.shrsi %min3A_977, %shift_right_arithmetic3A_991 : i32
        %and3A_993 = arith.constant 127 : i32
        %and3A_994 = arith.andi %min3A_977, %and3A_993 : i32
        %get3A_995 = arith.index_cast %shift_right_arithmetic3A_992 : i32 to index
        %get3A_996 = arith.index_cast %and3A_994 : i32 to index
        %get3A_997 = tpu.vector_load %arg7[%get3A_995, %get3A_996] {strides = array<i32>} : memref<32x128xf32, #tpu.memory_space<vmem>>, vector<1x16xf32>,
        %get3A_998 = vector.shape_cast %get3A_997 : vector<1x16xf32> to vector<16xf32>
        %jit3A_999 = arith.constant 1.000000e+00 : f32
        %broadcast_in_dim3A_1000 = vector.broadcast %jit3A_999 : f32 to vector<16xf32>
        %select_n3A_1001 = arith.select %and3A_990, %broadcast_in_dim3A_1000, %get3A_998 : vector<16xi1>, vector<16xf32>
        %swap3A_1002 = arith.index_cast %shift_right_arithmetic3A_992 : i32 to index
        %swap3A_1003 = arith.index_cast %and3A_994 : i32 to index
        %swap3A_1004 = tpu.vector_load %arg7[%swap3A_1002, %swap3A_1003] {strides = array<i32>} : memref<32x128xf32, #tpu.memory_space<vmem>>, vector<1x16xf32>,
        %swap3A_1005 = vector.shape_cast %swap3A_1004 : vector<1x16xf32> to vector<16xf32>
        %swap3A_1006 = vector.shape_cast %select_n3A_1001 : vector<16xf32> to vector<1x16xf32>
        tpu.vector_store %arg7[%swap3A_1002, %swap3A_1003], %swap3A_1006 {strides = array<i32>} : memref<32x128xf32, #tpu.memory_space<vmem>>, vector<1x16xf32>,
        %add3A_1007 = arith.constant 128 : i32
        %add3A_1008 = arith.addi %min3A_742, %add3A_1007 : i32
        %min3A_1009 = arith.constant 4080 : i32
        %min3A_1010 = arith.minsi %add3A_1008, %min3A_1009 : i32
        %add3A_1011 = vector.broadcast %min3A_1010 : i32 to vector<16xi32>
        %add3A_1012 = arith.addi %iota3A, %add3A_1011 : vector<16xi32>
        %ge3A_1013 = vector.broadcast %sub3A_704 : i32 to vector<16xi32>
        %ge3A_1014 = arith.cmpi sge, %add3A_1012, %ge3A_1013 : vector<16xi32>
        %le3A_1015 = vector.broadcast %sub3A_710 : i32 to vector<16xi32>
        %le3A_1016 = arith.cmpi sle, %add3A_1012, %le3A_1015 : vector<16xi32>
        %and3A_1017 = arith.andi %ge3A_1014, %le3A_1016 : vector<16xi1>
        %lt3A_1018 = vector.broadcast %sub3A_711 : i32 to vector<16xi32>
        %lt3A_1019 = arith.cmpi slt, %add3A_1012, %lt3A_1018 : vector<16xi32>
        %gt3A_1020 = vector.broadcast %sub3A_712 : i32 to vector<16xi32>
        %gt3A_1021 = arith.cmpi sgt, %add3A_1012, %gt3A_1020 : vector<16xi32>
        %or3A_1022 = arith.ori %lt3A_1019, %gt3A_1021 : vector<16xi1>
        %and3A_1023 = arith.andi %and3A_1017, %or3A_1022 : vector<16xi1>
        %shift_right_arithmetic3A_1024 = arith.constant 7 : i32
        %shift_right_arithmetic3A_1025 = arith.shrsi %min3A_1010, %shift_right_arithmetic3A_1024 : i32
        %and3A_1026 = arith.constant 127 : i32
        %and3A_1027 = arith.andi %min3A_1010, %and3A_1026 : i32
        %get3A_1028 = arith.index_cast %shift_right_arithmetic3A_1025 : i32 to index
        %get3A_1029 = arith.index_cast %and3A_1027 : i32 to index
        %get3A_1030 = tpu.vector_load %arg7[%get3A_1028, %get3A_1029] {strides = array<i32>} : memref<32x128xf32, #tpu.memory_space<vmem>>, vector<1x16xf32>,
        %get3A_1031 = vector.shape_cast %get3A_1030 : vector<1x16xf32> to vector<16xf32>
        %jit3A_1032 = arith.constant 1.000000e+00 : f32
        %broadcast_in_dim3A_1033 = vector.broadcast %jit3A_1032 : f32 to vector<16xf32>
        %select_n3A_1034 = arith.select %and3A_1023, %broadcast_in_dim3A_1033, %get3A_1031 : vector<16xi1>, vector<16xf32>
        %swap3A_1035 = arith.index_cast %shift_right_arithmetic3A_1025 : i32 to index
        %swap3A_1036 = arith.index_cast %and3A_1027 : i32 to index
        %swap3A_1037 = tpu.vector_load %arg7[%swap3A_1035, %swap3A_1036] {strides = array<i32>} : memref<32x128xf32, #tpu.memory_space<vmem>>, vector<1x16xf32>,
        %swap3A_1038 = vector.shape_cast %swap3A_1037 : vector<1x16xf32> to vector<16xf32>
        %swap3A_1039 = vector.shape_cast %select_n3A_1034 : vector<16xf32> to vector<1x16xf32>
        tpu.vector_store %arg7[%swap3A_1035, %swap3A_1036], %swap3A_1039 {strides = array<i32>} : memref<32x128xf32, #tpu.memory_space<vmem>>, vector<1x16xf32>,
        %add3A_1040 = arith.constant 144 : i32
        %add3A_1041 = arith.addi %min3A_742, %add3A_1040 : i32
        %min3A_1042 = arith.constant 4080 : i32
        %min3A_1043 = arith.minsi %add3A_1041, %min3A_1042 : i32
        %add3A_1044 = vector.broadcast %min3A_1043 : i32 to vector<16xi32>
        %add3A_1045 = arith.addi %iota3A, %add3A_1044 : vector<16xi32>
        %ge3A_1046 = vector.broadcast %sub3A_704 : i32 to vector<16xi32>
        %ge3A_1047 = arith.cmpi sge, %add3A_1045, %ge3A_1046 : vector<16xi32>
        %le3A_1048 = vector.broadcast %sub3A_710 : i32 to vector<16xi32>
        %le3A_1049 = arith.cmpi sle, %add3A_1045, %le3A_1048 : vector<16xi32>
        %and3A_1050 = arith.andi %ge3A_1047, %le3A_1049 : vector<16xi1>
        %lt3A_1051 = vector.broadcast %sub3A_711 : i32 to vector<16xi32>
        %lt3A_1052 = arith.cmpi slt, %add3A_1045, %lt3A_1051 : vector<16xi32>
        %gt3A_1053 = vector.broadcast %sub3A_712 : i32 to vector<16xi32>
        %gt3A_1054 = arith.cmpi sgt, %add3A_1045, %gt3A_1053 : vector<16xi32>
        %or3A_1055 = arith.ori %lt3A_1052, %gt3A_1054 : vector<16xi1>
        %and3A_1056 = arith.andi %and3A_1050, %or3A_1055 : vector<16xi1>
        %shift_right_arithmetic3A_1057 = arith.constant 7 : i32
        %shift_right_arithmetic3A_1058 = arith.shrsi %min3A_1043, %shift_right_arithmetic3A_1057 : i32
        %and3A_1059 = arith.constant 127 : i32
        %and3A_1060 = arith.andi %min3A_1043, %and3A_1059 : i32
        %get3A_1061 = arith.index_cast %shift_right_arithmetic3A_1058 : i32 to index
        %get3A_1062 = arith.index_cast %and3A_1060 : i32 to index
        %get3A_1063 = tpu.vector_load %arg7[%get3A_1061, %get3A_1062] {strides = array<i32>} : memref<32x128xf32, #tpu.memory_space<vmem>>, vector<1x16xf32>,
        %get3A_1064 = vector.shape_cast %get3A_1063 : vector<1x16xf32> to vector<16xf32>
        %jit3A_1065 = arith.constant 1.000000e+00 : f32
        %broadcast_in_dim3A_1066 = vector.broadcast %jit3A_1065 : f32 to vector<16xf32>
        %select_n3A_1067 = arith.select %and3A_1056, %broadcast_in_dim3A_1066, %get3A_1064 : vector<16xi1>, vector<16xf32>
        %swap3A_1068 = arith.index_cast %shift_right_arithmetic3A_1058 : i32 to index
        %swap3A_1069 = arith.index_cast %and3A_1060 : i32 to index
        %swap3A_1070 = tpu.vector_load %arg7[%swap3A_1068, %swap3A_1069] {strides = array<i32>} : memref<32x128xf32, #tpu.memory_space<vmem>>, vector<1x16xf32>,
        %swap3A_1071 = vector.shape_cast %swap3A_1070 : vector<1x16xf32> to vector<16xf32>
        %swap3A_1072 = vector.shape_cast %select_n3A_1067 : vector<16xf32> to vector<1x16xf32>
        tpu.vector_store %arg7[%swap3A_1068, %swap3A_1069], %swap3A_1072 {strides = array<i32>} : memref<32x128xf32, #tpu.memory_space<vmem>>, vector<1x16xf32>,
        %mul3A_1073 = arith.constant 2.500000e-01 : f32
        %mul3A_1074 = arith.mulf %squeeze3A_27, %mul3A_1073 : f32
        %max3A_1075 = arith.constant 0.000000e+00 : f32
        %max3A_1076 = arith.maximumf %mul3A_1074, %max3A_1075 : f32
        %convert_element_type3A_1077 = arith.fptosi %max3A_1076 : f32 to i32
        %convert_element_type3A_1078 = arith.sitofp %convert_element_type3A_1077 : i32 to f32
        %lt3A_1079 = arith.cmpf olt, %convert_element_type3A_1078, %max3A_1076 : f32
        %convert_element_type3A_1080 = arith.extui %lt3A_1079 : i1 to i32
        %add3A_1081 = arith.addi %convert_element_type3A_1077, %convert_element_type3A_1080 : i32
        %sub3A_1082 = arith.constant 322.308594 : f32
        %sub3A_1083 = arith.subf %squeeze3A_29, %sub3A_1082 : f32
        %mul3A_1084 = arith.constant 2.500000e-01 : f32
        %mul3A_1085 = arith.mulf %sub3A_1083, %mul3A_1084 : f32
        %max3A_1086 = arith.constant 0.000000e+00 : f32
        %max3A_1087 = arith.maximumf %mul3A_1085, %max3A_1086 : f32
        %convert_element_type3A_1088 = arith.fptosi %max3A_1087 : f32 to i32
        %lt3A_1089 = arith.constant 0.000000e+00 : f32
        %lt3A_1090 = arith.cmpf olt, %mul3A_1085, %lt3A_1089 : f32
        %add3A_1091 = arith.constant 1 : i32
        %add3A_1092 = arith.addi %convert_element_type3A_1088, %add3A_1091 : i32
        %jit3A_1093 = arith.constant 0 : i32
        %select_n3A_1094 = arith.select %lt3A_1090, %jit3A_1093, %add3A_1092 : i32
        %max3A_1095 = arith.maxsi %add3A_1081, %select_n3A_1094 : i32
        %mul3A_1096 = arith.constant 2.500000e-01 : f32
        %mul3A_1097 = arith.mulf %squeeze3A_29, %mul3A_1096 : f32
        %max3A_1098 = arith.constant 0.000000e+00 : f32
        %max3A_1099 = arith.maximumf %mul3A_1097, %max3A_1098 : f32
        %convert_element_type3A_1100 = arith.fptosi %max3A_1099 : f32 to i32
        %lt3A_1101 = arith.constant 0.000000e+00 : f32
        %lt3A_1102 = arith.cmpf olt, %mul3A_1097, %lt3A_1101 : f32
        %jit3A_1103 = arith.constant -1 : i32
        %select_n3A_1104 = arith.select %lt3A_1102, %jit3A_1103, %convert_element_type3A_1100 : i32
        %add3A_1105 = arith.constant 322.308594 : f32
        %add3A_1106 = arith.addf %squeeze3A_27, %add3A_1105 : f32
        %mul3A_1107 = arith.constant 2.500000e-01 : f32
        %mul3A_1108 = arith.mulf %add3A_1106, %mul3A_1107 : f32
        %max3A_1109 = arith.constant 0.000000e+00 : f32
        %max3A_1110 = arith.maximumf %mul3A_1108, %max3A_1109 : f32
        %convert_element_type3A_1111 = arith.fptosi %max3A_1110 : f32 to i32
        %convert_element_type3A_1112 = arith.sitofp %convert_element_type3A_1111 : i32 to f32
        %lt3A_1113 = arith.cmpf olt, %convert_element_type3A_1112, %max3A_1110 : f32
        %convert_element_type3A_1114 = arith.extui %lt3A_1113 : i1 to i32
        %add3A_1115 = arith.addi %convert_element_type3A_1111, %convert_element_type3A_1114 : i32
        %le3A_1116 = arith.constant 0.000000e+00 : f32
        %le3A_1117 = arith.cmpf ole, %mul3A_1108, %le3A_1116 : f32
        %sub3A_1118 = arith.constant 1 : i32
        %sub3A_1119 = arith.subi %add3A_1115, %sub3A_1118 : i32
        %jit3A_1120 = arith.constant -1 : i32
        %select_n3A_1121 = arith.select %le3A_1117, %jit3A_1120, %sub3A_1119 : i32
        %min3A_1122 = arith.minsi %select_n3A_1104, %select_n3A_1121 : i32
        %max3A_1123 = arith.constant 0 : i32
        %max3A_1124 = arith.maxsi %max3A_1095, %max3A_1123 : i32
        %min3A_1125 = arith.constant 1023 : i32
        %min3A_1126 = arith.minsi %min3A_1122, %min3A_1125 : i32
        %sub3A_1127 = arith.constant 226.115234 : f32
        %sub3A_1128 = arith.subf %squeeze3A_29, %sub3A_1127 : f32
        %mul3A_1129 = arith.constant 2.500000e-01 : f32
        %mul3A_1130 = arith.mulf %sub3A_1128, %mul3A_1129 : f32
        %max3A_1131 = arith.constant 0.000000e+00 : f32
        %max3A_1132 = arith.maximumf %mul3A_1130, %max3A_1131 : f32
        %convert_element_type3A_1133 = arith.fptosi %max3A_1132 : f32 to i32
        %lt3A_1134 = arith.constant 0.000000e+00 : f32
        %lt3A_1135 = arith.cmpf olt, %mul3A_1130, %lt3A_1134 : f32
        %add3A_1136 = arith.constant 1 : i32
        %add3A_1137 = arith.addi %convert_element_type3A_1133, %add3A_1136 : i32
        %jit3A_1138 = arith.constant 0 : i32
        %select_n3A_1139 = arith.select %lt3A_1135, %jit3A_1138, %add3A_1137 : i32
        %add3A_1140 = arith.constant 226.115234 : f32
        %add3A_1141 = arith.addf %squeeze3A_27, %add3A_1140 : f32
        %mul3A_1142 = arith.constant 2.500000e-01 : f32
        %mul3A_1143 = arith.mulf %add3A_1141, %mul3A_1142 : f32
        %max3A_1144 = arith.constant 0.000000e+00 : f32
        %max3A_1145 = arith.maximumf %mul3A_1143, %max3A_1144 : f32
        %convert_element_type3A_1146 = arith.fptosi %max3A_1145 : f32 to i32
        %convert_element_type3A_1147 = arith.sitofp %convert_element_type3A_1146 : i32 to f32
        %lt3A_1148 = arith.cmpf olt, %convert_element_type3A_1147, %max3A_1145 : f32
        %convert_element_type3A_1149 = arith.extui %lt3A_1148 : i1 to i32
        %add3A_1150 = arith.addi %convert_element_type3A_1146, %convert_element_type3A_1149 : i32
        %le3A_1151 = arith.constant 0.000000e+00 : f32
        %le3A_1152 = arith.cmpf ole, %mul3A_1143, %le3A_1151 : f32
        %sub3A_1153 = arith.constant 1 : i32
        %sub3A_1154 = arith.subi %add3A_1150, %sub3A_1153 : i32
        %jit3A_1155 = arith.constant -1 : i32
        %select_n3A_1156 = arith.select %le3A_1152, %jit3A_1155, %sub3A_1154 : i32
        %add3A_1157 = arith.constant 6144 : i32
        %add3A_1158 = arith.addi %max3A_1124, %add3A_1157 : i32
        %add3A_1159 = arith.constant 6144 : i32
        %add3A_1160 = arith.addi %min3A_1126, %add3A_1159 : i32
        %add3A_1161 = arith.constant 6144 : i32
        %add3A_1162 = arith.addi %select_n3A_1139, %add3A_1161 : i32
        %add3A_1163 = arith.constant 6144 : i32
        %add3A_1164 = arith.addi %select_n3A_1156, %add3A_1163 : i32
        %max3A_1165 = arith.maxsi %add3A_1158, %mul3A_0 : i32
        %sub3A_1166 = arith.subi %max3A_1165, %mul3A_0 : i32
        %add3A_1167 = arith.constant 4096 : i32
        %add3A_1168 = arith.addi %mul3A_0, %add3A_1167 : i32
        %sub3A_1169 = arith.constant 1 : i32
        %sub3A_1170 = arith.subi %add3A_1168, %sub3A_1169 : i32
        %min3A_1171 = arith.minsi %add3A_1160, %sub3A_1170 : i32
        %sub3A_1172 = arith.subi %min3A_1171, %mul3A_0 : i32
        %sub3A_1173 = arith.subi %add3A_1162, %mul3A_0 : i32
        %sub3A_1174 = arith.subi %add3A_1164, %mul3A_0 : i32
        %jit3A_1175 = arith.constant 16 : i32
        %div3A_1176 = arith.divsi %sub3A_1166, %jit3A_1175 : i32
        %sign3A_1177 = arith.constant 0 : i32
        %sign3A_1178 = arith.cmpi sgt, %sub3A_1166, %sign3A_1177 : i32
        %sign3A_1179 = arith.extui %sign3A_1178 : i1 to i32
        %sign3A_1180 = arith.constant 0 : i32
        %sign3A_1181 = arith.cmpi slt, %sub3A_1166, %sign3A_1180 : i32
        %sign3A_1182 = arith.extui %sign3A_1181 : i1 to i32
        %sign3A_1183 = arith.subi %sign3A_1179, %sign3A_1182 : i32
        %sign3A_1184 = arith.constant 0 : i32
        %sign3A_1185 = arith.cmpi sgt, %jit3A_1175, %sign3A_1184 : i32
        %sign3A_1186 = arith.extui %sign3A_1185 : i1 to i32
        %sign3A_1187 = arith.constant 0 : i32
        %sign3A_1188 = arith.cmpi slt, %jit3A_1175, %sign3A_1187 : i32
        %sign3A_1189 = arith.extui %sign3A_1188 : i1 to i32
        %sign3A_1190 = arith.subi %sign3A_1186, %sign3A_1189 : i32
        %ne3A_1191 = arith.cmpi ne, %sign3A_1183, %sign3A_1190 : i32
        %rem3A_1192 = arith.remsi %sub3A_1166, %jit3A_1175 : i32
        %ne3A_1193 = arith.constant 0 : i32
        %ne3A_1194 = arith.cmpi ne, %rem3A_1192, %ne3A_1193 : i32
        %and3A_1195 = arith.andi %ne3A_1191, %ne3A_1194 : i1
        %sub3A_1196 = arith.constant 1 : i32
        %sub3A_1197 = arith.subi %div3A_1176, %sub3A_1196 : i32
        %select_n3A_1198 = arith.select %and3A_1195, %sub3A_1197, %div3A_1176 : i32
        %mul3A_1199 = arith.constant 16 : i32
        %mul3A_1200 = arith.muli %select_n3A_1198, %mul3A_1199 : i32
        %jit3A_1201 = arith.constant 0 : i32
        %jit3A_1202 = arith.constant 4080 : i32
        %max3A_1203 = arith.maxsi %jit3A_1201, %mul3A_1200 : i32
        %min3A_1204 = arith.minsi %jit3A_1202, %max3A_1203 : i32
        %add3A_1205 = arith.constant 0 : i32
        %add3A_1206 = arith.addi %min3A_1204, %add3A_1205 : i32
        %min3A_1207 = arith.constant 4080 : i32
        %min3A_1208 = arith.minsi %add3A_1206, %min3A_1207 : i32
        %add3A_1209 = vector.broadcast %min3A_1208 : i32 to vector<16xi32>
        %add3A_1210 = arith.addi %iota3A, %add3A_1209 : vector<16xi32>
        %ge3A_1211 = vector.broadcast %sub3A_1166 : i32 to vector<16xi32>
        %ge3A_1212 = arith.cmpi sge, %add3A_1210, %ge3A_1211 : vector<16xi32>
        %le3A_1213 = vector.broadcast %sub3A_1172 : i32 to vector<16xi32>
        %le3A_1214 = arith.cmpi sle, %add3A_1210, %le3A_1213 : vector<16xi32>
        %and3A_1215 = arith.andi %ge3A_1212, %le3A_1214 : vector<16xi1>
        %lt3A_1216 = vector.broadcast %sub3A_1173 : i32 to vector<16xi32>
        %lt3A_1217 = arith.cmpi slt, %add3A_1210, %lt3A_1216 : vector<16xi32>
        %gt3A_1218 = vector.broadcast %sub3A_1174 : i32 to vector<16xi32>
        %gt3A_1219 = arith.cmpi sgt, %add3A_1210, %gt3A_1218 : vector<16xi32>
        %or3A_1220 = arith.ori %lt3A_1217, %gt3A_1219 : vector<16xi1>
        %and3A_1221 = arith.andi %and3A_1215, %or3A_1220 : vector<16xi1>
        %shift_right_arithmetic3A_1222 = arith.constant 7 : i32
        %shift_right_arithmetic3A_1223 = arith.shrsi %min3A_1208, %shift_right_arithmetic3A_1222 : i32
        %and3A_1224 = arith.constant 127 : i32
        %and3A_1225 = arith.andi %min3A_1208, %and3A_1224 : i32
        %get3A_1226 = arith.index_cast %shift_right_arithmetic3A_1223 : i32 to index
        %get3A_1227 = arith.index_cast %and3A_1225 : i32 to index
        %get3A_1228 = tpu.vector_load %arg7[%get3A_1226, %get3A_1227] {strides = array<i32>} : memref<32x128xf32, #tpu.memory_space<vmem>>, vector<1x16xf32>,
        %get3A_1229 = vector.shape_cast %get3A_1228 : vector<1x16xf32> to vector<16xf32>
        %jit3A_1230 = arith.constant 1.000000e+00 : f32
        %broadcast_in_dim3A_1231 = vector.broadcast %jit3A_1230 : f32 to vector<16xf32>
        %select_n3A_1232 = arith.select %and3A_1221, %broadcast_in_dim3A_1231, %get3A_1229 : vector<16xi1>, vector<16xf32>
        %swap3A_1233 = arith.index_cast %shift_right_arithmetic3A_1223 : i32 to index
        %swap3A_1234 = arith.index_cast %and3A_1225 : i32 to index
        %swap3A_1235 = tpu.vector_load %arg7[%swap3A_1233, %swap3A_1234] {strides = array<i32>} : memref<32x128xf32, #tpu.memory_space<vmem>>, vector<1x16xf32>,
        %swap3A_1236 = vector.shape_cast %swap3A_1235 : vector<1x16xf32> to vector<16xf32>
        %swap3A_1237 = vector.shape_cast %select_n3A_1232 : vector<16xf32> to vector<1x16xf32>
        tpu.vector_store %arg7[%swap3A_1233, %swap3A_1234], %swap3A_1237 {strides = array<i32>} : memref<32x128xf32, #tpu.memory_space<vmem>>, vector<1x16xf32>,
        %add3A_1238 = arith.constant 16 : i32
        %add3A_1239 = arith.addi %min3A_1204, %add3A_1238 : i32
        %min3A_1240 = arith.constant 4080 : i32
        %min3A_1241 = arith.minsi %add3A_1239, %min3A_1240 : i32
        %add3A_1242 = vector.broadcast %min3A_1241 : i32 to vector<16xi32>
        %add3A_1243 = arith.addi %iota3A, %add3A_1242 : vector<16xi32>
        %ge3A_1244 = vector.broadcast %sub3A_1166 : i32 to vector<16xi32>
        %ge3A_1245 = arith.cmpi sge, %add3A_1243, %ge3A_1244 : vector<16xi32>
        %le3A_1246 = vector.broadcast %sub3A_1172 : i32 to vector<16xi32>
        %le3A_1247 = arith.cmpi sle, %add3A_1243, %le3A_1246 : vector<16xi32>
        %and3A_1248 = arith.andi %ge3A_1245, %le3A_1247 : vector<16xi1>
        %lt3A_1249 = vector.broadcast %sub3A_1173 : i32 to vector<16xi32>
        %lt3A_1250 = arith.cmpi slt, %add3A_1243, %lt3A_1249 : vector<16xi32>
        %gt3A_1251 = vector.broadcast %sub3A_1174 : i32 to vector<16xi32>
        %gt3A_1252 = arith.cmpi sgt, %add3A_1243, %gt3A_1251 : vector<16xi32>
        %or3A_1253 = arith.ori %lt3A_1250, %gt3A_1252 : vector<16xi1>
        %and3A_1254 = arith.andi %and3A_1248, %or3A_1253 : vector<16xi1>
        %shift_right_arithmetic3A_1255 = arith.constant 7 : i32
        %shift_right_arithmetic3A_1256 = arith.shrsi %min3A_1241, %shift_right_arithmetic3A_1255 : i32
        %and3A_1257 = arith.constant 127 : i32
        %and3A_1258 = arith.andi %min3A_1241, %and3A_1257 : i32
        %get3A_1259 = arith.index_cast %shift_right_arithmetic3A_1256 : i32 to index
        %get3A_1260 = arith.index_cast %and3A_1258 : i32 to index
        %get3A_1261 = tpu.vector_load %arg7[%get3A_1259, %get3A_1260] {strides = array<i32>} : memref<32x128xf32, #tpu.memory_space<vmem>>, vector<1x16xf32>,
        %get3A_1262 = vector.shape_cast %get3A_1261 : vector<1x16xf32> to vector<16xf32>
        %jit3A_1263 = arith.constant 1.000000e+00 : f32
        %broadcast_in_dim3A_1264 = vector.broadcast %jit3A_1263 : f32 to vector<16xf32>
        %select_n3A_1265 = arith.select %and3A_1254, %broadcast_in_dim3A_1264, %get3A_1262 : vector<16xi1>, vector<16xf32>
        %swap3A_1266 = arith.index_cast %shift_right_arithmetic3A_1256 : i32 to index
        %swap3A_1267 = arith.index_cast %and3A_1258 : i32 to index
        %swap3A_1268 = tpu.vector_load %arg7[%swap3A_1266, %swap3A_1267] {strides = array<i32>} : memref<32x128xf32, #tpu.memory_space<vmem>>, vector<1x16xf32>,
        %swap3A_1269 = vector.shape_cast %swap3A_1268 : vector<1x16xf32> to vector<16xf32>
        %swap3A_1270 = vector.shape_cast %select_n3A_1265 : vector<16xf32> to vector<1x16xf32>
        tpu.vector_store %arg7[%swap3A_1266, %swap3A_1267], %swap3A_1270 {strides = array<i32>} : memref<32x128xf32, #tpu.memory_space<vmem>>, vector<1x16xf32>,
        %add3A_1271 = arith.constant 32 : i32
        %add3A_1272 = arith.addi %min3A_1204, %add3A_1271 : i32
        %min3A_1273 = arith.constant 4080 : i32
        %min3A_1274 = arith.minsi %add3A_1272, %min3A_1273 : i32
        %add3A_1275 = vector.broadcast %min3A_1274 : i32 to vector<16xi32>
        %add3A_1276 = arith.addi %iota3A, %add3A_1275 : vector<16xi32>
        %ge3A_1277 = vector.broadcast %sub3A_1166 : i32 to vector<16xi32>
        %ge3A_1278 = arith.cmpi sge, %add3A_1276, %ge3A_1277 : vector<16xi32>
        %le3A_1279 = vector.broadcast %sub3A_1172 : i32 to vector<16xi32>
        %le3A_1280 = arith.cmpi sle, %add3A_1276, %le3A_1279 : vector<16xi32>
        %and3A_1281 = arith.andi %ge3A_1278, %le3A_1280 : vector<16xi1>
        %lt3A_1282 = vector.broadcast %sub3A_1173 : i32 to vector<16xi32>
        %lt3A_1283 = arith.cmpi slt, %add3A_1276, %lt3A_1282 : vector<16xi32>
        %gt3A_1284 = vector.broadcast %sub3A_1174 : i32 to vector<16xi32>
        %gt3A_1285 = arith.cmpi sgt, %add3A_1276, %gt3A_1284 : vector<16xi32>
        %or3A_1286 = arith.ori %lt3A_1283, %gt3A_1285 : vector<16xi1>
        %and3A_1287 = arith.andi %and3A_1281, %or3A_1286 : vector<16xi1>
        %shift_right_arithmetic3A_1288 = arith.constant 7 : i32
        %shift_right_arithmetic3A_1289 = arith.shrsi %min3A_1274, %shift_right_arithmetic3A_1288 : i32
        %and3A_1290 = arith.constant 127 : i32
        %and3A_1291 = arith.andi %min3A_1274, %and3A_1290 : i32
        %get3A_1292 = arith.index_cast %shift_right_arithmetic3A_1289 : i32 to index
        %get3A_1293 = arith.index_cast %and3A_1291 : i32 to index
        %get3A_1294 = tpu.vector_load %arg7[%get3A_1292, %get3A_1293] {strides = array<i32>} : memref<32x128xf32, #tpu.memory_space<vmem>>, vector<1x16xf32>,
        %get3A_1295 = vector.shape_cast %get3A_1294 : vector<1x16xf32> to vector<16xf32>
        %jit3A_1296 = arith.constant 1.000000e+00 : f32
        %broadcast_in_dim3A_1297 = vector.broadcast %jit3A_1296 : f32 to vector<16xf32>
        %select_n3A_1298 = arith.select %and3A_1287, %broadcast_in_dim3A_1297, %get3A_1295 : vector<16xi1>, vector<16xf32>
        %swap3A_1299 = arith.index_cast %shift_right_arithmetic3A_1289 : i32 to index
        %swap3A_1300 = arith.index_cast %and3A_1291 : i32 to index
        %swap3A_1301 = tpu.vector_load %arg7[%swap3A_1299, %swap3A_1300] {strides = array<i32>} : memref<32x128xf32, #tpu.memory_space<vmem>>, vector<1x16xf32>,
        %swap3A_1302 = vector.shape_cast %swap3A_1301 : vector<1x16xf32> to vector<16xf32>
        %swap3A_1303 = vector.shape_cast %select_n3A_1298 : vector<16xf32> to vector<1x16xf32>
        tpu.vector_store %arg7[%swap3A_1299, %swap3A_1300], %swap3A_1303 {strides = array<i32>} : memref<32x128xf32, #tpu.memory_space<vmem>>, vector<1x16xf32>,
        %add3A_1304 = arith.constant 48 : i32
        %add3A_1305 = arith.addi %min3A_1204, %add3A_1304 : i32
        %min3A_1306 = arith.constant 4080 : i32
        %min3A_1307 = arith.minsi %add3A_1305, %min3A_1306 : i32
        %add3A_1308 = vector.broadcast %min3A_1307 : i32 to vector<16xi32>
        %add3A_1309 = arith.addi %iota3A, %add3A_1308 : vector<16xi32>
        %ge3A_1310 = vector.broadcast %sub3A_1166 : i32 to vector<16xi32>
        %ge3A_1311 = arith.cmpi sge, %add3A_1309, %ge3A_1310 : vector<16xi32>
        %le3A_1312 = vector.broadcast %sub3A_1172 : i32 to vector<16xi32>
        %le3A_1313 = arith.cmpi sle, %add3A_1309, %le3A_1312 : vector<16xi32>
        %and3A_1314 = arith.andi %ge3A_1311, %le3A_1313 : vector<16xi1>
        %lt3A_1315 = vector.broadcast %sub3A_1173 : i32 to vector<16xi32>
        %lt3A_1316 = arith.cmpi slt, %add3A_1309, %lt3A_1315 : vector<16xi32>
        %gt3A_1317 = vector.broadcast %sub3A_1174 : i32 to vector<16xi32>
        %gt3A_1318 = arith.cmpi sgt, %add3A_1309, %gt3A_1317 : vector<16xi32>
        %or3A_1319 = arith.ori %lt3A_1316, %gt3A_1318 : vector<16xi1>
        %and3A_1320 = arith.andi %and3A_1314, %or3A_1319 : vector<16xi1>
        %shift_right_arithmetic3A_1321 = arith.constant 7 : i32
        %shift_right_arithmetic3A_1322 = arith.shrsi %min3A_1307, %shift_right_arithmetic3A_1321 : i32
        %and3A_1323 = arith.constant 127 : i32
        %and3A_1324 = arith.andi %min3A_1307, %and3A_1323 : i32
        %get3A_1325 = arith.index_cast %shift_right_arithmetic3A_1322 : i32 to index
        %get3A_1326 = arith.index_cast %and3A_1324 : i32 to index
        %get3A_1327 = tpu.vector_load %arg7[%get3A_1325, %get3A_1326] {strides = array<i32>} : memref<32x128xf32, #tpu.memory_space<vmem>>, vector<1x16xf32>,
        %get3A_1328 = vector.shape_cast %get3A_1327 : vector<1x16xf32> to vector<16xf32>
        %jit3A_1329 = arith.constant 1.000000e+00 : f32
        %broadcast_in_dim3A_1330 = vector.broadcast %jit3A_1329 : f32 to vector<16xf32>
        %select_n3A_1331 = arith.select %and3A_1320, %broadcast_in_dim3A_1330, %get3A_1328 : vector<16xi1>, vector<16xf32>
        %swap3A_1332 = arith.index_cast %shift_right_arithmetic3A_1322 : i32 to index
        %swap3A_1333 = arith.index_cast %and3A_1324 : i32 to index
        %swap3A_1334 = tpu.vector_load %arg7[%swap3A_1332, %swap3A_1333] {strides = array<i32>} : memref<32x128xf32, #tpu.memory_space<vmem>>, vector<1x16xf32>,
        %swap3A_1335 = vector.shape_cast %swap3A_1334 : vector<1x16xf32> to vector<16xf32>
        %swap3A_1336 = vector.shape_cast %select_n3A_1331 : vector<16xf32> to vector<1x16xf32>
        tpu.vector_store %arg7[%swap3A_1332, %swap3A_1333], %swap3A_1336 {strides = array<i32>} : memref<32x128xf32, #tpu.memory_space<vmem>>, vector<1x16xf32>,
        %add3A_1337 = arith.constant 64 : i32
        %add3A_1338 = arith.addi %min3A_1204, %add3A_1337 : i32
        %min3A_1339 = arith.constant 4080 : i32
        %min3A_1340 = arith.minsi %add3A_1338, %min3A_1339 : i32
        %add3A_1341 = vector.broadcast %min3A_1340 : i32 to vector<16xi32>
        %add3A_1342 = arith.addi %iota3A, %add3A_1341 : vector<16xi32>
        %ge3A_1343 = vector.broadcast %sub3A_1166 : i32 to vector<16xi32>
        %ge3A_1344 = arith.cmpi sge, %add3A_1342, %ge3A_1343 : vector<16xi32>
        %le3A_1345 = vector.broadcast %sub3A_1172 : i32 to vector<16xi32>
        %le3A_1346 = arith.cmpi sle, %add3A_1342, %le3A_1345 : vector<16xi32>
        %and3A_1347 = arith.andi %ge3A_1344, %le3A_1346 : vector<16xi1>
        %lt3A_1348 = vector.broadcast %sub3A_1173 : i32 to vector<16xi32>
        %lt3A_1349 = arith.cmpi slt, %add3A_1342, %lt3A_1348 : vector<16xi32>
        %gt3A_1350 = vector.broadcast %sub3A_1174 : i32 to vector<16xi32>
        %gt3A_1351 = arith.cmpi sgt, %add3A_1342, %gt3A_1350 : vector<16xi32>
        %or3A_1352 = arith.ori %lt3A_1349, %gt3A_1351 : vector<16xi1>
        %and3A_1353 = arith.andi %and3A_1347, %or3A_1352 : vector<16xi1>
        %shift_right_arithmetic3A_1354 = arith.constant 7 : i32
        %shift_right_arithmetic3A_1355 = arith.shrsi %min3A_1340, %shift_right_arithmetic3A_1354 : i32
        %and3A_1356 = arith.constant 127 : i32
        %and3A_1357 = arith.andi %min3A_1340, %and3A_1356 : i32
        %get3A_1358 = arith.index_cast %shift_right_arithmetic3A_1355 : i32 to index
        %get3A_1359 = arith.index_cast %and3A_1357 : i32 to index
        %get3A_1360 = tpu.vector_load %arg7[%get3A_1358, %get3A_1359] {strides = array<i32>} : memref<32x128xf32, #tpu.memory_space<vmem>>, vector<1x16xf32>,
        %get3A_1361 = vector.shape_cast %get3A_1360 : vector<1x16xf32> to vector<16xf32>
        %jit3A_1362 = arith.constant 1.000000e+00 : f32
        %broadcast_in_dim3A_1363 = vector.broadcast %jit3A_1362 : f32 to vector<16xf32>
        %select_n3A_1364 = arith.select %and3A_1353, %broadcast_in_dim3A_1363, %get3A_1361 : vector<16xi1>, vector<16xf32>
        %swap3A_1365 = arith.index_cast %shift_right_arithmetic3A_1355 : i32 to index
        %swap3A_1366 = arith.index_cast %and3A_1357 : i32 to index
        %swap3A_1367 = tpu.vector_load %arg7[%swap3A_1365, %swap3A_1366] {strides = array<i32>} : memref<32x128xf32, #tpu.memory_space<vmem>>, vector<1x16xf32>,
        %swap3A_1368 = vector.shape_cast %swap3A_1367 : vector<1x16xf32> to vector<16xf32>
        %swap3A_1369 = vector.shape_cast %select_n3A_1364 : vector<16xf32> to vector<1x16xf32>
        tpu.vector_store %arg7[%swap3A_1365, %swap3A_1366], %swap3A_1369 {strides = array<i32>} : memref<32x128xf32, #tpu.memory_space<vmem>>, vector<1x16xf32>,
        %add3A_1370 = arith.constant 80 : i32
        %add3A_1371 = arith.addi %min3A_1204, %add3A_1370 : i32
        %min3A_1372 = arith.constant 4080 : i32
        %min3A_1373 = arith.minsi %add3A_1371, %min3A_1372 : i32
        %add3A_1374 = vector.broadcast %min3A_1373 : i32 to vector<16xi32>
        %add3A_1375 = arith.addi %iota3A, %add3A_1374 : vector<16xi32>
        %ge3A_1376 = vector.broadcast %sub3A_1166 : i32 to vector<16xi32>
        %ge3A_1377 = arith.cmpi sge, %add3A_1375, %ge3A_1376 : vector<16xi32>
        %le3A_1378 = vector.broadcast %sub3A_1172 : i32 to vector<16xi32>
        %le3A_1379 = arith.cmpi sle, %add3A_1375, %le3A_1378 : vector<16xi32>
        %and3A_1380 = arith.andi %ge3A_1377, %le3A_1379 : vector<16xi1>
        %lt3A_1381 = vector.broadcast %sub3A_1173 : i32 to vector<16xi32>
        %lt3A_1382 = arith.cmpi slt, %add3A_1375, %lt3A_1381 : vector<16xi32>
        %gt3A_1383 = vector.broadcast %sub3A_1174 : i32 to vector<16xi32>
        %gt3A_1384 = arith.cmpi sgt, %add3A_1375, %gt3A_1383 : vector<16xi32>
        %or3A_1385 = arith.ori %lt3A_1382, %gt3A_1384 : vector<16xi1>
        %and3A_1386 = arith.andi %and3A_1380, %or3A_1385 : vector<16xi1>
        %shift_right_arithmetic3A_1387 = arith.constant 7 : i32
        %shift_right_arithmetic3A_1388 = arith.shrsi %min3A_1373, %shift_right_arithmetic3A_1387 : i32
        %and3A_1389 = arith.constant 127 : i32
        %and3A_1390 = arith.andi %min3A_1373, %and3A_1389 : i32
        %get3A_1391 = arith.index_cast %shift_right_arithmetic3A_1388 : i32 to index
        %get3A_1392 = arith.index_cast %and3A_1390 : i32 to index
        %get3A_1393 = tpu.vector_load %arg7[%get3A_1391, %get3A_1392] {strides = array<i32>} : memref<32x128xf32, #tpu.memory_space<vmem>>, vector<1x16xf32>,
        %get3A_1394 = vector.shape_cast %get3A_1393 : vector<1x16xf32> to vector<16xf32>
        %jit3A_1395 = arith.constant 1.000000e+00 : f32
        %broadcast_in_dim3A_1396 = vector.broadcast %jit3A_1395 : f32 to vector<16xf32>
        %select_n3A_1397 = arith.select %and3A_1386, %broadcast_in_dim3A_1396, %get3A_1394 : vector<16xi1>, vector<16xf32>
        %swap3A_1398 = arith.index_cast %shift_right_arithmetic3A_1388 : i32 to index
        %swap3A_1399 = arith.index_cast %and3A_1390 : i32 to index
        %swap3A_1400 = tpu.vector_load %arg7[%swap3A_1398, %swap3A_1399] {strides = array<i32>} : memref<32x128xf32, #tpu.memory_space<vmem>>, vector<1x16xf32>,
        %swap3A_1401 = vector.shape_cast %swap3A_1400 : vector<1x16xf32> to vector<16xf32>
        %swap3A_1402 = vector.shape_cast %select_n3A_1397 : vector<16xf32> to vector<1x16xf32>
        tpu.vector_store %arg7[%swap3A_1398, %swap3A_1399], %swap3A_1402 {strides = array<i32>} : memref<32x128xf32, #tpu.memory_space<vmem>>, vector<1x16xf32>,
        %add3A_1403 = arith.constant 96 : i32
        %add3A_1404 = arith.addi %min3A_1204, %add3A_1403 : i32
        %min3A_1405 = arith.constant 4080 : i32
        %min3A_1406 = arith.minsi %add3A_1404, %min3A_1405 : i32
        %add3A_1407 = vector.broadcast %min3A_1406 : i32 to vector<16xi32>
        %add3A_1408 = arith.addi %iota3A, %add3A_1407 : vector<16xi32>
        %ge3A_1409 = vector.broadcast %sub3A_1166 : i32 to vector<16xi32>
        %ge3A_1410 = arith.cmpi sge, %add3A_1408, %ge3A_1409 : vector<16xi32>
        %le3A_1411 = vector.broadcast %sub3A_1172 : i32 to vector<16xi32>
        %le3A_1412 = arith.cmpi sle, %add3A_1408, %le3A_1411 : vector<16xi32>
        %and3A_1413 = arith.andi %ge3A_1410, %le3A_1412 : vector<16xi1>
        %lt3A_1414 = vector.broadcast %sub3A_1173 : i32 to vector<16xi32>
        %lt3A_1415 = arith.cmpi slt, %add3A_1408, %lt3A_1414 : vector<16xi32>
        %gt3A_1416 = vector.broadcast %sub3A_1174 : i32 to vector<16xi32>
        %gt3A_1417 = arith.cmpi sgt, %add3A_1408, %gt3A_1416 : vector<16xi32>
        %or3A_1418 = arith.ori %lt3A_1415, %gt3A_1417 : vector<16xi1>
        %and3A_1419 = arith.andi %and3A_1413, %or3A_1418 : vector<16xi1>
        %shift_right_arithmetic3A_1420 = arith.constant 7 : i32
        %shift_right_arithmetic3A_1421 = arith.shrsi %min3A_1406, %shift_right_arithmetic3A_1420 : i32
        %and3A_1422 = arith.constant 127 : i32
        %and3A_1423 = arith.andi %min3A_1406, %and3A_1422 : i32
        %get3A_1424 = arith.index_cast %shift_right_arithmetic3A_1421 : i32 to index
        %get3A_1425 = arith.index_cast %and3A_1423 : i32 to index
        %get3A_1426 = tpu.vector_load %arg7[%get3A_1424, %get3A_1425] {strides = array<i32>} : memref<32x128xf32, #tpu.memory_space<vmem>>, vector<1x16xf32>,
        %get3A_1427 = vector.shape_cast %get3A_1426 : vector<1x16xf32> to vector<16xf32>
        %jit3A_1428 = arith.constant 1.000000e+00 : f32
        %broadcast_in_dim3A_1429 = vector.broadcast %jit3A_1428 : f32 to vector<16xf32>
        %select_n3A_1430 = arith.select %and3A_1419, %broadcast_in_dim3A_1429, %get3A_1427 : vector<16xi1>, vector<16xf32>
        %swap3A_1431 = arith.index_cast %shift_right_arithmetic3A_1421 : i32 to index
        %swap3A_1432 = arith.index_cast %and3A_1423 : i32 to index
        %swap3A_1433 = tpu.vector_load %arg7[%swap3A_1431, %swap3A_1432] {strides = array<i32>} : memref<32x128xf32, #tpu.memory_space<vmem>>, vector<1x16xf32>,
        %swap3A_1434 = vector.shape_cast %swap3A_1433 : vector<1x16xf32> to vector<16xf32>
        %swap3A_1435 = vector.shape_cast %select_n3A_1430 : vector<16xf32> to vector<1x16xf32>
        tpu.vector_store %arg7[%swap3A_1431, %swap3A_1432], %swap3A_1435 {strides = array<i32>} : memref<32x128xf32, #tpu.memory_space<vmem>>, vector<1x16xf32>,
        %add3A_1436 = arith.constant 112 : i32
        %add3A_1437 = arith.addi %min3A_1204, %add3A_1436 : i32
        %min3A_1438 = arith.constant 4080 : i32
        %min3A_1439 = arith.minsi %add3A_1437, %min3A_1438 : i32
        %add3A_1440 = vector.broadcast %min3A_1439 : i32 to vector<16xi32>
        %add3A_1441 = arith.addi %iota3A, %add3A_1440 : vector<16xi32>
        %ge3A_1442 = vector.broadcast %sub3A_1166 : i32 to vector<16xi32>
        %ge3A_1443 = arith.cmpi sge, %add3A_1441, %ge3A_1442 : vector<16xi32>
        %le3A_1444 = vector.broadcast %sub3A_1172 : i32 to vector<16xi32>
        %le3A_1445 = arith.cmpi sle, %add3A_1441, %le3A_1444 : vector<16xi32>
        %and3A_1446 = arith.andi %ge3A_1443, %le3A_1445 : vector<16xi1>
        %lt3A_1447 = vector.broadcast %sub3A_1173 : i32 to vector<16xi32>
        %lt3A_1448 = arith.cmpi slt, %add3A_1441, %lt3A_1447 : vector<16xi32>
        %gt3A_1449 = vector.broadcast %sub3A_1174 : i32 to vector<16xi32>
        %gt3A_1450 = arith.cmpi sgt, %add3A_1441, %gt3A_1449 : vector<16xi32>
        %or3A_1451 = arith.ori %lt3A_1448, %gt3A_1450 : vector<16xi1>
        %and3A_1452 = arith.andi %and3A_1446, %or3A_1451 : vector<16xi1>
        %shift_right_arithmetic3A_1453 = arith.constant 7 : i32
        %shift_right_arithmetic3A_1454 = arith.shrsi %min3A_1439, %shift_right_arithmetic3A_1453 : i32
        %and3A_1455 = arith.constant 127 : i32
        %and3A_1456 = arith.andi %min3A_1439, %and3A_1455 : i32
        %get3A_1457 = arith.index_cast %shift_right_arithmetic3A_1454 : i32 to index
        %get3A_1458 = arith.index_cast %and3A_1456 : i32 to index
        %get3A_1459 = tpu.vector_load %arg7[%get3A_1457, %get3A_1458] {strides = array<i32>} : memref<32x128xf32, #tpu.memory_space<vmem>>, vector<1x16xf32>,
        %get3A_1460 = vector.shape_cast %get3A_1459 : vector<1x16xf32> to vector<16xf32>
        %jit3A_1461 = arith.constant 1.000000e+00 : f32
        %broadcast_in_dim3A_1462 = vector.broadcast %jit3A_1461 : f32 to vector<16xf32>
        %select_n3A_1463 = arith.select %and3A_1452, %broadcast_in_dim3A_1462, %get3A_1460 : vector<16xi1>, vector<16xf32>
        %swap3A_1464 = arith.index_cast %shift_right_arithmetic3A_1454 : i32 to index
        %swap3A_1465 = arith.index_cast %and3A_1456 : i32 to index
        %swap3A_1466 = tpu.vector_load %arg7[%swap3A_1464, %swap3A_1465] {strides = array<i32>} : memref<32x128xf32, #tpu.memory_space<vmem>>, vector<1x16xf32>,
        %swap3A_1467 = vector.shape_cast %swap3A_1466 : vector<1x16xf32> to vector<16xf32>
        %swap3A_1468 = vector.shape_cast %select_n3A_1463 : vector<16xf32> to vector<1x16xf32>
        tpu.vector_store %arg7[%swap3A_1464, %swap3A_1465], %swap3A_1468 {strides = array<i32>} : memref<32x128xf32, #tpu.memory_space<vmem>>, vector<1x16xf32>,
        %mul3A_1469 = arith.constant 1.250000e-01 : f32
        %mul3A_1470 = arith.mulf %squeeze3A_27, %mul3A_1469 : f32
        %max3A_1471 = arith.constant 0.000000e+00 : f32
        %max3A_1472 = arith.maximumf %mul3A_1470, %max3A_1471 : f32
        %convert_element_type3A_1473 = arith.fptosi %max3A_1472 : f32 to i32
        %convert_element_type3A_1474 = arith.sitofp %convert_element_type3A_1473 : i32 to f32
        %lt3A_1475 = arith.cmpf olt, %convert_element_type3A_1474, %max3A_1472 : f32
        %convert_element_type3A_1476 = arith.extui %lt3A_1475 : i1 to i32
        %add3A_1477 = arith.addi %convert_element_type3A_1473, %convert_element_type3A_1476 : i32
        %sub3A_1478 = arith.constant 498.537109 : f32
        %sub3A_1479 = arith.subf %squeeze3A_29, %sub3A_1478 : f32
        %mul3A_1480 = arith.constant 1.250000e-01 : f32
        %mul3A_1481 = arith.mulf %sub3A_1479, %mul3A_1480 : f32
        %max3A_1482 = arith.constant 0.000000e+00 : f32
        %max3A_1483 = arith.maximumf %mul3A_1481, %max3A_1482 : f32
        %convert_element_type3A_1484 = arith.fptosi %max3A_1483 : f32 to i32
        %lt3A_1485 = arith.constant 0.000000e+00 : f32
        %lt3A_1486 = arith.cmpf olt, %mul3A_1481, %lt3A_1485 : f32
        %add3A_1487 = arith.constant 1 : i32
        %add3A_1488 = arith.addi %convert_element_type3A_1484, %add3A_1487 : i32
        %jit3A_1489 = arith.constant 0 : i32
        %select_n3A_1490 = arith.select %lt3A_1486, %jit3A_1489, %add3A_1488 : i32
        %max3A_1491 = arith.maxsi %add3A_1477, %select_n3A_1490 : i32
        %mul3A_1492 = arith.constant 1.250000e-01 : f32
        %mul3A_1493 = arith.mulf %squeeze3A_29, %mul3A_1492 : f32
        %max3A_1494 = arith.constant 0.000000e+00 : f32
        %max3A_1495 = arith.maximumf %mul3A_1493, %max3A_1494 : f32
        %convert_element_type3A_1496 = arith.fptosi %max3A_1495 : f32 to i32
        %lt3A_1497 = arith.constant 0.000000e+00 : f32
        %lt3A_1498 = arith.cmpf olt, %mul3A_1493, %lt3A_1497 : f32
        %jit3A_1499 = arith.constant -1 : i32
        %select_n3A_1500 = arith.select %lt3A_1498, %jit3A_1499, %convert_element_type3A_1496 : i32
        %add3A_1501 = arith.constant 498.537109 : f32
        %add3A_1502 = arith.addf %squeeze3A_27, %add3A_1501 : f32
        %mul3A_1503 = arith.constant 1.250000e-01 : f32
        %mul3A_1504 = arith.mulf %add3A_1502, %mul3A_1503 : f32
        %max3A_1505 = arith.constant 0.000000e+00 : f32
        %max3A_1506 = arith.maximumf %mul3A_1504, %max3A_1505 : f32
        %convert_element_type3A_1507 = arith.fptosi %max3A_1506 : f32 to i32
        %convert_element_type3A_1508 = arith.sitofp %convert_element_type3A_1507 : i32 to f32
        %lt3A_1509 = arith.cmpf olt, %convert_element_type3A_1508, %max3A_1506 : f32
        %convert_element_type3A_1510 = arith.extui %lt3A_1509 : i1 to i32
        %add3A_1511 = arith.addi %convert_element_type3A_1507, %convert_element_type3A_1510 : i32
        %le3A_1512 = arith.constant 0.000000e+00 : f32
        %le3A_1513 = arith.cmpf ole, %mul3A_1504, %le3A_1512 : f32
        %sub3A_1514 = arith.constant 1 : i32
        %sub3A_1515 = arith.subi %add3A_1511, %sub3A_1514 : i32
        %jit3A_1516 = arith.constant -1 : i32
        %select_n3A_1517 = arith.select %le3A_1513, %jit3A_1516, %sub3A_1515 : i32
        %min3A_1518 = arith.minsi %select_n3A_1500, %select_n3A_1517 : i32
        %max3A_1519 = arith.constant 0 : i32
        %max3A_1520 = arith.maxsi %max3A_1491, %max3A_1519 : i32
        %min3A_1521 = arith.constant 511 : i32
        %min3A_1522 = arith.minsi %min3A_1518, %min3A_1521 : i32
        %sub3A_1523 = arith.constant 322.308594 : f32
        %sub3A_1524 = arith.subf %squeeze3A_29, %sub3A_1523 : f32
        %mul3A_1525 = arith.constant 1.250000e-01 : f32
        %mul3A_1526 = arith.mulf %sub3A_1524, %mul3A_1525 : f32
        %max3A_1527 = arith.constant 0.000000e+00 : f32
        %max3A_1528 = arith.maximumf %mul3A_1526, %max3A_1527 : f32
        %convert_element_type3A_1529 = arith.fptosi %max3A_1528 : f32 to i32
        %lt3A_1530 = arith.constant 0.000000e+00 : f32
        %lt3A_1531 = arith.cmpf olt, %mul3A_1526, %lt3A_1530 : f32
        %add3A_1532 = arith.constant 1 : i32
        %add3A_1533 = arith.addi %convert_element_type3A_1529, %add3A_1532 : i32
        %jit3A_1534 = arith.constant 0 : i32
        %select_n3A_1535 = arith.select %lt3A_1531, %jit3A_1534, %add3A_1533 : i32
        %add3A_1536 = arith.constant 322.308594 : f32
        %add3A_1537 = arith.addf %squeeze3A_27, %add3A_1536 : f32
        %mul3A_1538 = arith.constant 1.250000e-01 : f32
        %mul3A_1539 = arith.mulf %add3A_1537, %mul3A_1538 : f32
        %max3A_1540 = arith.constant 0.000000e+00 : f32
        %max3A_1541 = arith.maximumf %mul3A_1539, %max3A_1540 : f32
        %convert_element_type3A_1542 = arith.fptosi %max3A_1541 : f32 to i32
        %convert_element_type3A_1543 = arith.sitofp %convert_element_type3A_1542 : i32 to f32
        %lt3A_1544 = arith.cmpf olt, %convert_element_type3A_1543, %max3A_1541 : f32
        %convert_element_type3A_1545 = arith.extui %lt3A_1544 : i1 to i32
        %add3A_1546 = arith.addi %convert_element_type3A_1542, %convert_element_type3A_1545 : i32
        %le3A_1547 = arith.constant 0.000000e+00 : f32
        %le3A_1548 = arith.cmpf ole, %mul3A_1539, %le3A_1547 : f32
        %sub3A_1549 = arith.constant 1 : i32
        %sub3A_1550 = arith.subi %add3A_1546, %sub3A_1549 : i32
        %jit3A_1551 = arith.constant -1 : i32
        %select_n3A_1552 = arith.select %le3A_1548, %jit3A_1551, %sub3A_1550 : i32
        %add3A_1553 = arith.constant 7168 : i32
        %add3A_1554 = arith.addi %max3A_1520, %add3A_1553 : i32
        %add3A_1555 = arith.constant 7168 : i32
        %add3A_1556 = arith.addi %min3A_1522, %add3A_1555 : i32
        %add3A_1557 = arith.constant 7168 : i32
        %add3A_1558 = arith.addi %select_n3A_1535, %add3A_1557 : i32
        %add3A_1559 = arith.constant 7168 : i32
        %add3A_1560 = arith.addi %select_n3A_1552, %add3A_1559 : i32
        %max3A_1561 = arith.maxsi %add3A_1554, %mul3A_0 : i32
        %sub3A_1562 = arith.subi %max3A_1561, %mul3A_0 : i32
        %add3A_1563 = arith.constant 4096 : i32
        %add3A_1564 = arith.addi %mul3A_0, %add3A_1563 : i32
        %sub3A_1565 = arith.constant 1 : i32
        %sub3A_1566 = arith.subi %add3A_1564, %sub3A_1565 : i32
        %min3A_1567 = arith.minsi %add3A_1556, %sub3A_1566 : i32
        %sub3A_1568 = arith.subi %min3A_1567, %mul3A_0 : i32
        %sub3A_1569 = arith.subi %add3A_1558, %mul3A_0 : i32
        %sub3A_1570 = arith.subi %add3A_1560, %mul3A_0 : i32
        %jit3A_1571 = arith.constant 16 : i32
        %div3A_1572 = arith.divsi %sub3A_1562, %jit3A_1571 : i32
        %sign3A_1573 = arith.constant 0 : i32
        %sign3A_1574 = arith.cmpi sgt, %sub3A_1562, %sign3A_1573 : i32
        %sign3A_1575 = arith.extui %sign3A_1574 : i1 to i32
        %sign3A_1576 = arith.constant 0 : i32
        %sign3A_1577 = arith.cmpi slt, %sub3A_1562, %sign3A_1576 : i32
        %sign3A_1578 = arith.extui %sign3A_1577 : i1 to i32
        %sign3A_1579 = arith.subi %sign3A_1575, %sign3A_1578 : i32
        %sign3A_1580 = arith.constant 0 : i32
        %sign3A_1581 = arith.cmpi sgt, %jit3A_1571, %sign3A_1580 : i32
        %sign3A_1582 = arith.extui %sign3A_1581 : i1 to i32
        %sign3A_1583 = arith.constant 0 : i32
        %sign3A_1584 = arith.cmpi slt, %jit3A_1571, %sign3A_1583 : i32
        %sign3A_1585 = arith.extui %sign3A_1584 : i1 to i32
        %sign3A_1586 = arith.subi %sign3A_1582, %sign3A_1585 : i32
        %ne3A_1587 = arith.cmpi ne, %sign3A_1579, %sign3A_1586 : i32
        %rem3A_1588 = arith.remsi %sub3A_1562, %jit3A_1571 : i32
        %ne3A_1589 = arith.constant 0 : i32
        %ne3A_1590 = arith.cmpi ne, %rem3A_1588, %ne3A_1589 : i32
        %and3A_1591 = arith.andi %ne3A_1587, %ne3A_1590 : i1
        %sub3A_1592 = arith.constant 1 : i32
        %sub3A_1593 = arith.subi %div3A_1572, %sub3A_1592 : i32
        %select_n3A_1594 = arith.select %and3A_1591, %sub3A_1593, %div3A_1572 : i32
        %mul3A_1595 = arith.constant 16 : i32
        %mul3A_1596 = arith.muli %select_n3A_1594, %mul3A_1595 : i32
        %jit3A_1597 = arith.constant 0 : i32
        %jit3A_1598 = arith.constant 4080 : i32
        %max3A_1599 = arith.maxsi %jit3A_1597, %mul3A_1596 : i32
        %min3A_1600 = arith.minsi %jit3A_1598, %max3A_1599 : i32
        %add3A_1601 = arith.constant 0 : i32
        %add3A_1602 = arith.addi %min3A_1600, %add3A_1601 : i32
        %min3A_1603 = arith.constant 4080 : i32
        %min3A_1604 = arith.minsi %add3A_1602, %min3A_1603 : i32
        %add3A_1605 = vector.broadcast %min3A_1604 : i32 to vector<16xi32>
        %add3A_1606 = arith.addi %iota3A, %add3A_1605 : vector<16xi32>
        %ge3A_1607 = vector.broadcast %sub3A_1562 : i32 to vector<16xi32>
        %ge3A_1608 = arith.cmpi sge, %add3A_1606, %ge3A_1607 : vector<16xi32>
        %le3A_1609 = vector.broadcast %sub3A_1568 : i32 to vector<16xi32>
        %le3A_1610 = arith.cmpi sle, %add3A_1606, %le3A_1609 : vector<16xi32>
        %and3A_1611 = arith.andi %ge3A_1608, %le3A_1610 : vector<16xi1>
        %lt3A_1612 = vector.broadcast %sub3A_1569 : i32 to vector<16xi32>
        %lt3A_1613 = arith.cmpi slt, %add3A_1606, %lt3A_1612 : vector<16xi32>
        %gt3A_1614 = vector.broadcast %sub3A_1570 : i32 to vector<16xi32>
        %gt3A_1615 = arith.cmpi sgt, %add3A_1606, %gt3A_1614 : vector<16xi32>
        %or3A_1616 = arith.ori %lt3A_1613, %gt3A_1615 : vector<16xi1>
        %and3A_1617 = arith.andi %and3A_1611, %or3A_1616 : vector<16xi1>
        %shift_right_arithmetic3A_1618 = arith.constant 7 : i32
        %shift_right_arithmetic3A_1619 = arith.shrsi %min3A_1604, %shift_right_arithmetic3A_1618 : i32
        %and3A_1620 = arith.constant 127 : i32
        %and3A_1621 = arith.andi %min3A_1604, %and3A_1620 : i32
        %get3A_1622 = arith.index_cast %shift_right_arithmetic3A_1619 : i32 to index
        %get3A_1623 = arith.index_cast %and3A_1621 : i32 to index
        %get3A_1624 = tpu.vector_load %arg7[%get3A_1622, %get3A_1623] {strides = array<i32>} : memref<32x128xf32, #tpu.memory_space<vmem>>, vector<1x16xf32>,
        %get3A_1625 = vector.shape_cast %get3A_1624 : vector<1x16xf32> to vector<16xf32>
        %jit3A_1626 = arith.constant 1.000000e+00 : f32
        %broadcast_in_dim3A_1627 = vector.broadcast %jit3A_1626 : f32 to vector<16xf32>
        %select_n3A_1628 = arith.select %and3A_1617, %broadcast_in_dim3A_1627, %get3A_1625 : vector<16xi1>, vector<16xf32>
        %swap3A_1629 = arith.index_cast %shift_right_arithmetic3A_1619 : i32 to index
        %swap3A_1630 = arith.index_cast %and3A_1621 : i32 to index
        %swap3A_1631 = tpu.vector_load %arg7[%swap3A_1629, %swap3A_1630] {strides = array<i32>} : memref<32x128xf32, #tpu.memory_space<vmem>>, vector<1x16xf32>,
        %swap3A_1632 = vector.shape_cast %swap3A_1631 : vector<1x16xf32> to vector<16xf32>
        %swap3A_1633 = vector.shape_cast %select_n3A_1628 : vector<16xf32> to vector<1x16xf32>
        tpu.vector_store %arg7[%swap3A_1629, %swap3A_1630], %swap3A_1633 {strides = array<i32>} : memref<32x128xf32, #tpu.memory_space<vmem>>, vector<1x16xf32>,
        %add3A_1634 = arith.constant 16 : i32
        %add3A_1635 = arith.addi %min3A_1600, %add3A_1634 : i32
        %min3A_1636 = arith.constant 4080 : i32
        %min3A_1637 = arith.minsi %add3A_1635, %min3A_1636 : i32
        %add3A_1638 = vector.broadcast %min3A_1637 : i32 to vector<16xi32>
        %add3A_1639 = arith.addi %iota3A, %add3A_1638 : vector<16xi32>
        %ge3A_1640 = vector.broadcast %sub3A_1562 : i32 to vector<16xi32>
        %ge3A_1641 = arith.cmpi sge, %add3A_1639, %ge3A_1640 : vector<16xi32>
        %le3A_1642 = vector.broadcast %sub3A_1568 : i32 to vector<16xi32>
        %le3A_1643 = arith.cmpi sle, %add3A_1639, %le3A_1642 : vector<16xi32>
        %and3A_1644 = arith.andi %ge3A_1641, %le3A_1643 : vector<16xi1>
        %lt3A_1645 = vector.broadcast %sub3A_1569 : i32 to vector<16xi32>
        %lt3A_1646 = arith.cmpi slt, %add3A_1639, %lt3A_1645 : vector<16xi32>
        %gt3A_1647 = vector.broadcast %sub3A_1570 : i32 to vector<16xi32>
        %gt3A_1648 = arith.cmpi sgt, %add3A_1639, %gt3A_1647 : vector<16xi32>
        %or3A_1649 = arith.ori %lt3A_1646, %gt3A_1648 : vector<16xi1>
        %and3A_1650 = arith.andi %and3A_1644, %or3A_1649 : vector<16xi1>
        %shift_right_arithmetic3A_1651 = arith.constant 7 : i32
        %shift_right_arithmetic3A_1652 = arith.shrsi %min3A_1637, %shift_right_arithmetic3A_1651 : i32
        %and3A_1653 = arith.constant 127 : i32
        %and3A_1654 = arith.andi %min3A_1637, %and3A_1653 : i32
        %get3A_1655 = arith.index_cast %shift_right_arithmetic3A_1652 : i32 to index
        %get3A_1656 = arith.index_cast %and3A_1654 : i32 to index
        %get3A_1657 = tpu.vector_load %arg7[%get3A_1655, %get3A_1656] {strides = array<i32>} : memref<32x128xf32, #tpu.memory_space<vmem>>, vector<1x16xf32>,
        %get3A_1658 = vector.shape_cast %get3A_1657 : vector<1x16xf32> to vector<16xf32>
        %jit3A_1659 = arith.constant 1.000000e+00 : f32
        %broadcast_in_dim3A_1660 = vector.broadcast %jit3A_1659 : f32 to vector<16xf32>
        %select_n3A_1661 = arith.select %and3A_1650, %broadcast_in_dim3A_1660, %get3A_1658 : vector<16xi1>, vector<16xf32>
        %swap3A_1662 = arith.index_cast %shift_right_arithmetic3A_1652 : i32 to index
        %swap3A_1663 = arith.index_cast %and3A_1654 : i32 to index
        %swap3A_1664 = tpu.vector_load %arg7[%swap3A_1662, %swap3A_1663] {strides = array<i32>} : memref<32x128xf32, #tpu.memory_space<vmem>>, vector<1x16xf32>,
        %swap3A_1665 = vector.shape_cast %swap3A_1664 : vector<1x16xf32> to vector<16xf32>
        %swap3A_1666 = vector.shape_cast %select_n3A_1661 : vector<16xf32> to vector<1x16xf32>
        tpu.vector_store %arg7[%swap3A_1662, %swap3A_1663], %swap3A_1666 {strides = array<i32>} : memref<32x128xf32, #tpu.memory_space<vmem>>, vector<1x16xf32>,
        %add3A_1667 = arith.constant 32 : i32
        %add3A_1668 = arith.addi %min3A_1600, %add3A_1667 : i32
        %min3A_1669 = arith.constant 4080 : i32
        %min3A_1670 = arith.minsi %add3A_1668, %min3A_1669 : i32
        %add3A_1671 = vector.broadcast %min3A_1670 : i32 to vector<16xi32>
        %add3A_1672 = arith.addi %iota3A, %add3A_1671 : vector<16xi32>
        %ge3A_1673 = vector.broadcast %sub3A_1562 : i32 to vector<16xi32>
        %ge3A_1674 = arith.cmpi sge, %add3A_1672, %ge3A_1673 : vector<16xi32>
        %le3A_1675 = vector.broadcast %sub3A_1568 : i32 to vector<16xi32>
        %le3A_1676 = arith.cmpi sle, %add3A_1672, %le3A_1675 : vector<16xi32>
        %and3A_1677 = arith.andi %ge3A_1674, %le3A_1676 : vector<16xi1>
        %lt3A_1678 = vector.broadcast %sub3A_1569 : i32 to vector<16xi32>
        %lt3A_1679 = arith.cmpi slt, %add3A_1672, %lt3A_1678 : vector<16xi32>
        %gt3A_1680 = vector.broadcast %sub3A_1570 : i32 to vector<16xi32>
        %gt3A_1681 = arith.cmpi sgt, %add3A_1672, %gt3A_1680 : vector<16xi32>
        %or3A_1682 = arith.ori %lt3A_1679, %gt3A_1681 : vector<16xi1>
        %and3A_1683 = arith.andi %and3A_1677, %or3A_1682 : vector<16xi1>
        %shift_right_arithmetic3A_1684 = arith.constant 7 : i32
        %shift_right_arithmetic3A_1685 = arith.shrsi %min3A_1670, %shift_right_arithmetic3A_1684 : i32
        %and3A_1686 = arith.constant 127 : i32
        %and3A_1687 = arith.andi %min3A_1670, %and3A_1686 : i32
        %get3A_1688 = arith.index_cast %shift_right_arithmetic3A_1685 : i32 to index
        %get3A_1689 = arith.index_cast %and3A_1687 : i32 to index
        %get3A_1690 = tpu.vector_load %arg7[%get3A_1688, %get3A_1689] {strides = array<i32>} : memref<32x128xf32, #tpu.memory_space<vmem>>, vector<1x16xf32>,
        %get3A_1691 = vector.shape_cast %get3A_1690 : vector<1x16xf32> to vector<16xf32>
        %jit3A_1692 = arith.constant 1.000000e+00 : f32
        %broadcast_in_dim3A_1693 = vector.broadcast %jit3A_1692 : f32 to vector<16xf32>
        %select_n3A_1694 = arith.select %and3A_1683, %broadcast_in_dim3A_1693, %get3A_1691 : vector<16xi1>, vector<16xf32>
        %swap3A_1695 = arith.index_cast %shift_right_arithmetic3A_1685 : i32 to index
        %swap3A_1696 = arith.index_cast %and3A_1687 : i32 to index
        %swap3A_1697 = tpu.vector_load %arg7[%swap3A_1695, %swap3A_1696] {strides = array<i32>} : memref<32x128xf32, #tpu.memory_space<vmem>>, vector<1x16xf32>,
        %swap3A_1698 = vector.shape_cast %swap3A_1697 : vector<1x16xf32> to vector<16xf32>
        %swap3A_1699 = vector.shape_cast %select_n3A_1694 : vector<16xf32> to vector<1x16xf32>
        tpu.vector_store %arg7[%swap3A_1695, %swap3A_1696], %swap3A_1699 {strides = array<i32>} : memref<32x128xf32, #tpu.memory_space<vmem>>, vector<1x16xf32>,
        %add3A_1700 = arith.constant 48 : i32
        %add3A_1701 = arith.addi %min3A_1600, %add3A_1700 : i32
        %min3A_1702 = arith.constant 4080 : i32
        %min3A_1703 = arith.minsi %add3A_1701, %min3A_1702 : i32
        %add3A_1704 = vector.broadcast %min3A_1703 : i32 to vector<16xi32>
        %add3A_1705 = arith.addi %iota3A, %add3A_1704 : vector<16xi32>
        %ge3A_1706 = vector.broadcast %sub3A_1562 : i32 to vector<16xi32>
        %ge3A_1707 = arith.cmpi sge, %add3A_1705, %ge3A_1706 : vector<16xi32>
        %le3A_1708 = vector.broadcast %sub3A_1568 : i32 to vector<16xi32>
        %le3A_1709 = arith.cmpi sle, %add3A_1705, %le3A_1708 : vector<16xi32>
        %and3A_1710 = arith.andi %ge3A_1707, %le3A_1709 : vector<16xi1>
        %lt3A_1711 = vector.broadcast %sub3A_1569 : i32 to vector<16xi32>
        %lt3A_1712 = arith.cmpi slt, %add3A_1705, %lt3A_1711 : vector<16xi32>
        %gt3A_1713 = vector.broadcast %sub3A_1570 : i32 to vector<16xi32>
        %gt3A_1714 = arith.cmpi sgt, %add3A_1705, %gt3A_1713 : vector<16xi32>
        %or3A_1715 = arith.ori %lt3A_1712, %gt3A_1714 : vector<16xi1>
        %and3A_1716 = arith.andi %and3A_1710, %or3A_1715 : vector<16xi1>
        %shift_right_arithmetic3A_1717 = arith.constant 7 : i32
        %shift_right_arithmetic3A_1718 = arith.shrsi %min3A_1703, %shift_right_arithmetic3A_1717 : i32
        %and3A_1719 = arith.constant 127 : i32
        %and3A_1720 = arith.andi %min3A_1703, %and3A_1719 : i32
        %get3A_1721 = arith.index_cast %shift_right_arithmetic3A_1718 : i32 to index
        %get3A_1722 = arith.index_cast %and3A_1720 : i32 to index
        %get3A_1723 = tpu.vector_load %arg7[%get3A_1721, %get3A_1722] {strides = array<i32>} : memref<32x128xf32, #tpu.memory_space<vmem>>, vector<1x16xf32>,
        %get3A_1724 = vector.shape_cast %get3A_1723 : vector<1x16xf32> to vector<16xf32>
        %jit3A_1725 = arith.constant 1.000000e+00 : f32
        %broadcast_in_dim3A_1726 = vector.broadcast %jit3A_1725 : f32 to vector<16xf32>
        %select_n3A_1727 = arith.select %and3A_1716, %broadcast_in_dim3A_1726, %get3A_1724 : vector<16xi1>, vector<16xf32>
        %swap3A_1728 = arith.index_cast %shift_right_arithmetic3A_1718 : i32 to index
        %swap3A_1729 = arith.index_cast %and3A_1720 : i32 to index
        %swap3A_1730 = tpu.vector_load %arg7[%swap3A_1728, %swap3A_1729] {strides = array<i32>} : memref<32x128xf32, #tpu.memory_space<vmem>>, vector<1x16xf32>,
        %swap3A_1731 = vector.shape_cast %swap3A_1730 : vector<1x16xf32> to vector<16xf32>
        %swap3A_1732 = vector.shape_cast %select_n3A_1727 : vector<16xf32> to vector<1x16xf32>
        tpu.vector_store %arg7[%swap3A_1728, %swap3A_1729], %swap3A_1732 {strides = array<i32>} : memref<32x128xf32, #tpu.memory_space<vmem>>, vector<1x16xf32>,
        %add3A_1733 = arith.constant 64 : i32
        %add3A_1734 = arith.addi %min3A_1600, %add3A_1733 : i32
        %min3A_1735 = arith.constant 4080 : i32
        %min3A_1736 = arith.minsi %add3A_1734, %min3A_1735 : i32
        %add3A_1737 = vector.broadcast %min3A_1736 : i32 to vector<16xi32>
        %add3A_1738 = arith.addi %iota3A, %add3A_1737 : vector<16xi32>
        %ge3A_1739 = vector.broadcast %sub3A_1562 : i32 to vector<16xi32>
        %ge3A_1740 = arith.cmpi sge, %add3A_1738, %ge3A_1739 : vector<16xi32>
        %le3A_1741 = vector.broadcast %sub3A_1568 : i32 to vector<16xi32>
        %le3A_1742 = arith.cmpi sle, %add3A_1738, %le3A_1741 : vector<16xi32>
        %and3A_1743 = arith.andi %ge3A_1740, %le3A_1742 : vector<16xi1>
        %lt3A_1744 = vector.broadcast %sub3A_1569 : i32 to vector<16xi32>
        %lt3A_1745 = arith.cmpi slt, %add3A_1738, %lt3A_1744 : vector<16xi32>
        %gt3A_1746 = vector.broadcast %sub3A_1570 : i32 to vector<16xi32>
        %gt3A_1747 = arith.cmpi sgt, %add3A_1738, %gt3A_1746 : vector<16xi32>
        %or3A_1748 = arith.ori %lt3A_1745, %gt3A_1747 : vector<16xi1>
        %and3A_1749 = arith.andi %and3A_1743, %or3A_1748 : vector<16xi1>
        %shift_right_arithmetic3A_1750 = arith.constant 7 : i32
        %shift_right_arithmetic3A_1751 = arith.shrsi %min3A_1736, %shift_right_arithmetic3A_1750 : i32
        %and3A_1752 = arith.constant 127 : i32
        %and3A_1753 = arith.andi %min3A_1736, %and3A_1752 : i32
        %get3A_1754 = arith.index_cast %shift_right_arithmetic3A_1751 : i32 to index
        %get3A_1755 = arith.index_cast %and3A_1753 : i32 to index
        %get3A_1756 = tpu.vector_load %arg7[%get3A_1754, %get3A_1755] {strides = array<i32>} : memref<32x128xf32, #tpu.memory_space<vmem>>, vector<1x16xf32>,
        %get3A_1757 = vector.shape_cast %get3A_1756 : vector<1x16xf32> to vector<16xf32>
        %jit3A_1758 = arith.constant 1.000000e+00 : f32
        %broadcast_in_dim3A_1759 = vector.broadcast %jit3A_1758 : f32 to vector<16xf32>
        %select_n3A_1760 = arith.select %and3A_1749, %broadcast_in_dim3A_1759, %get3A_1757 : vector<16xi1>, vector<16xf32>
        %swap3A_1761 = arith.index_cast %shift_right_arithmetic3A_1751 : i32 to index
        %swap3A_1762 = arith.index_cast %and3A_1753 : i32 to index
        %swap3A_1763 = tpu.vector_load %arg7[%swap3A_1761, %swap3A_1762] {strides = array<i32>} : memref<32x128xf32, #tpu.memory_space<vmem>>, vector<1x16xf32>,
        %swap3A_1764 = vector.shape_cast %swap3A_1763 : vector<1x16xf32> to vector<16xf32>
        %swap3A_1765 = vector.shape_cast %select_n3A_1760 : vector<16xf32> to vector<1x16xf32>
        tpu.vector_store %arg7[%swap3A_1761, %swap3A_1762], %swap3A_1765 {strides = array<i32>} : memref<32x128xf32, #tpu.memory_space<vmem>>, vector<1x16xf32>,
        %add3A_1766 = arith.constant 80 : i32
        %add3A_1767 = arith.addi %min3A_1600, %add3A_1766 : i32
        %min3A_1768 = arith.constant 4080 : i32
        %min3A_1769 = arith.minsi %add3A_1767, %min3A_1768 : i32
        %add3A_1770 = vector.broadcast %min3A_1769 : i32 to vector<16xi32>
        %add3A_1771 = arith.addi %iota3A, %add3A_1770 : vector<16xi32>
        %ge3A_1772 = vector.broadcast %sub3A_1562 : i32 to vector<16xi32>
        %ge3A_1773 = arith.cmpi sge, %add3A_1771, %ge3A_1772 : vector<16xi32>
        %le3A_1774 = vector.broadcast %sub3A_1568 : i32 to vector<16xi32>
        %le3A_1775 = arith.cmpi sle, %add3A_1771, %le3A_1774 : vector<16xi32>
        %and3A_1776 = arith.andi %ge3A_1773, %le3A_1775 : vector<16xi1>
        %lt3A_1777 = vector.broadcast %sub3A_1569 : i32 to vector<16xi32>
        %lt3A_1778 = arith.cmpi slt, %add3A_1771, %lt3A_1777 : vector<16xi32>
        %gt3A_1779 = vector.broadcast %sub3A_1570 : i32 to vector<16xi32>
        %gt3A_1780 = arith.cmpi sgt, %add3A_1771, %gt3A_1779 : vector<16xi32>
        %or3A_1781 = arith.ori %lt3A_1778, %gt3A_1780 : vector<16xi1>
        %and3A_1782 = arith.andi %and3A_1776, %or3A_1781 : vector<16xi1>
        %shift_right_arithmetic3A_1783 = arith.constant 7 : i32
        %shift_right_arithmetic3A_1784 = arith.shrsi %min3A_1769, %shift_right_arithmetic3A_1783 : i32
        %and3A_1785 = arith.constant 127 : i32
        %and3A_1786 = arith.andi %min3A_1769, %and3A_1785 : i32
        %get3A_1787 = arith.index_cast %shift_right_arithmetic3A_1784 : i32 to index
        %get3A_1788 = arith.index_cast %and3A_1786 : i32 to index
        %get3A_1789 = tpu.vector_load %arg7[%get3A_1787, %get3A_1788] {strides = array<i32>} : memref<32x128xf32, #tpu.memory_space<vmem>>, vector<1x16xf32>,
        %get3A_1790 = vector.shape_cast %get3A_1789 : vector<1x16xf32> to vector<16xf32>
        %jit3A_1791 = arith.constant 1.000000e+00 : f32
        %broadcast_in_dim3A_1792 = vector.broadcast %jit3A_1791 : f32 to vector<16xf32>
        %select_n3A_1793 = arith.select %and3A_1782, %broadcast_in_dim3A_1792, %get3A_1790 : vector<16xi1>, vector<16xf32>
        %swap3A_1794 = arith.index_cast %shift_right_arithmetic3A_1784 : i32 to index
        %swap3A_1795 = arith.index_cast %and3A_1786 : i32 to index
        %swap3A_1796 = tpu.vector_load %arg7[%swap3A_1794, %swap3A_1795] {strides = array<i32>} : memref<32x128xf32, #tpu.memory_space<vmem>>, vector<1x16xf32>,
        %swap3A_1797 = vector.shape_cast %swap3A_1796 : vector<1x16xf32> to vector<16xf32>
        %swap3A_1798 = vector.shape_cast %select_n3A_1793 : vector<16xf32> to vector<1x16xf32>
        tpu.vector_store %arg7[%swap3A_1794, %swap3A_1795], %swap3A_1798 {strides = array<i32>} : memref<32x128xf32, #tpu.memory_space<vmem>>, vector<1x16xf32>,
        %mul3A_1799 = arith.constant 6.250000e-02 : f32
        %mul3A_1800 = arith.mulf %squeeze3A_27, %mul3A_1799 : f32
        %max3A_1801 = arith.constant 0.000000e+00 : f32
        %max3A_1802 = arith.maximumf %mul3A_1800, %max3A_1801 : f32
        %convert_element_type3A_1803 = arith.fptosi %max3A_1802 : f32 to i32
        %convert_element_type3A_1804 = arith.sitofp %convert_element_type3A_1803 : i32 to f32
        %lt3A_1805 = arith.cmpf olt, %convert_element_type3A_1804, %max3A_1802 : f32
        %convert_element_type3A_1806 = arith.extui %lt3A_1805 : i1 to i32
        %add3A_1807 = arith.addi %convert_element_type3A_1803, %convert_element_type3A_1806 : i32
        %sub3A_1808 = arith.constant 691.105468 : f32
        %sub3A_1809 = arith.subf %squeeze3A_29, %sub3A_1808 : f32
        %mul3A_1810 = arith.constant 6.250000e-02 : f32
        %mul3A_1811 = arith.mulf %sub3A_1809, %mul3A_1810 : f32
        %max3A_1812 = arith.constant 0.000000e+00 : f32
        %max3A_1813 = arith.maximumf %mul3A_1811, %max3A_1812 : f32
        %convert_element_type3A_1814 = arith.fptosi %max3A_1813 : f32 to i32
        %lt3A_1815 = arith.constant 0.000000e+00 : f32
        %lt3A_1816 = arith.cmpf olt, %mul3A_1811, %lt3A_1815 : f32
        %add3A_1817 = arith.constant 1 : i32
        %add3A_1818 = arith.addi %convert_element_type3A_1814, %add3A_1817 : i32
        %jit3A_1819 = arith.constant 0 : i32
        %select_n3A_1820 = arith.select %lt3A_1816, %jit3A_1819, %add3A_1818 : i32
        %max3A_1821 = arith.maxsi %add3A_1807, %select_n3A_1820 : i32
        %mul3A_1822 = arith.constant 6.250000e-02 : f32
        %mul3A_1823 = arith.mulf %squeeze3A_29, %mul3A_1822 : f32
        %max3A_1824 = arith.constant 0.000000e+00 : f32
        %max3A_1825 = arith.maximumf %mul3A_1823, %max3A_1824 : f32
        %convert_element_type3A_1826 = arith.fptosi %max3A_1825 : f32 to i32
        %lt3A_1827 = arith.constant 0.000000e+00 : f32
        %lt3A_1828 = arith.cmpf olt, %mul3A_1823, %lt3A_1827 : f32
        %jit3A_1829 = arith.constant -1 : i32
        %select_n3A_1830 = arith.select %lt3A_1828, %jit3A_1829, %convert_element_type3A_1826 : i32
        %add3A_1831 = arith.constant 691.105468 : f32
        %add3A_1832 = arith.addf %squeeze3A_27, %add3A_1831 : f32
        %mul3A_1833 = arith.constant 6.250000e-02 : f32
        %mul3A_1834 = arith.mulf %add3A_1832, %mul3A_1833 : f32
        %max3A_1835 = arith.constant 0.000000e+00 : f32
        %max3A_1836 = arith.maximumf %mul3A_1834, %max3A_1835 : f32
        %convert_element_type3A_1837 = arith.fptosi %max3A_1836 : f32 to i32
        %convert_element_type3A_1838 = arith.sitofp %convert_element_type3A_1837 : i32 to f32
        %lt3A_1839 = arith.cmpf olt, %convert_element_type3A_1838, %max3A_1836 : f32
        %convert_element_type3A_1840 = arith.extui %lt3A_1839 : i1 to i32
        %add3A_1841 = arith.addi %convert_element_type3A_1837, %convert_element_type3A_1840 : i32
        %le3A_1842 = arith.constant 0.000000e+00 : f32
        %le3A_1843 = arith.cmpf ole, %mul3A_1834, %le3A_1842 : f32
        %sub3A_1844 = arith.constant 1 : i32
        %sub3A_1845 = arith.subi %add3A_1841, %sub3A_1844 : i32
        %jit3A_1846 = arith.constant -1 : i32
        %select_n3A_1847 = arith.select %le3A_1843, %jit3A_1846, %sub3A_1845 : i32
        %min3A_1848 = arith.minsi %select_n3A_1830, %select_n3A_1847 : i32
        %max3A_1849 = arith.constant 0 : i32
        %max3A_1850 = arith.maxsi %max3A_1821, %max3A_1849 : i32
        %min3A_1851 = arith.constant 255 : i32
        %min3A_1852 = arith.minsi %min3A_1848, %min3A_1851 : i32
        %sub3A_1853 = arith.constant 498.537109 : f32
        %sub3A_1854 = arith.subf %squeeze3A_29, %sub3A_1853 : f32
        %mul3A_1855 = arith.constant 6.250000e-02 : f32
        %mul3A_1856 = arith.mulf %sub3A_1854, %mul3A_1855 : f32
        %max3A_1857 = arith.constant 0.000000e+00 : f32
        %max3A_1858 = arith.maximumf %mul3A_1856, %max3A_1857 : f32
        %convert_element_type3A_1859 = arith.fptosi %max3A_1858 : f32 to i32
        %lt3A_1860 = arith.constant 0.000000e+00 : f32
        %lt3A_1861 = arith.cmpf olt, %mul3A_1856, %lt3A_1860 : f32
        %add3A_1862 = arith.constant 1 : i32
        %add3A_1863 = arith.addi %convert_element_type3A_1859, %add3A_1862 : i32
        %jit3A_1864 = arith.constant 0 : i32
        %select_n3A_1865 = arith.select %lt3A_1861, %jit3A_1864, %add3A_1863 : i32
        %add3A_1866 = arith.constant 498.537109 : f32
        %add3A_1867 = arith.addf %squeeze3A_27, %add3A_1866 : f32
        %mul3A_1868 = arith.constant 6.250000e-02 : f32
        %mul3A_1869 = arith.mulf %add3A_1867, %mul3A_1868 : f32
        %max3A_1870 = arith.constant 0.000000e+00 : f32
        %max3A_1871 = arith.maximumf %mul3A_1869, %max3A_1870 : f32
        %convert_element_type3A_1872 = arith.fptosi %max3A_1871 : f32 to i32
        %convert_element_type3A_1873 = arith.sitofp %convert_element_type3A_1872 : i32 to f32
        %lt3A_1874 = arith.cmpf olt, %convert_element_type3A_1873, %max3A_1871 : f32
        %convert_element_type3A_1875 = arith.extui %lt3A_1874 : i1 to i32
        %add3A_1876 = arith.addi %convert_element_type3A_1872, %convert_element_type3A_1875 : i32
        %le3A_1877 = arith.constant 0.000000e+00 : f32
        %le3A_1878 = arith.cmpf ole, %mul3A_1869, %le3A_1877 : f32
        %sub3A_1879 = arith.constant 1 : i32
        %sub3A_1880 = arith.subi %add3A_1876, %sub3A_1879 : i32
        %jit3A_1881 = arith.constant -1 : i32
        %select_n3A_1882 = arith.select %le3A_1878, %jit3A_1881, %sub3A_1880 : i32
        %add3A_1883 = arith.constant 7680 : i32
        %add3A_1884 = arith.addi %max3A_1850, %add3A_1883 : i32
        %add3A_1885 = arith.constant 7680 : i32
        %add3A_1886 = arith.addi %min3A_1852, %add3A_1885 : i32
        %add3A_1887 = arith.constant 7680 : i32
        %add3A_1888 = arith.addi %select_n3A_1865, %add3A_1887 : i32
        %add3A_1889 = arith.constant 7680 : i32
        %add3A_1890 = arith.addi %select_n3A_1882, %add3A_1889 : i32
        %max3A_1891 = arith.maxsi %add3A_1884, %mul3A_0 : i32
        %sub3A_1892 = arith.subi %max3A_1891, %mul3A_0 : i32
        %add3A_1893 = arith.constant 4096 : i32
        %add3A_1894 = arith.addi %mul3A_0, %add3A_1893 : i32
        %sub3A_1895 = arith.constant 1 : i32
        %sub3A_1896 = arith.subi %add3A_1894, %sub3A_1895 : i32
        %min3A_1897 = arith.minsi %add3A_1886, %sub3A_1896 : i32
        %sub3A_1898 = arith.subi %min3A_1897, %mul3A_0 : i32
        %sub3A_1899 = arith.subi %add3A_1888, %mul3A_0 : i32
        %sub3A_1900 = arith.subi %add3A_1890, %mul3A_0 : i32
        %jit3A_1901 = arith.constant 16 : i32
        %div3A_1902 = arith.divsi %sub3A_1892, %jit3A_1901 : i32
        %sign3A_1903 = arith.constant 0 : i32
        %sign3A_1904 = arith.cmpi sgt, %sub3A_1892, %sign3A_1903 : i32
        %sign3A_1905 = arith.extui %sign3A_1904 : i1 to i32
        %sign3A_1906 = arith.constant 0 : i32
        %sign3A_1907 = arith.cmpi slt, %sub3A_1892, %sign3A_1906 : i32
        %sign3A_1908 = arith.extui %sign3A_1907 : i1 to i32
        %sign3A_1909 = arith.subi %sign3A_1905, %sign3A_1908 : i32
        %sign3A_1910 = arith.constant 0 : i32
        %sign3A_1911 = arith.cmpi sgt, %jit3A_1901, %sign3A_1910 : i32
        %sign3A_1912 = arith.extui %sign3A_1911 : i1 to i32
        %sign3A_1913 = arith.constant 0 : i32
        %sign3A_1914 = arith.cmpi slt, %jit3A_1901, %sign3A_1913 : i32
        %sign3A_1915 = arith.extui %sign3A_1914 : i1 to i32
        %sign3A_1916 = arith.subi %sign3A_1912, %sign3A_1915 : i32
        %ne3A_1917 = arith.cmpi ne, %sign3A_1909, %sign3A_1916 : i32
        %rem3A_1918 = arith.remsi %sub3A_1892, %jit3A_1901 : i32
        %ne3A_1919 = arith.constant 0 : i32
        %ne3A_1920 = arith.cmpi ne, %rem3A_1918, %ne3A_1919 : i32
        %and3A_1921 = arith.andi %ne3A_1917, %ne3A_1920 : i1
        %sub3A_1922 = arith.constant 1 : i32
        %sub3A_1923 = arith.subi %div3A_1902, %sub3A_1922 : i32
        %select_n3A_1924 = arith.select %and3A_1921, %sub3A_1923, %div3A_1902 : i32
        %mul3A_1925 = arith.constant 16 : i32
        %mul3A_1926 = arith.muli %select_n3A_1924, %mul3A_1925 : i32
        %jit3A_1927 = arith.constant 0 : i32
        %jit3A_1928 = arith.constant 4080 : i32
        %max3A_1929 = arith.maxsi %jit3A_1927, %mul3A_1926 : i32
        %min3A_1930 = arith.minsi %jit3A_1928, %max3A_1929 : i32
        %add3A_1931 = arith.constant 0 : i32
        %add3A_1932 = arith.addi %min3A_1930, %add3A_1931 : i32
        %min3A_1933 = arith.constant 4080 : i32
        %min3A_1934 = arith.minsi %add3A_1932, %min3A_1933 : i32
        %add3A_1935 = vector.broadcast %min3A_1934 : i32 to vector<16xi32>
        %add3A_1936 = arith.addi %iota3A, %add3A_1935 : vector<16xi32>
        %ge3A_1937 = vector.broadcast %sub3A_1892 : i32 to vector<16xi32>
        %ge3A_1938 = arith.cmpi sge, %add3A_1936, %ge3A_1937 : vector<16xi32>
        %le3A_1939 = vector.broadcast %sub3A_1898 : i32 to vector<16xi32>
        %le3A_1940 = arith.cmpi sle, %add3A_1936, %le3A_1939 : vector<16xi32>
        %and3A_1941 = arith.andi %ge3A_1938, %le3A_1940 : vector<16xi1>
        %lt3A_1942 = vector.broadcast %sub3A_1899 : i32 to vector<16xi32>
        %lt3A_1943 = arith.cmpi slt, %add3A_1936, %lt3A_1942 : vector<16xi32>
        %gt3A_1944 = vector.broadcast %sub3A_1900 : i32 to vector<16xi32>
        %gt3A_1945 = arith.cmpi sgt, %add3A_1936, %gt3A_1944 : vector<16xi32>
        %or3A_1946 = arith.ori %lt3A_1943, %gt3A_1945 : vector<16xi1>
        %and3A_1947 = arith.andi %and3A_1941, %or3A_1946 : vector<16xi1>
        %shift_right_arithmetic3A_1948 = arith.constant 7 : i32
        %shift_right_arithmetic3A_1949 = arith.shrsi %min3A_1934, %shift_right_arithmetic3A_1948 : i32
        %and3A_1950 = arith.constant 127 : i32
        %and3A_1951 = arith.andi %min3A_1934, %and3A_1950 : i32
        %get3A_1952 = arith.index_cast %shift_right_arithmetic3A_1949 : i32 to index
        %get3A_1953 = arith.index_cast %and3A_1951 : i32 to index
        %get3A_1954 = tpu.vector_load %arg7[%get3A_1952, %get3A_1953] {strides = array<i32>} : memref<32x128xf32, #tpu.memory_space<vmem>>, vector<1x16xf32>,
        %get3A_1955 = vector.shape_cast %get3A_1954 : vector<1x16xf32> to vector<16xf32>
        %jit3A_1956 = arith.constant 1.000000e+00 : f32
        %broadcast_in_dim3A_1957 = vector.broadcast %jit3A_1956 : f32 to vector<16xf32>
        %select_n3A_1958 = arith.select %and3A_1947, %broadcast_in_dim3A_1957, %get3A_1955 : vector<16xi1>, vector<16xf32>
        %swap3A_1959 = arith.index_cast %shift_right_arithmetic3A_1949 : i32 to index
        %swap3A_1960 = arith.index_cast %and3A_1951 : i32 to index
        %swap3A_1961 = tpu.vector_load %arg7[%swap3A_1959, %swap3A_1960] {strides = array<i32>} : memref<32x128xf32, #tpu.memory_space<vmem>>, vector<1x16xf32>,
        %swap3A_1962 = vector.shape_cast %swap3A_1961 : vector<1x16xf32> to vector<16xf32>
        %swap3A_1963 = vector.shape_cast %select_n3A_1958 : vector<16xf32> to vector<1x16xf32>
        tpu.vector_store %arg7[%swap3A_1959, %swap3A_1960], %swap3A_1963 {strides = array<i32>} : memref<32x128xf32, #tpu.memory_space<vmem>>, vector<1x16xf32>,
        %add3A_1964 = arith.constant 16 : i32
        %add3A_1965 = arith.addi %min3A_1930, %add3A_1964 : i32
        %min3A_1966 = arith.constant 4080 : i32
        %min3A_1967 = arith.minsi %add3A_1965, %min3A_1966 : i32
        %add3A_1968 = vector.broadcast %min3A_1967 : i32 to vector<16xi32>
        %add3A_1969 = arith.addi %iota3A, %add3A_1968 : vector<16xi32>
        %ge3A_1970 = vector.broadcast %sub3A_1892 : i32 to vector<16xi32>
        %ge3A_1971 = arith.cmpi sge, %add3A_1969, %ge3A_1970 : vector<16xi32>
        %le3A_1972 = vector.broadcast %sub3A_1898 : i32 to vector<16xi32>
        %le3A_1973 = arith.cmpi sle, %add3A_1969, %le3A_1972 : vector<16xi32>
        %and3A_1974 = arith.andi %ge3A_1971, %le3A_1973 : vector<16xi1>
        %lt3A_1975 = vector.broadcast %sub3A_1899 : i32 to vector<16xi32>
        %lt3A_1976 = arith.cmpi slt, %add3A_1969, %lt3A_1975 : vector<16xi32>
        %gt3A_1977 = vector.broadcast %sub3A_1900 : i32 to vector<16xi32>
        %gt3A_1978 = arith.cmpi sgt, %add3A_1969, %gt3A_1977 : vector<16xi32>
        %or3A_1979 = arith.ori %lt3A_1976, %gt3A_1978 : vector<16xi1>
        %and3A_1980 = arith.andi %and3A_1974, %or3A_1979 : vector<16xi1>
        %shift_right_arithmetic3A_1981 = arith.constant 7 : i32
        %shift_right_arithmetic3A_1982 = arith.shrsi %min3A_1967, %shift_right_arithmetic3A_1981 : i32
        %and3A_1983 = arith.constant 127 : i32
        %and3A_1984 = arith.andi %min3A_1967, %and3A_1983 : i32
        %get3A_1985 = arith.index_cast %shift_right_arithmetic3A_1982 : i32 to index
        %get3A_1986 = arith.index_cast %and3A_1984 : i32 to index
        %get3A_1987 = tpu.vector_load %arg7[%get3A_1985, %get3A_1986] {strides = array<i32>} : memref<32x128xf32, #tpu.memory_space<vmem>>, vector<1x16xf32>,
        %get3A_1988 = vector.shape_cast %get3A_1987 : vector<1x16xf32> to vector<16xf32>
        %jit3A_1989 = arith.constant 1.000000e+00 : f32
        %broadcast_in_dim3A_1990 = vector.broadcast %jit3A_1989 : f32 to vector<16xf32>
        %select_n3A_1991 = arith.select %and3A_1980, %broadcast_in_dim3A_1990, %get3A_1988 : vector<16xi1>, vector<16xf32>
        %swap3A_1992 = arith.index_cast %shift_right_arithmetic3A_1982 : i32 to index
        %swap3A_1993 = arith.index_cast %and3A_1984 : i32 to index
        %swap3A_1994 = tpu.vector_load %arg7[%swap3A_1992, %swap3A_1993] {strides = array<i32>} : memref<32x128xf32, #tpu.memory_space<vmem>>, vector<1x16xf32>,
        %swap3A_1995 = vector.shape_cast %swap3A_1994 : vector<1x16xf32> to vector<16xf32>
        %swap3A_1996 = vector.shape_cast %select_n3A_1991 : vector<16xf32> to vector<1x16xf32>
        tpu.vector_store %arg7[%swap3A_1992, %swap3A_1993], %swap3A_1996 {strides = array<i32>} : memref<32x128xf32, #tpu.memory_space<vmem>>, vector<1x16xf32>,
        %add3A_1997 = arith.constant 32 : i32
        %add3A_1998 = arith.addi %min3A_1930, %add3A_1997 : i32
        %min3A_1999 = arith.constant 4080 : i32
        %min3A_2000 = arith.minsi %add3A_1998, %min3A_1999 : i32
        %add3A_2001 = vector.broadcast %min3A_2000 : i32 to vector<16xi32>
        %add3A_2002 = arith.addi %iota3A, %add3A_2001 : vector<16xi32>
        %ge3A_2003 = vector.broadcast %sub3A_1892 : i32 to vector<16xi32>
        %ge3A_2004 = arith.cmpi sge, %add3A_2002, %ge3A_2003 : vector<16xi32>
        %le3A_2005 = vector.broadcast %sub3A_1898 : i32 to vector<16xi32>
        %le3A_2006 = arith.cmpi sle, %add3A_2002, %le3A_2005 : vector<16xi32>
        %and3A_2007 = arith.andi %ge3A_2004, %le3A_2006 : vector<16xi1>
        %lt3A_2008 = vector.broadcast %sub3A_1899 : i32 to vector<16xi32>
        %lt3A_2009 = arith.cmpi slt, %add3A_2002, %lt3A_2008 : vector<16xi32>
        %gt3A_2010 = vector.broadcast %sub3A_1900 : i32 to vector<16xi32>
        %gt3A_2011 = arith.cmpi sgt, %add3A_2002, %gt3A_2010 : vector<16xi32>
        %or3A_2012 = arith.ori %lt3A_2009, %gt3A_2011 : vector<16xi1>
        %and3A_2013 = arith.andi %and3A_2007, %or3A_2012 : vector<16xi1>
        %shift_right_arithmetic3A_2014 = arith.constant 7 : i32
        %shift_right_arithmetic3A_2015 = arith.shrsi %min3A_2000, %shift_right_arithmetic3A_2014 : i32
        %and3A_2016 = arith.constant 127 : i32
        %and3A_2017 = arith.andi %min3A_2000, %and3A_2016 : i32
        %get3A_2018 = arith.index_cast %shift_right_arithmetic3A_2015 : i32 to index
        %get3A_2019 = arith.index_cast %and3A_2017 : i32 to index
        %get3A_2020 = tpu.vector_load %arg7[%get3A_2018, %get3A_2019] {strides = array<i32>} : memref<32x128xf32, #tpu.memory_space<vmem>>, vector<1x16xf32>,
        %get3A_2021 = vector.shape_cast %get3A_2020 : vector<1x16xf32> to vector<16xf32>
        %jit3A_2022 = arith.constant 1.000000e+00 : f32
        %broadcast_in_dim3A_2023 = vector.broadcast %jit3A_2022 : f32 to vector<16xf32>
        %select_n3A_2024 = arith.select %and3A_2013, %broadcast_in_dim3A_2023, %get3A_2021 : vector<16xi1>, vector<16xf32>
        %swap3A_2025 = arith.index_cast %shift_right_arithmetic3A_2015 : i32 to index
        %swap3A_2026 = arith.index_cast %and3A_2017 : i32 to index
        %swap3A_2027 = tpu.vector_load %arg7[%swap3A_2025, %swap3A_2026] {strides = array<i32>} : memref<32x128xf32, #tpu.memory_space<vmem>>, vector<1x16xf32>,
        %swap3A_2028 = vector.shape_cast %swap3A_2027 : vector<1x16xf32> to vector<16xf32>
        %swap3A_2029 = vector.shape_cast %select_n3A_2024 : vector<16xf32> to vector<1x16xf32>
        tpu.vector_store %arg7[%swap3A_2025, %swap3A_2026], %swap3A_2029 {strides = array<i32>} : memref<32x128xf32, #tpu.memory_space<vmem>>, vector<1x16xf32>,
        %add3A_2030 = arith.constant 48 : i32
        %add3A_2031 = arith.addi %min3A_1930, %add3A_2030 : i32
        %min3A_2032 = arith.constant 4080 : i32
        %min3A_2033 = arith.minsi %add3A_2031, %min3A_2032 : i32
        %add3A_2034 = vector.broadcast %min3A_2033 : i32 to vector<16xi32>
        %add3A_2035 = arith.addi %iota3A, %add3A_2034 : vector<16xi32>
        %ge3A_2036 = vector.broadcast %sub3A_1892 : i32 to vector<16xi32>
        %ge3A_2037 = arith.cmpi sge, %add3A_2035, %ge3A_2036 : vector<16xi32>
        %le3A_2038 = vector.broadcast %sub3A_1898 : i32 to vector<16xi32>
        %le3A_2039 = arith.cmpi sle, %add3A_2035, %le3A_2038 : vector<16xi32>
        %and3A_2040 = arith.andi %ge3A_2037, %le3A_2039 : vector<16xi1>
        %lt3A_2041 = vector.broadcast %sub3A_1899 : i32 to vector<16xi32>
        %lt3A_2042 = arith.cmpi slt, %add3A_2035, %lt3A_2041 : vector<16xi32>
        %gt3A_2043 = vector.broadcast %sub3A_1900 : i32 to vector<16xi32>
        %gt3A_2044 = arith.cmpi sgt, %add3A_2035, %gt3A_2043 : vector<16xi32>
        %or3A_2045 = arith.ori %lt3A_2042, %gt3A_2044 : vector<16xi1>
        %and3A_2046 = arith.andi %and3A_2040, %or3A_2045 : vector<16xi1>
        %shift_right_arithmetic3A_2047 = arith.constant 7 : i32
        %shift_right_arithmetic3A_2048 = arith.shrsi %min3A_2033, %shift_right_arithmetic3A_2047 : i32
        %and3A_2049 = arith.constant 127 : i32
        %and3A_2050 = arith.andi %min3A_2033, %and3A_2049 : i32
        %get3A_2051 = arith.index_cast %shift_right_arithmetic3A_2048 : i32 to index
        %get3A_2052 = arith.index_cast %and3A_2050 : i32 to index
        %get3A_2053 = tpu.vector_load %arg7[%get3A_2051, %get3A_2052] {strides = array<i32>} : memref<32x128xf32, #tpu.memory_space<vmem>>, vector<1x16xf32>,
        %get3A_2054 = vector.shape_cast %get3A_2053 : vector<1x16xf32> to vector<16xf32>
        %jit3A_2055 = arith.constant 1.000000e+00 : f32
        %broadcast_in_dim3A_2056 = vector.broadcast %jit3A_2055 : f32 to vector<16xf32>
        %select_n3A_2057 = arith.select %and3A_2046, %broadcast_in_dim3A_2056, %get3A_2054 : vector<16xi1>, vector<16xf32>
        %swap3A_2058 = arith.index_cast %shift_right_arithmetic3A_2048 : i32 to index
        %swap3A_2059 = arith.index_cast %and3A_2050 : i32 to index
        %swap3A_2060 = tpu.vector_load %arg7[%swap3A_2058, %swap3A_2059] {strides = array<i32>} : memref<32x128xf32, #tpu.memory_space<vmem>>, vector<1x16xf32>,
        %swap3A_2061 = vector.shape_cast %swap3A_2060 : vector<1x16xf32> to vector<16xf32>
        %swap3A_2062 = vector.shape_cast %select_n3A_2057 : vector<16xf32> to vector<1x16xf32>
        tpu.vector_store %arg7[%swap3A_2058, %swap3A_2059], %swap3A_2062 {strides = array<i32>} : memref<32x128xf32, #tpu.memory_space<vmem>>, vector<1x16xf32>,
        %add3A_2063 = arith.constant 64 : i32
        %add3A_2064 = arith.addi %min3A_1930, %add3A_2063 : i32
        %min3A_2065 = arith.constant 4080 : i32
        %min3A_2066 = arith.minsi %add3A_2064, %min3A_2065 : i32
        %add3A_2067 = vector.broadcast %min3A_2066 : i32 to vector<16xi32>
        %add3A_2068 = arith.addi %iota3A, %add3A_2067 : vector<16xi32>
        %ge3A_2069 = vector.broadcast %sub3A_1892 : i32 to vector<16xi32>
        %ge3A_2070 = arith.cmpi sge, %add3A_2068, %ge3A_2069 : vector<16xi32>
        %le3A_2071 = vector.broadcast %sub3A_1898 : i32 to vector<16xi32>
        %le3A_2072 = arith.cmpi sle, %add3A_2068, %le3A_2071 : vector<16xi32>
        %and3A_2073 = arith.andi %ge3A_2070, %le3A_2072 : vector<16xi1>
        %lt3A_2074 = vector.broadcast %sub3A_1899 : i32 to vector<16xi32>
        %lt3A_2075 = arith.cmpi slt, %add3A_2068, %lt3A_2074 : vector<16xi32>
        %gt3A_2076 = vector.broadcast %sub3A_1900 : i32 to vector<16xi32>
        %gt3A_2077 = arith.cmpi sgt, %add3A_2068, %gt3A_2076 : vector<16xi32>
        %or3A_2078 = arith.ori %lt3A_2075, %gt3A_2077 : vector<16xi1>
        %and3A_2079 = arith.andi %and3A_2073, %or3A_2078 : vector<16xi1>
        %shift_right_arithmetic3A_2080 = arith.constant 7 : i32
        %shift_right_arithmetic3A_2081 = arith.shrsi %min3A_2066, %shift_right_arithmetic3A_2080 : i32
        %and3A_2082 = arith.constant 127 : i32
        %and3A_2083 = arith.andi %min3A_2066, %and3A_2082 : i32
        %get3A_2084 = arith.index_cast %shift_right_arithmetic3A_2081 : i32 to index
        %get3A_2085 = arith.index_cast %and3A_2083 : i32 to index
        %get3A_2086 = tpu.vector_load %arg7[%get3A_2084, %get3A_2085] {strides = array<i32>} : memref<32x128xf32, #tpu.memory_space<vmem>>, vector<1x16xf32>,
        %get3A_2087 = vector.shape_cast %get3A_2086 : vector<1x16xf32> to vector<16xf32>
        %jit3A_2088 = arith.constant 1.000000e+00 : f32
        %broadcast_in_dim3A_2089 = vector.broadcast %jit3A_2088 : f32 to vector<16xf32>
        %select_n3A_2090 = arith.select %and3A_2079, %broadcast_in_dim3A_2089, %get3A_2087 : vector<16xi1>, vector<16xf32>
        %swap3A_2091 = arith.index_cast %shift_right_arithmetic3A_2081 : i32 to index
        %swap3A_2092 = arith.index_cast %and3A_2083 : i32 to index
        %swap3A_2093 = tpu.vector_load %arg7[%swap3A_2091, %swap3A_2092] {strides = array<i32>} : memref<32x128xf32, #tpu.memory_space<vmem>>, vector<1x16xf32>,
        %swap3A_2094 = vector.shape_cast %swap3A_2093 : vector<1x16xf32> to vector<16xf32>
        %swap3A_2095 = vector.shape_cast %select_n3A_2090 : vector<16xf32> to vector<1x16xf32>
        tpu.vector_store %arg7[%swap3A_2091, %swap3A_2092], %swap3A_2095 {strides = array<i32>} : memref<32x128xf32, #tpu.memory_space<vmem>>, vector<1x16xf32>,
      } else {
      }
      %scan3A_34 = arith.constant 0 : i32
      scf.yield %scan3A_34 : i32
    }
    %scan3A_16 = arith.constant 30 : i32
    %mul3A_17 = arith.constant 32 : i32
    %mul3A_18 = arith.muli %arg0, %mul3A_17 : i32
    "tpu.region"() ({
      %run_scoped3A = tpu.sem_alloc : memref<!tpu.dma_semaphore, #tpu.memory_space<semaphore_mem>>
      %dma_start3A = arith.constant 0 : i32
      %dma_start3A_19 = tpu.memref_slice %arg4[%arg1, %mul3A_18, %dma_start3A] : memref<16x64x128xf32, #tpu.memory_space<hbm>> -> memref<1x32x128xf32, #tpu.memory_space<hbm>>
      %dma_start3A_20 = tpu.memref_squeeze %dma_start3A_19 : memref<1x32x128xf32, #tpu.memory_space<hbm>> -> memref<32x128xf32, #tpu.memory_space<hbm>>
      %dma_start3A_21 = arith.constant 0 : i32
      %dma_start3A_22 = tpu.memref_slice %arg4[%arg1, %mul3A_18, %dma_start3A_21] : memref<16x64x128xf32, #tpu.memory_space<hbm>> -> memref<1x32x128xf32, #tpu.memory_space<hbm>>
      %dma_start3A_23 = tpu.memref_squeeze %dma_start3A_22 : memref<1x32x128xf32, #tpu.memory_space<hbm>> -> memref<32x128xf32, #tpu.memory_space<hbm>>
      tpu.enqueue_dma source(%arg7 : memref<32x128xf32, #tpu.memory_space<vmem>>) target(%dma_start3A_23 : memref<32x128xf32, #tpu.memory_space<hbm>>) target_semaphore(%run_scoped3A : memref<!tpu.dma_semaphore, #tpu.memory_space<semaphore_mem>>)
      %dma_wait3A = arith.constant 0 : i32
      %dma_wait3A_24 = tpu.memref_slice %arg4[%arg1, %mul3A_18, %dma_wait3A] : memref<16x64x128xf32, #tpu.memory_space<hbm>> -> memref<1x32x128xf32, #tpu.memory_space<hbm>>
      %dma_wait3A_25 = tpu.memref_squeeze %dma_wait3A_24 : memref<1x32x128xf32, #tpu.memory_space<hbm>> -> memref<32x128xf32, #tpu.memory_space<hbm>>
      %dma_wait3A_26 = arith.constant 0 : i32
      %dma_wait3A_27 = tpu.memref_slice %arg4[%arg1, %mul3A_18, %dma_wait3A_26] : memref<16x64x128xf32, #tpu.memory_space<hbm>> -> memref<1x32x128xf32, #tpu.memory_space<hbm>>
      %dma_wait3A_28 = tpu.memref_squeeze %dma_wait3A_27 : memref<1x32x128xf32, #tpu.memory_space<hbm>> -> memref<32x128xf32, #tpu.memory_space<hbm>>
      tpu.wait_dma2 semaphore(%run_scoped3A : memref<!tpu.dma_semaphore, #tpu.memory_space<semaphore_mem>>) src(%arg7 : memref<32x128xf32, #tpu.memory_space<vmem>>) dst(%dma_wait3A_28 : memref<32x128xf32, #tpu.memory_space<hbm>>)
      tpu.yield
    }) : () -> ()
    return
  }
}

module attributes {stable_mosaic.version = 14 : i64} {
  func.func @_tca_kernel(%arg0: memref<1x1xi32, #tpu.memory_space<smem>>, %arg1: memref<16x496x128xf32, #tpu.memory_space<any>>, %arg2: memref<16x1xf32, #tpu.memory_space<smem>>, %arg3: memref<16x62x128xf32, #tpu.memory_space<vmem>>, %arg4: memref<16x496x128xf32, #tpu.memory_space<vmem>>, %arg5: memref<!tpu.dma_semaphore, #tpu.memory_space<semaphore_mem>>) attributes {dimension_semantics = [], scalar_prefetch = 0 : i64, scratch_operands = 2 : i64, tpu.core_type = #tpu.core_type<tc>} {
    %get3A = arith.constant 0 : index
    %get3A_0 = arith.constant 0 : index
    %get3A_1 = memref.load %arg0[%get3A, %get3A_0] : memref<1x1xi32, #tpu.memory_space<smem>>
    tpu.enqueue_dma source(%arg1 : memref<16x496x128xf32, #tpu.memory_space<any>>) target(%arg4 : memref<16x496x128xf32, #tpu.memory_space<vmem>>) target_semaphore(%arg5 : memref<!tpu.dma_semaphore, #tpu.memory_space<semaphore_mem>>)
    tpu.wait_dma2 semaphore(%arg5 : memref<!tpu.dma_semaphore, #tpu.memory_space<semaphore_mem>>) src(%arg1 : memref<16x496x128xf32, #tpu.memory_space<any>>) dst(%arg4 : memref<16x496x128xf32, #tpu.memory_space<vmem>>)
    %scan3A = arith.constant 0 : i32
    %scan3A_2 = arith.constant 16 : i32
    %scan3A_3 = arith.addi %scan3A, %scan3A_2 : i32
    %scan3A_4 = arith.constant 1 : i32
    scf.for %scan3A_6 = %scan3A to %scan3A_3 step %scan3A_4  : i32 {
      %get3A_7 = arith.index_cast %scan3A_6 : i32 to index
      %get3A_8 = arith.constant 0 : index
      %get3A_9 = arith.constant 0 : index
      %get3A_10 = vector.load %arg4[%get3A_7, %get3A_8, %get3A_9] : memref<16x496x128xf32, #tpu.memory_space<vmem>>, vector<1x496x128xf32>
      %get3A_11 = vector.shape_cast %get3A_10 : vector<1x496x128xf32> to vector<496x128xf32>
      %jit3A = arith.constant 9.99999974E-5 : f32
      %jit3A_12 = arith.constant 0.999899983 : f32
      %max3A = vector.broadcast %jit3A : f32 to vector<496x128xf32>
      %max3A_13 = arith.maximumf %max3A, %get3A_11 : vector<496x128xf32>
      %min3A = vector.broadcast %jit3A_12 : f32 to vector<496x128xf32>
      %min3A_14 = arith.minimumf %min3A, %max3A_13 : vector<496x128xf32>
      %mul3A = arith.constant 7.500000e-01 : f32
      %mul3A_15 = vector.broadcast %mul3A : f32 to vector<496x128xf32>
      %mul3A_16 = arith.mulf %mul3A_15, %min3A_14 : vector<496x128xf32>
      %mul3A_17 = arith.mulf %mul3A_16, %min3A_14 : vector<496x128xf32>
      %sub3A = arith.constant 1.000000e+00 : f32
      %sub3A_18 = vector.broadcast %sub3A : f32 to vector<496x128xf32>
      %sub3A_19 = arith.subf %sub3A_18, %min3A_14 : vector<496x128xf32>
      %log3A = math.log %sub3A_19 : vector<496x128xf32>
      %neg3A = arith.constant 0.000000e+00 : f32
      %neg3A_20 = vector.broadcast %neg3A : f32 to vector<496x128xf32>
      %neg3A_21 = arith.subf %neg3A_20, %log3A : vector<496x128xf32>
      %mul3A_22 = arith.mulf %mul3A_17, %neg3A_21 : vector<496x128xf32>
      %reduce_sum3A = vector.shape_cast %mul3A_22 : vector<496x128xf32> to vector<1x496x128xf32>
      %reduce_sum3A_23 = arith.constant dense<0.000000e+00> : vector<1xf32>
      %reduce_sum3A_24 = vector.multi_reduction <add>, %reduce_sum3A, %reduce_sum3A_23 [1, 2] : vector<1x496x128xf32> to vector<1xf32>
      %reduce_sum3A_25 = vector.shape_cast %reduce_sum3A_24 : vector<1xf32> to vector<1x1x1xf32>
      %reduce_sum3A_26 = vector.extract %reduce_sum3A_25[0, 0, 0] : f32 from vector<1x1x1xf32>
      %swap3A = arith.index_cast %scan3A_6 : i32 to index
      %swap3A_27 = arith.constant 0 : index
      %swap3A_28 = memref.load %arg2[%swap3A, %swap3A_27] : memref<16x1xf32, #tpu.memory_space<smem>>
      memref.store %reduce_sum3A_26, %arg2[%swap3A, %swap3A_27] : memref<16x1xf32, #tpu.memory_space<smem>>
      %mul3A_29 = arith.constant 62 : i32
      %mul3A_30 = arith.muli %get3A_1, %mul3A_29 : i32
      %get3A_31 = arith.index_cast %scan3A_6 : i32 to index
      %get3A_32 = arith.index_cast %mul3A_30 : i32 to index
      %get3A_33 = arith.constant 0 : index
      %get3A_34 = vector.load %arg4[%get3A_31, %get3A_32, %get3A_33] : memref<16x496x128xf32, #tpu.memory_space<vmem>>, vector<1x62x128xf32>
      %get3A_35 = vector.shape_cast %get3A_34 : vector<1x62x128xf32> to vector<62x128xf32>
      %jit3A_36 = arith.constant 9.99999974E-5 : f32
      %jit3A_37 = arith.constant 0.999899983 : f32
      %max3A_38 = vector.broadcast %jit3A_36 : f32 to vector<62x128xf32>
      %max3A_39 = arith.maximumf %max3A_38, %get3A_35 : vector<62x128xf32>
      %min3A_40 = vector.broadcast %jit3A_37 : f32 to vector<62x128xf32>
      %min3A_41 = arith.minimumf %min3A_40, %max3A_39 : vector<62x128xf32>
      %sub3A_42 = arith.constant 1.000000e+00 : f32
      %sub3A_43 = vector.broadcast %sub3A_42 : f32 to vector<62x128xf32>
      %sub3A_44 = arith.subf %sub3A_43, %min3A_41 : vector<62x128xf32>
      %mul3A_45 = arith.constant 2.500000e-01 : f32
      %mul3A_46 = vector.broadcast %mul3A_45 : f32 to vector<62x128xf32>
      %mul3A_47 = arith.mulf %mul3A_46, %sub3A_44 : vector<62x128xf32>
      %mul3A_48 = arith.mulf %mul3A_47, %sub3A_44 : vector<62x128xf32>
      %log3A_49 = math.log %min3A_41 : vector<62x128xf32>
      %neg3A_50 = arith.constant 0.000000e+00 : f32
      %neg3A_51 = vector.broadcast %neg3A_50 : f32 to vector<62x128xf32>
      %neg3A_52 = arith.subf %neg3A_51, %log3A_49 : vector<62x128xf32>
      %mul3A_53 = arith.mulf %mul3A_48, %neg3A_52 : vector<62x128xf32>
      %mul3A_54 = arith.constant 7.500000e-01 : f32
      %mul3A_55 = vector.broadcast %mul3A_54 : f32 to vector<62x128xf32>
      %mul3A_56 = arith.mulf %mul3A_55, %min3A_41 : vector<62x128xf32>
      %mul3A_57 = arith.mulf %mul3A_56, %min3A_41 : vector<62x128xf32>
      %log3A_58 = math.log %sub3A_44 : vector<62x128xf32>
      %neg3A_59 = arith.constant 0.000000e+00 : f32
      %neg3A_60 = vector.broadcast %neg3A_59 : f32 to vector<62x128xf32>
      %neg3A_61 = arith.subf %neg3A_60, %log3A_58 : vector<62x128xf32>
      %mul3A_62 = arith.mulf %mul3A_57, %neg3A_61 : vector<62x128xf32>
      %sub3A_63 = arith.subf %mul3A_53, %mul3A_62 : vector<62x128xf32>
      %swap3A_64 = arith.index_cast %scan3A_6 : i32 to index
      %swap3A_65 = arith.constant 0 : index
      %swap3A_66 = arith.constant 0 : index
      %swap3A_67 = vector.load %arg3[%swap3A_64, %swap3A_65, %swap3A_66] : memref<16x62x128xf32, #tpu.memory_space<vmem>>, vector<1x62x128xf32>
      %swap3A_68 = vector.shape_cast %swap3A_67 : vector<1x62x128xf32> to vector<62x128xf32>
      %swap3A_69 = vector.shape_cast %sub3A_63 : vector<62x128xf32> to vector<1x62x128xf32>
      tpu.vector_store %arg3[%swap3A_64, %swap3A_65, %swap3A_66], %swap3A_69 {strides = array<i32>} : memref<16x62x128xf32, #tpu.memory_space<vmem>>, vector<1x62x128xf32>,
    }
    %scan3A_5 = arith.constant 16 : i32
    return
  }
}

module attributes {stable_mosaic.version = 14 : i64} {
  func.func @_tcb_kernel(%arg0: memref<16x1xf32, #tpu.memory_space<smem>>, %arg1: memref<16x64x128xf32, #tpu.memory_space<vmem>>, %arg2: memref<16x62x128xf32, #tpu.memory_space<vmem>>, %arg3: memref<1x1xf32, #tpu.memory_space<smem>>) attributes {dimension_semantics = [], scalar_prefetch = 0 : i64, scratch_operands = 0 : i64, tpu.core_type = #tpu.core_type<tc>} {
    %swap3A = arith.constant 0.000000e+00 : f32
    %swap3A_0 = arith.constant 0 : index
    %swap3A_1 = arith.constant 0 : index
    %swap3A_2 = memref.load %arg3[%swap3A_0, %swap3A_1] : memref<1x1xf32, #tpu.memory_space<smem>>
    memref.store %swap3A, %arg3[%swap3A_0, %swap3A_1] : memref<1x1xf32, #tpu.memory_space<smem>>
    %scan3A = arith.constant 0 : i32
    %scan3A_3 = arith.constant 16 : i32
    %scan3A_4 = arith.addi %scan3A, %scan3A_3 : i32
    %scan3A_5 = arith.constant 1 : i32
    scf.for %scan3A_7 = %scan3A to %scan3A_4 step %scan3A_5  : i32 {
      %get3A = arith.index_cast %scan3A_7 : i32 to index
      %get3A_8 = arith.constant 0 : index
      %get3A_9 = arith.constant 0 : index
      %get3A_10 = vector.load %arg1[%get3A, %get3A_8, %get3A_9] : memref<16x64x128xf32, #tpu.memory_space<vmem>>, vector<1x62x128xf32>
      %get3A_11 = vector.shape_cast %get3A_10 : vector<1x62x128xf32> to vector<62x128xf32>
      %reduce_sum3A = vector.shape_cast %get3A_11 : vector<62x128xf32> to vector<1x62x128xf32>
      %reduce_sum3A_12 = arith.constant dense<0.000000e+00> : vector<1xf32>
      %reduce_sum3A_13 = vector.multi_reduction <add>, %reduce_sum3A, %reduce_sum3A_12 [1, 2] : vector<1x62x128xf32> to vector<1xf32>
      %reduce_sum3A_14 = vector.shape_cast %reduce_sum3A_13 : vector<1xf32> to vector<1x1x1xf32>
      %reduce_sum3A_15 = vector.extract %reduce_sum3A_14[0, 0, 0] : f32 from vector<1x1x1xf32>
      %get3A_16 = arith.index_cast %scan3A_7 : i32 to index
      %get3A_17 = arith.constant 0 : index
      %get3A_18 = arith.constant 0 : index
      %get3A_19 = vector.load %arg2[%get3A_16, %get3A_17, %get3A_18] : memref<16x62x128xf32, #tpu.memory_space<vmem>>, vector<1x62x128xf32>
      %get3A_20 = vector.shape_cast %get3A_19 : vector<1x62x128xf32> to vector<62x128xf32>
      %mul3A = arith.mulf %get3A_11, %get3A_20 : vector<62x128xf32>
      %reduce_sum3A_21 = vector.shape_cast %mul3A : vector<62x128xf32> to vector<1x62x128xf32>
      %reduce_sum3A_22 = arith.constant dense<0.000000e+00> : vector<1xf32>
      %reduce_sum3A_23 = vector.multi_reduction <add>, %reduce_sum3A_21, %reduce_sum3A_22 [1, 2] : vector<1x62x128xf32> to vector<1xf32>
      %reduce_sum3A_24 = vector.shape_cast %reduce_sum3A_23 : vector<1xf32> to vector<1x1x1xf32>
      %reduce_sum3A_25 = vector.extract %reduce_sum3A_24[0, 0, 0] : f32 from vector<1x1x1xf32>
      %get3A_26 = arith.constant 0 : index
      %get3A_27 = arith.constant 0 : index
      %get3A_28 = memref.load %arg3[%get3A_26, %get3A_27] : memref<1x1xf32, #tpu.memory_space<smem>>
      %get3A_29 = arith.index_cast %scan3A_7 : i32 to index
      %get3A_30 = arith.constant 0 : index
      %get3A_31 = memref.load %arg0[%get3A_29, %get3A_30] : memref<16x1xf32, #tpu.memory_space<smem>>
      %add3A = arith.addf %get3A_31, %reduce_sum3A_25 : f32
      %max3A = arith.constant 1.000000e+00 : f32
      %max3A_32 = arith.maximumf %reduce_sum3A_15, %max3A : f32
      %div3A = arith.divf %add3A, %max3A_32 : f32
      %div3A_33 = arith.constant 1.600000e+01 : f32
      %div3A_34 = arith.divf %div3A, %div3A_33 : f32
      %add3A_35 = arith.addf %get3A_28, %div3A_34 : f32
      %swap3A_36 = arith.constant 0 : index
      %swap3A_37 = arith.constant 0 : index
      %swap3A_38 = memref.load %arg3[%swap3A_36, %swap3A_37] : memref<1x1xf32, #tpu.memory_space<smem>>
      memref.store %add3A_35, %arg3[%swap3A_36, %swap3A_37] : memref<1x1xf32, #tpu.memory_space<smem>>
    }
    %scan3A_6 = arith.constant 16 : i32
    return
  }
}

</mosaic_0001>

<sc_bundles>
// kernel: kernel.5.cloned.1.call-start
scs
__scs_entry_jumppad:
0x0: {  	(pc) =	sbr.rel $0x88, $3  }
0x1: {  	(tag) =	ssettag $0x0;
	lr =	simm.s32 $0x1  }
0x2: {  	[smem:$0x3F9E] =	sst lr;
	_ =	strace $0xD0000000  }
0x3: {  	_ = 	snop  }
0x4: {  	_ = 	snop  }
0x5: {  	_ = 	snop  }
0x6: {  	_ = 	snop  }
0x7: {  	_ = 	snop  }
__scs_overlays_trampoline_lowered:
0x8: {  	[smem:$0x3FAD] =	sst s0  }
0x9: {  	[smem:$0x3FAE] =	sst s1  }
0xa: {  	[smem:$0x3FAF] =	sst s2  }
0xb: {  	[smem:$0x3FB0] =	sst s3  }
0xc: {  	[smem:$0x3FB1] =	sst s4  }
0xd: {  	[smem:$0x3FB2] =	sst s5  }
0xe: {  	[smem:$0x3FB3] =	sst s6  }
0xf: {  	[smem:$0x3FB4] =	sst s7  }
0x10: {  	[smem:$0x3FB5] =	sst s8  }
0x11: {  	[smem:$0x3FB6] =	sst s9;
	s0 =	simm.s32 @!p0 $0x0  }
0x12: {  	s1 =	sld [smem:$0x3F9C];
	s0 =	simm.s32 @p0 $0x1  }
0x13: {  	[smem:$0x3FB7] =	sst s0;
	s0 =	simm.s32 @!p1 $0x0  }
0x14: {  	s2 =	sld [smem:$0x3F9B];
	s0 =	simm.s32 @p1 $0x1  }
0x15: {  	[smem:$0x3FB8] =	sst s0;
	s0 =	simm.s32 @!p2 $0x0  }
0x16: {  	s3 =	sld [smem:$0x3FDB];
	s0 =	simm.s32 @p2 $0x1  }
0x17: {  	s4 =	simm.s32 $0x1BF5;
	[smem:$0x3FBA] =	sst s0  }
0x18: {  	s0 =	sld [smem:$0x3F9D];
	_ =	swait.ge [sflag:s4], $0x0  }
0x19: {  	s7 =	sld [smem:$0x3F9E]  }
0x1a: {  	s8 =	sadd.s32 $0xFFFFE003, lr  }
0x1b: {  	s9 =	sadd.s32 $0xFFFFFEF7, lr;
	s5 =	simm.s32 $0xFFFFFFFF;
	p2 =	slt.u32 s8, $0xFFFFF086  }
0x1c: {  	p1 =	slt.u32 s9, $0xF7A;
	s5 =	simm.s32 @!p2 $0x0  }
0x1d: {  	s5 =	simm.s32 @p1 $0x1;
	p0 =	seq.s32 s7, s2  }
0x1e: {  	s7 =	smul.u32 @!p0 $0xF7A, s2;
	p2 =	seq.s32 @!p0 s5, $0x0  }
0x1f: {  	s9 =	smul.u32 $0xF7A, s1;
	s8 =	simm.s32 @!p0 $0x1BF5;
	p2 =	por !p2, p0  }
0x20: {  	[sflag:s8] =	ssyncset.s32 @!p0 $0xFFFFF086;
	s6 =	sadd.s32 @!p0 s3, s7;
	s7 =	simm.s32 @!p0 $0x108  }
0x21: {  	s3 =	sadd.s32 s3, s9;
	s6 =	sadd.s32 @!p0 $0x88, s6;
	s7 =	simm.s32 @p2 $0x1082  }
0x22: {  	[simem:s7], [sflag:s8] =	dma.local @!p0 [hbm:s6], $0xF7A  }
0x23: {  	s9 =	sor.u32 $0xD0000000, s2;
	s6 =	simm.s32 $0x108;
	_ =	swait.ge @!p0 [sflag:s8], $0x0  }
0x24: {  	s3 =	sadd.s32 $0x88, s3;
	s6 =	simm.s32 @!p1 $0x1082;
	[sflag:s4] =	ssyncset.s32 $0xFFFFF086  }
0x25: {  	[simem:s6], [sflag:s4] =	dma.local [hbm:s3], $0xF7A  }
0x26: {  	[smem:$0x3F9E] =	sst s1;
	(tag) =	ssettag s2;
	_ =	strace s9  }
0x27: {  	s1 =	sld [smem:$0x3FAE]  }
0x28: {  	s2 =	sld [smem:$0x3FAF]  }
0x29: {  	s4 =	sld [smem:$0x3FB1]  }
0x2a: {  	p0 =	seq.s32 s5, $0x0;
	s5 =	sld [smem:$0x3FB2]  }
0x2b: {  	s6 =	sld [smem:$0x3FB3]  }
0x2c: {  	s7 =	sld [smem:$0x3FB4]  }
0x2d: {  	s3 =	simm.s32 $0x108;
	s8 =	sld [smem:$0x3FB5]  }
0x2e: {  	s3 =	simm.s32 @!p0 $0x1082;
	s9 =	sld [smem:$0x3FB6]  }
0x2f: {  	lr =	sadd.s32 s0, s3;
	s0 =	sld [smem:$0x3FAD]  }
0x30: {  	s3 =	sld [smem:$0x3FB0]  }
0x31: {  	[smem:$0x3FB9] =	sst s10  }
0x32: {  	s10 =	sld [smem:$0x3FB7];
	_ =	sdelay $0x3  }
0x33: {  	p0 =	seq.s32 s10, $0x1;
	s10 =	sld [smem:$0x3FB9];
	_ =	sdelay $0x3  }
0x34: {  	[smem:$0x3FB9] =	sst s10  }
0x35: {  	s10 =	sld [smem:$0x3FB8];
	_ =	sdelay $0x3  }
0x36: {  	p1 =	seq.s32 s10, $0x1;
	s10 =	sld [smem:$0x3FB9];
	_ =	sdelay $0x3  }
0x37: {  	[smem:$0x3FB9] =	sst s10  }
0x38: {  	s10 =	sld [smem:$0x3FBA]  }
0x39: {  	_ = 	snop;
	(pc) =	sbr.ind lr, $3  }
0x3a: {  	_ = 	snop  }
0x3b: {  	_ = 	snop  }
0x3c: {  	p2 =	seq.s32 s10, $0x1;
	s10 =	sld [smem:$0x3FB9]  }
0x3d: {  	_ =	shalt  }
0x3e: {  	_ =	shalt  }
0x3f: {  	_ =	shalt  }
0x40: {  	_ =	shalt  }
0x41: {  	_ =	shalt  }
0x42: {  	_ =	shalt  }
0x43: {  	_ =	shalt  }
0x44: {  	_ =	shalt  }
0x45: {  	_ =	shalt  }
0x46: {  	_ =	shalt  }
0x47: {  	_ =	shalt  }
0x48: {  	_ =	shalt  }
0x49: {  	_ =	shalt  }
0x4a: {  	_ =	shalt  }
0x4b: {  	_ =	shalt  }
0x4c: {  	_ =	shalt  }
0x4d: {  	_ =	shalt  }
0x4e: {  	_ =	shalt  }
0x4f: {  	_ =	shalt  }
0x50: {  	_ =	shalt  }
0x51: {  	_ =	shalt  }
0x52: {  	_ =	shalt  }
0x53: {  	_ =	shalt  }
0x54: {  	_ =	shalt  }
0x55: {  	_ =	shalt  }
0x56: {  	_ =	shalt  }
0x57: {  	_ =	shalt  }
0x58: {  	_ =	shalt  }
0x59: {  	_ =	shalt  }
0x5a: {  	_ =	shalt  }
0x5b: {  	_ =	shalt  }
0x5c: {  	_ =	shalt  }
0x5d: {  	_ =	shalt  }
0x5e: {  	_ =	shalt  }
0x5f: {  	_ =	shalt  }
0x60: {  	_ =	shalt  }
0x61: {  	_ =	shalt  }
0x62: {  	_ =	shalt  }
0x63: {  	_ =	shalt  }
0x64: {  	_ =	shalt  }
0x65: {  	_ =	shalt  }
0x66: {  	_ =	shalt  }
0x67: {  	_ =	shalt  }
0x68: {  	_ =	shalt  }
0x69: {  	_ =	shalt  }
0x6a: {  	_ =	shalt  }
0x6b: {  	_ =	shalt  }
0x6c: {  	_ =	shalt  }
0x6d: {  	_ =	shalt  }
0x6e: {  	_ =	shalt  }
0x6f: {  	_ =	shalt  }
0x70: {  	_ =	shalt  }
0x71: {  	_ =	shalt  }
0x72: {  	_ =	shalt  }
0x73: {  	_ =	shalt  }
0x74: {  	_ =	shalt  }
0x75: {  	_ =	shalt  }
0x76: {  	_ =	shalt  }
0x77: {  	_ =	shalt  }
0x78: {  	_ =	shalt  }
0x79: {  	_ =	shalt  }
0x7a: {  	_ =	shalt  }
0x7b: {  	_ =	shalt  }
0x7c: {  	_ =	shalt  }
0x7d: {  	_ =	shalt  }
0x7e: {  	_ =	shalt  }
0x7f: {  	_ =	shalt  }
0x80: {  	_ =	shalt  }
0x81: {  	_ =	shalt  }
0x82: {  	_ =	shalt  }
0x83: {  	_ =	shalt  }
0x84: {  	_ =	shalt  }
0x85: {  	_ =	shalt  }
0x86: {  	_ =	shalt  }
0x87: {  	_ =	shalt  }
.Lfunc_end0:
.L_simem_size_0:
called_computation_lowered:
.L_overlay_start_0:
0x88: {  	s2 =	sld [smem:$0x3FD9]  }
0x89: {  	s3 =	sld [smem:$0x3FFE];
	_ =	sdelay $0x1  }
0x8a: {  	s1 =	srdreg.scid  }
0x8b: {  	s0 =	sand.u32 $0x1, s1  }
0x8c: {  	s16 =	sshll.u32 s0, $0xA;
	s2 =	sadd.s32 s3, s2  }
0x8d: {  	s2 =	sadd.s32 s2, s16  }
0x8e: {  	[smem:$0x3FC5] =	sst s2  }
0x8f: {  	_ = 	snop  }
0x90: {  	(tm) =	ssettm $0x1  }
0x91: {  	s17 =	sld [smem:$0x3FFB];
	_ =	sdelay $0x3  }
0x92: {  	_ =	strace s17  }
0x93: {  	s2 =	sld [smem:$0x3FFC];
	_ =	sdelay $0x3  }
0x94: {  	_ =	strace s2  }
0x95: {  	s2 =	sld [smem:$0x3FFD];
	_ =	sdelay $0x3  }
0x96: {  	_ =	strace s2  }
0x97: {  	_ =	strace $0x8FFFFFFF  }
0x98: {  	s18 =	sld [smem:$0x3FDB];
	_ =	sdelay $0x1  }
0x99: {  	s19 =	simm.s32 $_scs_section_size  }
0x9a: {  	s4 =	simm.s32 $_size__tile_overlayer_lowered;
	s5 =	simm.s32 $_tile_overlayer_lowered  }
0x9b: {  	s22 =	simm.s32 $0x1BFF;
	s21 =	sshll.u32 s5, $0x1;
	s2 =	sadd.s32 s19, s18  }
0x9c: {  	s6 =	simm.s32 $0x0;
	s20 =	sshll.u32 s4, $0x1;
	s4 =	sadd.s32 s21, s2  }
0x9d: {  	[timem:s6], [sflag:s22] =	dma.local [hbm:s4], s20  }
0x9e: {  	_ =	swait.ge [sflag:s22], s20  }
0x9f: {  	s3 =	ssub.s32 $0x0, s20;
	[sflag:s22] =	ssyncset.done $0x0  }
0xa0: {  	[sflag:s22] =	ssyncadd.s32 s3;
	_ =	sdelay $0x1  }
0xa1: {  	s23 =	simm.s32 $0x1B8B  }
0xa2: {  	_ =	swait.ge [sflag:s23], $0x1  }
0xa3: {  	[sflag:s23] =	ssyncset.done $0x0  }
0xa4: {  	s25 =	simm.s32 $0x1B8E;
	s24 =	sld [smem:$0x3FFE];
	[sflag:s23] =	ssyncadd.s32 $0xFFFFFFFF  }
0xa5: {  	s26 =	simm.s32 $execute0_lowered;
	[smem:$0x3FD2] =	sst s25  }
0xa6: {  	s4 =	sshll.u32 s26, $0x1;
	_ =	strace $0x80000046;
	[dreg:$0x1] =	wrdreg $0xFFFFFFFF  }
0xa7: {  	s28 =	simm.s32 $_size_execute0_lowered;
	s2 =	sadd.s32 s2, s4;
	[dreg:$0x0] =	wrdreg $0x0  }
0xa8: {  	s4 =	sshll.u32 s28, $0x1;
	[dreg:$0x2] =	wrdreg s2  }
0xa9: {  	[dreg:$0x3] =	wrdreg s4  }
0xaa: {  	[dreg:$0x4] =	wrdreg $0xC0  }
0xab: {  	_ =	task [dreg:s6], $0x5FFFF  }
0xac: {  	[dreg:$0x1] =	wrdreg $0xFFFFFFFF  }
0xad: {  	[dreg:$0x0] =	wrdreg $0x60  }
0xae: {  	[dreg:$0x2] =	wrdreg s24  }
0xaf: {  	[dreg:$0x3] =	wrdreg $0x9  }
0xb0: {  	_ =	task.clear_ibuf [dreg:s6], $0x4FFFF;
	_ =	strace $0x90000046  }
0xb1: {  	s29 =	simm.s32 $0x9;
	_ =	strace $0x80000048  }
0xb2: {  	_ =	swait.ge [sflag:s29], $0x1  }
0xb3: {  	[sflag:s29] =	ssyncadd.s32 $0xFFFFFFFF  }
0xb4: {  	_ =	strace $0x90000048  }
0xb5: {  	_ =	sfence  }
0xb6: {  	s30 =	sld [smem:$0x0];
	_ =	sdelay $0x2  }
0xb7: {  	s31 =	sshll.u32 s1, $0xD;
	s1 =	sshrl.u32 s1, $0x2  }
0xb8: {  	s3 =	sand.u32 $0x4000, s31;
	s1 =	sadd.s32 s1, s30  }
0xb9: {  	s0 =	sor.u32 s3, s0;
	s1 =	sshll.u32 s1, $0x11  }
0xba: {  	s0 =	sor.u32 s1, s0  }
0xbb: {  	s0 =	sadd.s32 $0x8F2B, s0  }
0xbc: {  	[sflag:s0] =	ssyncadd.remote.s32 $0x1  }
0xbd: {  	_ =	sfence.sel $0xFFFF  }
0xbe: {  	[dreg:$0x0] =	wrdreg $0xFFFFFFFF;
	(pc) =	sbr.abs _section_cstart, $3  }
0xbf: {  	[dreg:$0x1] =	wrdreg $0xFFFFFFFF  }
0xc0: {  	_ =	task.clear_ibuf [dreg:s6], $0x2FFFF;
	_ =	strace $0x9FFFFFFF  }
0xc1: {  	(tm) =	ssettm $0x7FFFFFFF  }
tec
execute0_lowered:
.L_overlay_start_1:
0x0: {  	(tag) =	ssettag $0x1  }
0x1: {  	s5 =	rddreg [dreg:$0x0];
	s1 =	simm.s32 $0x0  }
0x2: {  	s0 =	stileid.u32;
	s4 =	srdreg.scid;
	s14 =	simm.s32 $0x0  }
0x3: {  	[smem:$0x7FF] =	sst s1;
	s3 =	sshll.u32 s0, $0x4;
	s28 =	sadd.s32 $0xA00, s5  }
0x4: {  	s7 =	sand.u32 $0x1, s4;
	s8 =	sshll.u32 s0, $0xD;
	s9 =	sshll.u32 s0, $0x5  }
0x5: {  	_ =	strace $0x80000047;
	s3 =	sand.u32 $0x70, s3;
	[dreg:$0x2] =	wrdreg s28  }
0x6: {  	s4 =	sshll.u32 s7, $0xC;
	s10 =	ssub.s32 $0x2, s7;
	s9 =	sand.u32 $0x100, s9  }
.Ltmp0:
0x7: {  	s6 =	sadd.s32 s3, s5;
	s8 =	sor.u32 s4, s8;
	(pc) =	sbr.rel .LBB2_1-.Ltmp0, $4  }
0x8: {  	s11 =	sshrl.u32 s10, $0x1;
	s8 =	sshrl.u32 s8, $0x3;
	s6 =	sadd.s32 s9, s6  }
0x9: {  	s29 =	ssub.s32 s10, s11;
	s8 =	sadd.s32 s8, s5;
	s30 =	sadd.s32 $0x800, s6  }
0xa: {  	s11 =	simm.s32 $0x1;
	[dreg:$0x3] =	wrdreg s30;
	s31 =	sadd.s32 $0xC00, s8  }
0xb: {  	v0 =	vimm.f32 $0.0e+00;
	v1 =	vlaneseq.u32;
	s6 =	sshllo.u32 s7, $0xC;
	s8 =	smax.u32 s29, $0x1;
	[dreg:$0x4] =	wrdreg s31  }
.LBB2_7:
0xc: {  	s14 =	sadd.s32 $0x1, s14  }
0xd: {  	s0 =	simm.s32 $0x0;
	p0 =	sne.s32 s14, s8  }
.Ltmp1:
0xe: {  	s1 =	rddreg [dreg:$0x4];
	s2 =	simm.s32 $0x180;
	(pc) =	sbr.rel @!p0 .LBB2_8-.Ltmp1, $4  }
0xf: {  	[hbm4b:s1+s0] =	stream.linear.scatter [tilespmem:s2], [sflag:$0x1], $0x1000, $0x38;
	[tilespmem:$0x1180] =	vst v63  }
0x10: {  	_ =	swait.ge [sflag:s11], $0x1000  }
0x11: {  	[sflag:s11] =	ssyncset.done $0x0  }
0x12: {  	[sflag:s11] =	ssyncadd.s32 $0xFFFFF000  }
.LBB2_1:
0x13: {  	s0 =	simm.s32 $0x0  }
0x14: {  	s15 =	simm.s32 $0x10;
	s16 =	sand.u32 $0xFF0, s0  }
.LBB2_2:
0x15: {  	p0 =	sne.s32 s15, $0xFF0;
	[tilespmem:s16+$0x180] =	vst v0;
	s16 =	smov.u32 s15;
	s15 =	sadd.s32 $0x10, s15  }
.Ltmp2:
0x16: {  	(pc) =	sbr.rel @p0 .LBB2_2-.Ltmp2, $2  }
0x17: {  	_ =	sdelay $0x2  }
0x18: {  	s16 =	sand.u32 $0xFF0, s16  }
0x19: {  	s15 =	simm.s32 $0x0  }
0x1a: {  	[tilespmem:s16+$0x180] =	vst v0;
	s0 =	rddreg [dreg:$0x3];
	s1 =	simm.s32 $0x80;
	s2 =	simm.s32 $0x400  }
0x1b: {  	[tilespmem:s15], [sflag:$0x1] =	stream.strided.gather [hbm4b:s0+s1], $0x100, s2, s1, $0x38;
	[tilespmem:$0x1180] =	vst v63  }
0x1c: {  	_ =	swait.ge [sflag:s11], $0x100  }
0x1d: {  	[sflag:s11] =	ssyncset.done $0x0  }
0x1e: {  	s30 =	simm.s32 $0x100;
	s29 =	rddreg [dreg:$0x2];
	[sflag:s11] =	ssyncadd.s32 $0xFFFFFF00  }
0x1f: {  	[tilespmem:s30], [sflag:$0x1] =	stream.linear.gather [hbm4b:s29+s15], $0x80, $0x38;
	[tilespmem:$0x1180] =	vst v63  }
0x20: {  	_ =	swait.ge [sflag:s11], $0x80  }
0x21: {  	[sflag:s11] =	ssyncset.done $0x0  }
0x22: {  	[sflag:s11] =	ssyncadd.s32 $0xFFFFFF80  }
0x23: {  	v2 =	vld [tilespmem:$0x100];
	_ =	sdelay $0x4  }
0x24: {  	(v2sf) =	vpush v2, $0x0;
	_ =	sdelay $0xb  }
.Ltmp3:
0x25: {  	_ = 	snop;
	(pc) =	sbr.rel .LBB2_4-.Ltmp3, $3  }
0x26: {  	_ =	sdelay $0x1  }
0x27: {  	s31 =	spop (v2sf)  }
0x28: {  	s16 =	scvt.s32.f32 s31  }
.LBB2_6:
0x29: {  	s15 =	sadd.s32 $0x10, s15  }
0x2a: {  	p0 =	sne.s32 s15, $0x1E0  }
.Ltmp4:
0x2b: {  	_ = 	snop;
	(pc) =	sbr.rel @!p0 .LBB2_7-.Ltmp4, $1  }
0x2c: {  	_ =	sdelay $0x3  }
.LBB2_4:
0x2d: {  	s17 =	sshra.s32 s15, $0x2  }
0x2e: {  	v2 =	vld [tilespmem:s17+$0x0];
	_ =	sdelay $0x4  }
0x2f: {  	(v2sf) =	vpush v2, $0x2;
	_ =	sdelay $0xe  }
0x30: {  	s31 =	spop (v2sf)  }
0x31: {  	p0 =	sne.f32 s31, s16  }
.Ltmp5:
0x32: {  	_ = 	snop;
	(pc) =	sbr.rel @p0 .LBB2_6-.Ltmp5, $1  }
0x33: {  	_ =	sdelay $0x3  }
0x34: {  	(v2sf) =	vpush v2, $0x1  }
0x35: {  	(v2sf) =	vpush v2, $0x0;
	_ =	sdelay $0xd  }
0x36: {  	s17 =	spop (v2sf)  }
0x37: {  	s18 =	spop (v2sf);
	s23 =	sadd.f32 $-1.922031250e+02, s17  }
0x38: {  	s19 =	smax.f32 s18, $0.0e+00;
	s20 =	sadd.f32 $1.922031250e+02, s18  }
0x39: {  	s31 =	smax.f32 s17, $0.0e+00;
	s21 =	scvt.f32.s32 s19  }
0x3a: {  	s28 =	sadd.f32 $0.0e+00, s18;
	s24 =	smax.f32 s20, $0.0e+00  }
0x3b: {  	s22 =	scvt.s32.f32 s21;
	s25 =	scvt.f32.s32 s24  }
0x3c: {  	s30 =	smax.f32 s23, $0.0e+00;
	s28 =	smax.f32 s28, $0.0e+00  }
0x3d: {  	p0 =	sgt.f32 s19, s22;
	s26 =	scvt.s32.f32 s25  }
0x3e: {  	s22 =	simm.s32 $0x1;
	s19 =	scvt.f32.s32 s30;
	s30 =	scvt.f32.s32 s28  }
0x3f: {  	s22 =	simm.s32 @!p0 $0x0;
	p0 =	slt.f32 s23, $0.0e+00;
	p1 =	sgt.f32 s24, s26  }
0x40: {  	s19 =	sadd.s32 $0x1, s19;
	s24 =	simm.s32 $0x1;
	s26 =	smov.u32 s4  }
0x41: {  	s21 =	sadd.s32 s21, s22;
	s19 =	simm.s32 @p0 $0x0;
	s24 =	simm.s32 @!p1 $0x0  }
0x42: {  	p1 =	sle.f32 s20, $0.0e+00;
	p2 =	sgt.s32 s21, s19;
	s24 =	sadd.s32 s24, s25  }
0x43: {  	s22 =	scvt.f32.s32 s31;
	s19 =	smov.u32 @p2 s21;
	s24 =	sadd.s32 $0xFFFFFFFF, s24  }
0x44: {  	s0 =	scvt.s32.f32 s30;
	s24 =	simm.s32 @p1 $0xFFFFFFFF;
	p1 =	sgt.s32 s19, s4  }
0x45: {  	p0 =	slt.f32 s17, $0.0e+00;
	s25 =	smov.u32 s22;
	s26 =	smov.u32 @p1 s19  }
0x46: {  	p1 =	slt.s32 s4, s19;
	s19 =	simm.s32 $0x1;
	s21 =	ssub.s32 s26, s4  }
0x47: {  	s22 =	sadd.s32 $0x1, s22;
	s19 =	simm.s32 @!p1 $0x0;
	s29 =	sshra.s32 s21, $0x1F  }
0x48: {  	s25 =	simm.s32 @p0 $0xFFFFFFFF;
	s26 =	sand.u32 $0xF, s26;
	s19 =	sor.u32 s19, s29  }
0x49: {  	p2 =	slt.s32 s25, s24;
	p4 =	sne.s32 s26, $0x0;
	p3 =	sne.s32 s19, $0x1  }
0x4a: {  	s24 =	smov.u32 @p2 s25;
	s1 =	sshrl.u32 s29, $0x1C;
	p1 =	por !p4, !p3  }
0x4b: {  	s26 =	simm.s32 $0x1;
	s25 =	sadd.s32 s1, s21;
	p1 =	por !p1, !p1  }
0x4c: {  	p2 =	sgt.f32 s28, s0;
	s2 =	sshrl.u32 s25, $0x4;
	s26 =	simm.s32 @!p1 $0x0  }
0x4d: {  	s22 =	simm.s32 @p0 $0x0;
	s25 =	simm.s32 $0x1;
	s19 =	ssub.s32 s2, s26  }
0x4e: {  	p0 =	sle.f32 s18, $0.0e+00;
	s25 =	simm.s32 @!p2 $0x0;
	s28 =	sshll.u32 s19, $0x4  }
0x4f: {  	p1 =	slt.s32 s24, s6;
	s19 =	smov.u32 s6;
	p2 =	sgt.s32 s28, $0x0  }
0x50: {  	s25 =	sadd.s32 s25, s30;
	s19 =	smov.u32 @p1 s24;
	s28 =	simm.s32 @!p2 $0x0  }
0x51: {  	s26 =	sadd.s32 $0xFFFFFFFF, s25;
	p1 =	slt.s32 s19, $0xFFF;
	s3 =	smin.u32 s28, $0xFF0  }
0x52: {  	s26 =	simm.s32 @p0 $0xFFFFFFFF;
	s19 =	simm.s32 @!p1 $0xFFF;
	v2 =	vor.u32 s3, v1;
	v3 =	vld [tilespmem:s3+$0x180]  }
0x53: {  	s25 =	ssub.s32 s22, s4;
	s26 =	ssub.s32 s26, s4;
	s24 =	ssub.s32 s19, s4;
	vm0 =	vge.s32 v2, s21  }
0x54: {  	vm1 =	vle.s32 v2, s24;
	vm2 =	vlt.s32 v2, s25;
	vm3 =	vgt.s32 v2, s26  }
0x55: {  	vm0 =	vmand vm0, vm1;
	vm6 =	vmor vm2, vm3  }
0x56: {  	vm0 =	vmand vm0, vm6  }
0x57: {  	s5 =	smin.u32 s28, $0xFE0;
	v2 =	vsel vm0, $0x3F800000, v3  }
0x58: {  	s7 =	sadd.s32 $0x10, s5;
	[tilespmem:s3+$0x180] =	vst v2  }
0x59: {  	v2 =	vor.u32 s7, v1;
	v3 =	vld [tilespmem:s5+$0x190]  }
0x5a: {  	vm7 =	vge.s32 v2, s21  }
0x5b: {  	vm8 =	vle.s32 v2, s24;
	vm9 =	vlt.s32 v2, s25;
	vm10 =	vgt.s32 v2, s26  }
0x5c: {  	vm0 =	vmand vm7, vm8;
	vm11 =	vmor vm9, vm10  }
0x5d: {  	vm0 =	vmand vm0, vm11  }
0x5e: {  	s9 =	smin.u32 s28, $0xFD0;
	v2 =	vsel vm0, $0x3F800000, v3  }
0x5f: {  	s10 =	sadd.s32 $0x20, s9;
	[tilespmem:s5+$0x190] =	vst v2  }
0x60: {  	v2 =	vor.u32 s10, v1;
	v3 =	vld [tilespmem:s9+$0x1A0]  }
0x61: {  	vm12 =	vge.s32 v2, s21  }
0x62: {  	vm13 =	vle.s32 v2, s24;
	vm14 =	vlt.s32 v2, s25;
	vm15 =	vgt.s32 v2, s26  }
0x63: {  	vm0 =	vmand vm12, vm13;
	vm6 =	vmor vm14, vm15  }
0x64: {  	vm0 =	vmand vm0, vm6  }
0x65: {  	s12 =	smin.u32 s28, $0xFC0;
	v2 =	vsel vm0, $0x3F800000, v3  }
0x66: {  	s13 =	sadd.s32 $0x30, s12;
	[tilespmem:s9+$0x1A0] =	vst v2  }
0x67: {  	v2 =	vor.u32 s13, v1;
	v3 =	vld [tilespmem:s12+$0x1B0]  }
0x68: {  	vm7 =	vge.s32 v2, s21  }
0x69: {  	vm8 =	vle.s32 v2, s24;
	vm9 =	vlt.s32 v2, s25;
	vm10 =	vgt.s32 v2, s26  }
0x6a: {  	vm0 =	vmand vm7, vm8;
	vm11 =	vmor vm9, vm10  }
0x6b: {  	vm0 =	vmand vm0, vm11  }
0x6c: {  	s29 =	smin.u32 s28, $0xFB0;
	v2 =	vsel vm0, $0x3F800000, v3  }
0x6d: {  	s30 =	sadd.s32 $0x40, s29;
	[tilespmem:s12+$0x1B0] =	vst v2  }
0x6e: {  	v2 =	vor.u32 s30, v1;
	v3 =	vld [tilespmem:s29+$0x1C0]  }
0x6f: {  	vm12 =	vge.s32 v2, s21  }
0x70: {  	vm13 =	vle.s32 v2, s24;
	vm14 =	vlt.s32 v2, s25;
	vm15 =	vgt.s32 v2, s26  }
0x71: {  	vm0 =	vmand vm12, vm13;
	vm6 =	vmor vm14, vm15  }
0x72: {  	vm0 =	vmand vm0, vm6  }
0x73: {  	s31 =	smin.u32 s28, $0xFA0;
	v2 =	vsel vm0, $0x3F800000, v3  }
0x74: {  	s0 =	sadd.s32 $0x50, s31;
	[tilespmem:s29+$0x1C0] =	vst v2  }
0x75: {  	v2 =	vor.u32 s0, v1;
	v3 =	vld [tilespmem:s31+$0x1D0]  }
0x76: {  	vm7 =	vge.s32 v2, s21  }
0x77: {  	vm8 =	vle.s32 v2, s24;
	vm9 =	vlt.s32 v2, s25;
	vm10 =	vgt.s32 v2, s26  }
0x78: {  	vm0 =	vmand vm7, vm8;
	vm11 =	vmor vm9, vm10  }
0x79: {  	vm0 =	vmand vm0, vm11  }
0x7a: {  	s1 =	smin.u32 s28, $0xF90;
	v2 =	vsel vm0, $0x3F800000, v3  }
0x7b: {  	s2 =	sadd.s32 $0x60, s1;
	[tilespmem:s31+$0x1D0] =	vst v2  }
0x7c: {  	v2 =	vor.u32 s2, v1;
	v3 =	vld [tilespmem:s1+$0x1E0]  }
0x7d: {  	vm12 =	vge.s32 v2, s21  }
0x7e: {  	vm13 =	vle.s32 v2, s24;
	vm14 =	vlt.s32 v2, s25;
	vm15 =	vgt.s32 v2, s26  }
0x7f: {  	vm0 =	vmand vm12, vm13;
	vm6 =	vmor vm14, vm15  }
0x80: {  	vm0 =	vmand vm0, vm6  }
0x81: {  	s3 =	smin.u32 s28, $0xF80;
	v2 =	vsel vm0, $0x3F800000, v3  }
0x82: {  	s5 =	sadd.s32 $0x70, s3;
	[tilespmem:s1+$0x1E0] =	vst v2  }
0x83: {  	v2 =	vor.u32 s5, v1;
	v3 =	vld [tilespmem:s3+$0x1F0]  }
0x84: {  	vm7 =	vge.s32 v2, s21  }
0x85: {  	vm8 =	vle.s32 v2, s24;
	vm9 =	vlt.s32 v2, s25;
	vm10 =	vgt.s32 v2, s26  }
0x86: {  	s7 =	smin.u32 s28, $0xF70;
	vm0 =	vmand vm7, vm8;
	vm11 =	vmor vm9, vm10  }
0x87: {  	s9 =	sadd.s32 $0x80, s7;
	vm0 =	vmand vm0, vm11  }
0x88: {  	s22 =	sand.u32 $0x70, s7;
	s10 =	sand.u32 $0x1F80, s9;
	v2 =	vsel vm0, $0x3F800000, v3  }
0x89: {  	s12 =	sor.u32 s22, s10;
	[tilespmem:s3+$0x1F0] =	vst v2  }
0x8a: {  	v2 =	vor.u32 s9, v1;
	v3 =	vld [tilespmem:s12+$0x180]  }
0x8b: {  	vm12 =	vge.s32 v2, s21  }
0x8c: {  	vm13 =	vle.s32 v2, s24;
	vm14 =	vlt.s32 v2, s25;
	vm15 =	vgt.s32 v2, s26  }
0x8d: {  	vm0 =	vmand vm12, vm13;
	vm6 =	vmor vm14, vm15  }
0x8e: {  	vm0 =	vmand vm0, vm6  }
0x8f: {  	s13 =	smin.u32 s28, $0xF60;
	v2 =	vsel vm0, $0x3F800000, v3  }
0x90: {  	s2 =	sadd.s32 $0x90, s13;
	[tilespmem:s12+$0x180] =	vst v2  }
0x91: {  	s3 =	smul.f32 $5.000000000e-01, s18;
	v2 =	vor.u32 s2, v1;
	v3 =	vld [tilespmem:s13+$0x210]  }
0x92: {  	vm7 =	vge.s32 v2, s21  }
0x93: {  	s19 =	sadd.f32 $2.261152340e+02, s18;
	s5 =	smax.f32 s3, $0.0e+00;
	vm8 =	vle.s32 v2, s24;
	vm9 =	vlt.s32 v2, s25;
	vm10 =	vgt.s32 v2, s26  }
0x94: {  	s30 =	scvt.f32.s32 s5;
	vm0 =	vmand vm7, vm8;
	vm11 =	vmor vm9, vm10  }
0x95: {  	s22 =	sadd.f32 $-2.261152340e+02, s17;
	s31 =	smul.f32 $5.000000000e-01, s19;
	vm0 =	vmand vm0, vm11  }
0x96: {  	s0 =	smin.u32 s28, $0xF50;
	s1 =	scvt.s32.f32 s30;
	v2 =	vsel vm0, $0x3F800000, v3  }
0x97: {  	s7 =	smul.f32 $5.000000000e-01, s22;
	s10 =	smax.f32 s31, $0.0e+00;
	s9 =	sadd.s32 $0xA0, s0;
	[tilespmem:s13+$0x210] =	vst v2  }
0x98: {  	p0 =	sgt.f32 s5, s1;
	s1 =	scvt.f32.s32 s10;
	v2 =	vor.u32 s9, v1;
	v3 =	vld [tilespmem:s0+$0x220]  }
0x99: {  	s3 =	smul.f32 $5.000000000e-01, s17;
	vm12 =	vge.s32 v2, s21  }
0x9a: {  	p1 =	slt.f32 s7, $0.0e+00;
	s12 =	scvt.s32.f32 s1;
	vm13 =	vle.s32 v2, s24;
	vm14 =	vlt.s32 v2, s25;
	vm15 =	vgt.s32 v2, s26  }
0x9b: {  	p2 =	sle.f32 s31, $0.0e+00;
	s29 =	smax.f32 s3, $0.0e+00;
	s9 =	simm.s32 $0x1;
	vm0 =	vmand vm12, vm13;
	vm6 =	vmor vm14, vm15  }
0x9c: {  	s2 =	smax.f32 s7, $0.0e+00;
	s9 =	simm.s32 @!p0 $0x0;
	p0 =	sgt.f32 s10, s12;
	vm0 =	vmand vm0, vm6  }
0x9d: {  	s2 =	scvt.f32.s32 s2;
	s13 =	smin.u32 s28, $0xF40;
	s12 =	simm.s32 $0x1;
	v2 =	vsel vm0, $0x3F800000, v3  }
0x9e: {  	s5 =	sadd.s32 $0xB0, s13;
	s12 =	simm.s32 @!p0 $0x0;
	p0 =	slt.f32 s3, $0.0e+00;
	[tilespmem:s0+$0x220] =	vst v2  }
0x9f: {  	s1 =	sadd.s32 s12, s1;
	s0 =	sadd.s32 $0x1, s2;
	s2 =	scvt.f32.s32 s29;
	v2 =	vor.u32 s5, v1;
	v3 =	vld [tilespmem:s13+$0x230]  }
0xa0: {  	s3 =	sadd.s32 s30, s9;
	s29 =	sadd.s32 $0xFFFFFFFF, s1;
	vm7 =	vge.s32 v2, s21;
	s0 =	simm.s32 @p1 $0x0  }
0xa1: {  	vm8 =	vle.s32 v2, s24;
	vm9 =	vlt.s32 v2, s25;
	vm10 =	vgt.s32 v2, s26;
	s29 =	simm.s32 @p2 $0xFFFFFFFF;
	p1 =	sgt.s32 s3, s0;
	s2 =	simm.s32 @p0 $0xFFFFFFFF  }
0xa2: {  	s10 =	smul.f32 $5.000000000e-01, s20;
	vm0 =	vmand vm7, vm8;
	vm11 =	vmor vm9, vm10;
	s0 =	smov.u32 @p1 s3;
	p0 =	slt.s32 s2, s29  }
0xa3: {  	s30 =	smin.u32 s28, $0xF20;
	vm0 =	vmand vm0, vm11;
	s29 =	smov.u32 @p0 s2;
	p0 =	sgt.s32 s0, $0x0  }
0xa4: {  	s20 =	smax.f32 s10, $0.0e+00;
	s1 =	smin.u32 s28, $0xF30;
	s0 =	simm.s32 @!p0 $0x0;
	v2 =	vsel vm0, $0x3F800000, v3  }
0xa5: {  	s7 =	sadd.s32 $0xC0, s1;
	p0 =	slt.s32 s29, $0x7FF;
	s0 =	sadd.s32 $0x1000, s0;
	[tilespmem:s13+$0x230] =	vst v2  }
0xa6: {  	s5 =	smov.u32 s4;
	s29 =	simm.s32 @!p0 $0x7FF;
	v2 =	vor.u32 s7, v1;
	p0 =	sgt.s32 s0, s4;
	v3 =	vld [tilespmem:s1+$0x240]  }
0xa7: {  	s12 =	sadd.s32 $0xD0, s30;
	s3 =	smul.f32 $5.000000000e-01, s23;
	vm12 =	vge.s32 v2, s21;
	s5 =	smov.u32 @p0 s0  }
0xa8: {  	vm13 =	vle.s32 v2, s24;
	vm14 =	vlt.s32 v2, s25;
	vm15 =	vgt.s32 v2, s26;
	p0 =	slt.s32 s4, s0;
	s0 =	simm.s32 $0x1;
	s23 =	ssub.s32 s5, s4  }
0xa9: {  	s31 =	scvt.f32.s32 s20;
	vm0 =	vmand vm12, vm13;
	vm6 =	vmor vm14, vm15;
	s0 =	simm.s32 @!p0 $0x0;
	s28 =	sshra.s32 s23, $0x1F  }
0xaa: {  	s9 =	smax.f32 s3, $0.0e+00;
	s5 =	sand.u32 $0xF, s5;
	vm0 =	vmand vm0, vm6;
	s0 =	sor.u32 s0, s28  }
0xab: {  	p2 =	slt.f32 s3, $0.0e+00;
	p6 =	sne.s32 s5, $0x0;
	p5 =	sne.s32 s0, $0x1;
	v2 =	vsel vm0, $0x3F800000, v3  }
0xac: {  	s7 =	scvt.s32.f32 s31;
	s13 =	sshrl.u32 s28, $0x1C;
	p0 =	por !p6, !p5;
	[tilespmem:s1+$0x240] =	vst v2  }
0xad: {  	s5 =	simm.s32 $0x1;
	v2 =	vor.u32 s12, v1;
	s1 =	sadd.s32 s13, s23;
	p0 =	por !p0, !p0;
	v3 =	vld [tilespmem:s30+$0x250]  }
0xae: {  	s2 =	scvt.f32.s32 s9;
	vm7 =	vge.s32 v2, s21;
	s28 =	sshrl.u32 s1, $0x4;
	s5 =	simm.s32 @!p0 $0x0  }
0xaf: {  	s3 =	smov.u32 s6;
	p1 =	sgt.f32 s20, s7;
	vm8 =	vle.s32 v2, s24;
	vm9 =	vlt.s32 v2, s25;
	vm10 =	vgt.s32 v2, s26;
	s0 =	ssub.s32 s28, s5  }
0xb0: {  	s2 =	sadd.s32 $0x1001, s2;
	s1 =	simm.s32 $0x1;
	vm0 =	vmand vm7, vm8;
	vm11 =	vmor vm9, vm10;
	s28 =	sshll.u32 s0, $0x4  }
0xb1: {  	p0 =	sle.f32 s10, $0.0e+00;
	s1 =	simm.s32 @!p1 $0x0;
	vm0 =	vmand vm0, vm11;
	p1 =	sgt.s32 s28, $0x0  }
0xb2: {  	s0 =	sadd.s32 $0x1000, s29;
	s1 =	sadd.s32 s1, s31;
	s28 =	simm.s32 @!p1 $0x0;
	v2 =	vsel vm0, $0x3F800000, v3  }
0xb3: {  	s1 =	sadd.s32 $0xFFF, s1;
	p1 =	slt.s32 s0, s6;
	[tilespmem:s30+$0x250] =	vst v2;
	s30 =	smin.u32 s28, $0xFF0  }
0xb4: {  	s2 =	simm.s32 @p2 $0x1000;
	s1 =	simm.s32 @p0 $0xFFF;
	s3 =	smov.u32 @p1 s0;
	v2 =	vor.u32 s30, v1;
	v3 =	vld [tilespmem:s30+$0x180]  }
0xb5: {  	s25 =	ssub.s32 s2, s4;
	s26 =	ssub.s32 s1, s4;
	s24 =	ssub.s32 s3, s4;
	vm12 =	vge.s32 v2, s23  }
0xb6: {  	vm13 =	vle.s32 v2, s24;
	vm14 =	vlt.s32 v2, s25;
	vm15 =	vgt.s32 v2, s26  }
0xb7: {  	vm0 =	vmand vm12, vm13;
	vm6 =	vmor vm14, vm15  }
0xb8: {  	vm0 =	vmand vm0, vm6  }
0xb9: {  	s31 =	smin.u32 s28, $0xFE0;
	v2 =	vsel vm0, $0x3F800000, v3  }
0xba: {  	s2 =	sadd.s32 $0x10, s31;
	[tilespmem:s30+$0x180] =	vst v2  }
0xbb: {  	v2 =	vor.u32 s2, v1;
	v3 =	vld [tilespmem:s31+$0x190]  }
0xbc: {  	vm7 =	vge.s32 v2, s23  }
0xbd: {  	vm8 =	vle.s32 v2, s24;
	vm9 =	vlt.s32 v2, s25;
	vm10 =	vgt.s32 v2, s26  }
0xbe: {  	vm0 =	vmand vm7, vm8;
	vm11 =	vmor vm9, vm10  }
0xbf: {  	vm0 =	vmand vm0, vm11  }
0xc0: {  	s3 =	smin.u32 s28, $0xFD0;
	v2 =	vsel vm0, $0x3F800000, v3  }
0xc1: {  	s5 =	sadd.s32 $0x20, s3;
	[tilespmem:s31+$0x190] =	vst v2  }
0xc2: {  	v2 =	vor.u32 s5, v1;
	v3 =	vld [tilespmem:s3+$0x1A0]  }
0xc3: {  	vm12 =	vge.s32 v2, s23  }
0xc4: {  	vm13 =	vle.s32 v2, s24;
	vm14 =	vlt.s32 v2, s25;
	vm15 =	vgt.s32 v2, s26  }
0xc5: {  	vm0 =	vmand vm12, vm13;
	vm6 =	vmor vm14, vm15  }
0xc6: {  	vm0 =	vmand vm0, vm6  }
0xc7: {  	s7 =	smin.u32 s28, $0xFC0;
	v2 =	vsel vm0, $0x3F800000, v3  }
0xc8: {  	s9 =	sadd.s32 $0x30, s7;
	[tilespmem:s3+$0x1A0] =	vst v2  }
0xc9: {  	v2 =	vor.u32 s9, v1;
	v3 =	vld [tilespmem:s7+$0x1B0]  }
0xca: {  	vm7 =	vge.s32 v2, s23  }
0xcb: {  	vm8 =	vle.s32 v2, s24;
	vm9 =	vlt.s32 v2, s25;
	vm10 =	vgt.s32 v2, s26  }
0xcc: {  	vm0 =	vmand vm7, vm8;
	vm11 =	vmor vm9, vm10  }
0xcd: {  	vm0 =	vmand vm0, vm11  }
0xce: {  	s10 =	smin.u32 s28, $0xFB0;
	v2 =	vsel vm0, $0x3F800000, v3  }
0xcf: {  	s12 =	sadd.s32 $0x40, s10;
	[tilespmem:s7+$0x1B0] =	vst v2  }
0xd0: {  	v2 =	vor.u32 s12, v1;
	v3 =	vld [tilespmem:s10+$0x1C0]  }
0xd1: {  	vm12 =	vge.s32 v2, s23  }
0xd2: {  	vm13 =	vle.s32 v2, s24;
	vm14 =	vlt.s32 v2, s25;
	vm15 =	vgt.s32 v2, s26  }
0xd3: {  	vm0 =	vmand vm12, vm13;
	vm6 =	vmor vm14, vm15  }
0xd4: {  	vm0 =	vmand vm0, vm6  }
0xd5: {  	s13 =	smin.u32 s28, $0xFA0;
	v2 =	vsel vm0, $0x3F800000, v3  }
0xd6: {  	s29 =	sadd.s32 $0x50, s13;
	s30 =	smul.f32 $2.500000000e-01, s18;
	[tilespmem:s10+$0x1C0] =	vst v2  }
0xd7: {  	v2 =	vor.u32 s29, v1;
	v3 =	vld [tilespmem:s13+$0x1D0]  }
0xd8: {  	s21 =	sadd.f32 $3.223085940e+02, s18;
	s1 =	smax.f32 s30, $0.0e+00;
	vm7 =	vge.s32 v2, s23  }
0xd9: {  	s3 =	scvt.f32.s32 s1;
	vm8 =	vle.s32 v2, s24;
	vm9 =	vlt.s32 v2, s25;
	vm10 =	vgt.s32 v2, s26  }
0xda: {  	s2 =	smul.f32 $2.500000000e-01, s21;
	vm0 =	vmand vm7, vm8;
	vm11 =	vmor vm9, vm10  }
0xdb: {  	s12 =	scvt.s32.f32 s3;
	vm0 =	vmand vm0, vm11  }
0xdc: {  	s20 =	sadd.f32 $-3.223085940e+02, s17;
	s5 =	smin.u32 s28, $0xF90;
	s9 =	smax.f32 s2, $0.0e+00;
	v2 =	vsel vm0, $0x3F800000, v3  }
0xdd: {  	s31 =	sadd.s32 $0x60, s5;
	p0 =	sgt.f32 s1, s12;
	s10 =	scvt.f32.s32 s9;
	[tilespmem:s13+$0x1D0] =	vst v2  }
0xde: {  	s30 =	smul.f32 $2.500000000e-01, s17;
	s12 =	simm.s32 $0x1;
	v2 =	vor.u32 s31, v1;
	v3 =	vld [tilespmem:s5+$0x1E0]  }
0xdf: {  	s12 =	simm.s32 @!p0 $0x0;
	s7 =	scvt.s32.f32 s10;
	s13 =	smul.f32 $2.500000000e-01, s20;
	vm12 =	vge.s32 v2, s23  }
0xe0: {  	s0 =	smin.u32 s28, $0xF80;
	p0 =	slt.f32 s30, $0.0e+00;
	s3 =	sadd.s32 s3, s12;
	vm13 =	vle.s32 v2, s24;
	vm14 =	vlt.s32 v2, s25;
	vm15 =	vgt.s32 v2, s26  }
0xe1: {  	s29 =	sadd.s32 $0x70, s0;
	p1 =	sgt.f32 s9, s7;
	s1 =	smax.f32 s13, $0.0e+00;
	vm0 =	vmand vm12, vm13;
	vm6 =	vmor vm14, vm15  }
0xe2: {  	s9 =	smax.f32 s30, $0.0e+00;
	s31 =	smin.u32 s28, $0xF70;
	vm0 =	vmand vm0, vm6;
	s1 =	scvt.f32.s32 s1  }
0xe3: {  	s7 =	sadd.s32 $0x80, s31;
	p2 =	slt.f32 s13, $0.0e+00;
	s13 =	simm.s32 $0x1;
	v2 =	vsel vm0, $0x3F800000, v3  }
0xe4: {  	s13 =	simm.s32 @!p1 $0x0;
	p1 =	sle.f32 s2, $0.0e+00;
	s1 =	sadd.s32 $0x1, s1;
	[tilespmem:s5+$0x1E0] =	vst v2  }
0xe5: {  	s30 =	sadd.s32 s13, s10;
	s1 =	simm.s32 @p2 $0x0;
	v2 =	vor.u32 s29, v1;
	s5 =	scvt.f32.s32 s9;
	v3 =	vld [tilespmem:s0+$0x1F0]  }
0xe6: {  	s10 =	sand.u32 $0x70, s31;
	s29 =	sadd.s32 $0xFFFFFFFF, s30;
	p2 =	sgt.s32 s3, s1;
	vm7 =	vge.s32 v2, s23  }
0xe7: {  	s9 =	sand.u32 $0x1F80, s7;
	vm8 =	vle.s32 v2, s24;
	vm9 =	vlt.s32 v2, s25;
	vm10 =	vgt.s32 v2, s26;
	s29 =	simm.s32 @p1 $0xFFFFFFFF;
	s5 =	simm.s32 @p0 $0xFFFFFFFF  }
0xe8: {  	s1 =	smov.u32 @p2 s3;
	s2 =	sor.u32 s10, s9;
	vm0 =	vmand vm7, vm8;
	vm11 =	vmor vm9, vm10;
	p0 =	slt.s32 s5, s29  }
0xe9: {  	s9 =	smul.f32 $2.500000000e-01, s19;
	vm0 =	vmand vm0, vm11;
	s29 =	smov.u32 @p0 s5;
	p0 =	sgt.s32 s1, $0x0  }
0xea: {  	s30 =	smin.u32 s28, $0xF60;
	s1 =	simm.s32 @!p0 $0x0;
	v2 =	vsel vm0, $0x3F800000, v3  }
0xeb: {  	s10 =	smax.f32 s9, $0.0e+00;
	p0 =	slt.s32 s29, $0x3FF;
	[tilespmem:s0+$0x1F0] =	vst v2;
	s0 =	sadd.s32 $0x1800, s1  }
0xec: {  	s5 =	smov.u32 s4;
	s29 =	simm.s32 @!p0 $0x3FF;
	v2 =	vor.u32 s7, v1;
	v3 =	vld [tilespmem:s2+$0x180];
	p0 =	sgt.s32 s0, s4  }
0xed: {  	s3 =	smul.f32 $2.500000000e-01, s22;
	s13 =	scvt.f32.s32 s10;
	vm12 =	vge.s32 v2, s23;
	s5 =	smov.u32 @p0 s0  }
0xee: {  	vm13 =	vle.s32 v2, s24;
	vm14 =	vlt.s32 v2, s25;
	vm15 =	vgt.s32 v2, s26;
	p0 =	slt.s32 s4, s0;
	s0 =	simm.s32 $0x1;
	s22 =	ssub.s32 s5, s4  }
0xef: {  	s12 =	smax.f32 s3, $0.0e+00;
	vm0 =	vmand vm12, vm13;
	vm6 =	vmor vm14, vm15;
	s0 =	simm.s32 @!p0 $0x0;
	s28 =	sshra.s32 s22, $0x1F  }
0xf0: {  	s31 =	scvt.s32.f32 s13;
	vm0 =	vmand vm0, vm6;
	s5 =	sand.u32 $0xF, s5;
	s0 =	sor.u32 s0, s28  }
0xf1: {  	s7 =	sadd.s32 $0x90, s30;
	p3 =	sne.s32 s5, $0x0;
	v2 =	vsel vm0, $0x3F800000, v3;
	p2 =	sne.s32 s0, $0x1  }
0xf2: {  	s1 =	scvt.f32.s32 s12;
	s19 =	sshrl.u32 s28, $0x1C;
	[tilespmem:s2+$0x180] =	vst v2;
	p0 =	por !p3, !p2  }
0xf3: {  	s5 =	simm.s32 $0x1;
	v2 =	vor.u32 s7, v1;
	s2 =	sadd.s32 s19, s22;
	v3 =	vld [tilespmem:s30+$0x210];
	p0 =	por !p0, !p0  }
0xf4: {  	p1 =	sgt.f32 s10, s31;
	vm7 =	vge.s32 v2, s23;
	s28 =	sshrl.u32 s2, $0x4;
	s5 =	simm.s32 @!p0 $0x0  }
0xf5: {  	s1 =	sadd.s32 $0x1801, s1;
	p2 =	slt.f32 s3, $0.0e+00;
	vm8 =	vle.s32 v2, s24;
	vm9 =	vlt.s32 v2, s25;
	vm10 =	vgt.s32 v2, s26;
	s0 =	ssub.s32 s28, s5  }
0xf6: {  	s3 =	smov.u32 s6;
	s2 =	simm.s32 $0x1;
	vm0 =	vmand vm7, vm8;
	vm11 =	vmor vm9, vm10;
	s28 =	sshll.u32 s0, $0x4  }
0xf7: {  	s2 =	simm.s32 @!p1 $0x0;
	p0 =	sle.f32 s9, $0.0e+00;
	vm0 =	vmand vm0, vm11;
	p1 =	sgt.s32 s28, $0x0  }
0xf8: {  	s2 =	sadd.s32 s2, s13;
	s0 =	sadd.s32 $0x1800, s29;
	v2 =	vsel vm0, $0x3F800000, v3;
	s28 =	simm.s32 @!p1 $0x0  }
0xf9: {  	s2 =	sadd.s32 $0x17FF, s2;
	p1 =	slt.s32 s0, s6;
	[tilespmem:s30+$0x210] =	vst v2;
	s31 =	smin.u32 s28, $0xFF0  }
0xfa: {  	s1 =	simm.s32 @p2 $0x1800;
	s2 =	simm.s32 @p0 $0x17FF;
	s3 =	smov.u32 @p1 s0;
	v2 =	vor.u32 s31, v1;
	v3 =	vld [tilespmem:s31+$0x180]  }
0xfb: {  	s25 =	ssub.s32 s1, s4;
	s26 =	ssub.s32 s2, s4;
	s24 =	ssub.s32 s3, s4;
	vm12 =	vge.s32 v2, s22  }
0xfc: {  	vm13 =	vle.s32 v2, s24;
	vm14 =	vlt.s32 v2, s25;
	vm15 =	vgt.s32 v2, s26  }
0xfd: {  	vm0 =	vmand vm12, vm13;
	vm6 =	vmor vm14, vm15  }
0xfe: {  	vm0 =	vmand vm0, vm6  }
0xff: {  	s3 =	smin.u32 s28, $0xFE0;
	v2 =	vsel vm0, $0x3F800000, v3  }
0x100: {  	s7 =	sadd.s32 $0x10, s3;
	[tilespmem:s31+$0x180] =	vst v2  }
0x101: {  	v2 =	vor.u32 s7, v1;
	v3 =	vld [tilespmem:s3+$0x190]  }
0x102: {  	vm7 =	vge.s32 v2, s22  }
0x103: {  	vm8 =	vle.s32 v2, s24;
	vm9 =	vlt.s32 v2, s25;
	vm10 =	vgt.s32 v2, s26  }
0x104: {  	vm0 =	vmand vm7, vm8;
	vm11 =	vmor vm9, vm10  }
0x105: {  	vm0 =	vmand vm0, vm11  }
0x106: {  	s9 =	smin.u32 s28, $0xFD0;
	v2 =	vsel vm0, $0x3F800000, v3  }
0x107: {  	s10 =	sadd.s32 $0x20, s9;
	[tilespmem:s3+$0x190] =	vst v2  }
0x108: {  	v2 =	vor.u32 s10, v1;
	v3 =	vld [tilespmem:s9+$0x1A0]  }
0x109: {  	vm12 =	vge.s32 v2, s22  }
0x10a: {  	vm13 =	vle.s32 v2, s24;
	vm14 =	vlt.s32 v2, s25;
	vm15 =	vgt.s32 v2, s26  }
0x10b: {  	vm0 =	vmand vm12, vm13;
	vm6 =	vmor vm14, vm15  }
0x10c: {  	s19 =	smul.f32 $1.250000000e-01, s18;
	vm0 =	vmand vm0, vm6  }
0x10d: {  	s12 =	smin.u32 s28, $0xFC0;
	v2 =	vsel vm0, $0x3F800000, v3  }
0x10e: {  	s23 =	smax.f32 s19, $0.0e+00;
	s13 =	sadd.s32 $0x30, s12;
	[tilespmem:s9+$0x1A0] =	vst v2  }
0x10f: {  	s2 =	scvt.f32.s32 s23;
	v2 =	vor.u32 s13, v1;
	v3 =	vld [tilespmem:s12+$0x1B0]  }
0x110: {  	vm7 =	vge.s32 v2, s22  }
0x111: {  	s29 =	scvt.s32.f32 s2;
	vm8 =	vle.s32 v2, s24;
	vm9 =	vlt.s32 v2, s25;
	vm10 =	vgt.s32 v2, s26  }
0x112: {  	s19 =	sadd.f32 $-4.985371090e+02, s17;
	vm0 =	vmand vm7, vm8;
	vm11 =	vmor vm9, vm10  }
0x113: {  	p0 =	sgt.f32 s23, s29;
	vm0 =	vmand vm0, vm11  }
0x114: {  	s5 =	smin.u32 s28, $0xFB0;
	s23 =	sadd.f32 $4.985371090e+02, s18;
	s31 =	smul.f32 $1.250000000e-01, s19;
	v2 =	vsel vm0, $0x3F800000, v3  }
0x115: {  	s30 =	sadd.s32 $0x40, s5;
	[tilespmem:s12+$0x1B0] =	vst v2  }
0x116: {  	s10 =	smax.f32 s31, $0.0e+00;
	s9 =	smul.f32 $1.250000000e-01, s23;
	v2 =	vor.u32 s30, v1;
	v3 =	vld [tilespmem:s5+$0x1C0]  }
0x117: {  	s0 =	simm.s32 $0x1;
	s7 =	scvt.f32.s32 s10;
	vm12 =	vge.s32 v2, s22  }
0x118: {  	s0 =	simm.s32 @!p0 $0x0;
	s1 =	smax.f32 s9, $0.0e+00;
	s30 =	smul.f32 $1.250000000e-01, s17;
	vm13 =	vle.s32 v2, s24;
	vm14 =	vlt.s32 v2, s25;
	vm15 =	vgt.s32 v2, s26  }
0x119: {  	s0 =	sadd.s32 s2, s0;
	p0 =	slt.f32 s31, $0.0e+00;
	s13 =	scvt.f32.s32 s1;
	vm0 =	vmand vm12, vm13;
	vm6 =	vmor vm14, vm15  }
0x11a: {  	s3 =	smin.u32 s28, $0xFA0;
	s2 =	sadd.s32 $0x1, s7;
	s29 =	smax.f32 s30, $0.0e+00;
	vm0 =	vmand vm0, vm6  }
0x11b: {  	s2 =	simm.s32 @p0 $0x0;
	p1 =	slt.f32 s30, $0.0e+00;
	s30 =	scvt.s32.f32 s13;
	v2 =	vsel vm0, $0x3F800000, v3  }
0x11c: {  	s31 =	smin.u32 s28, $0xF90;
	p0 =	sgt.s32 s0, s2;
	s12 =	sadd.s32 $0x50, s3;
	[tilespmem:s5+$0x1C0] =	vst v2  }
0x11d: {  	s10 =	sadd.s32 $0x60, s31;
	s2 =	smov.u32 @p0 s0;
	p0 =	sgt.f32 s1, s30;
	v2 =	vor.u32 s12, v1;
	v3 =	vld [tilespmem:s3+$0x1D0]  }
0x11e: {  	s0 =	simm.s32 $0x1;
	s5 =	scvt.f32.s32 s29;
	s29 =	smul.f32 $1.250000000e-01, s21;
	vm7 =	vge.s32 v2, s22  }
0x11f: {  	s7 =	smov.u32 s4;
	s0 =	simm.s32 @!p0 $0x0;
	p0 =	sle.f32 s9, $0.0e+00;
	vm8 =	vle.s32 v2, s24;
	vm9 =	vlt.s32 v2, s25;
	vm10 =	vgt.s32 v2, s26  }
0x120: {  	s5 =	simm.s32 @p1 $0xFFFFFFFF;
	p1 =	sgt.s32 s2, $0x0;
	vm0 =	vmand vm7, vm8;
	vm11 =	vmor vm9, vm10;
	s12 =	smax.f32 s29, $0.0e+00  }
0x121: {  	s0 =	sadd.s32 s0, s13;
	s2 =	simm.s32 @!p1 $0x0;
	vm0 =	vmand vm0, vm11;
	s30 =	scvt.f32.s32 s12  }
0x122: {  	s1 =	smin.u32 s28, $0xF80;
	s0 =	sadd.s32 $0xFFFFFFFF, s0;
	s2 =	sadd.s32 $0x1C00, s2;
	v2 =	vsel vm0, $0x3F800000, v3  }
0x123: {  	s0 =	simm.s32 @p0 $0xFFFFFFFF;
	p1 =	sgt.s32 s2, s4;
	s13 =	scvt.s32.f32 s30;
	[tilespmem:s3+$0x1D0] =	vst v2  }
0x124: {  	s7 =	smov.u32 @p1 s2;
	p1 =	slt.s32 s4, s2;
	s2 =	simm.s32 $0x1;
	v2 =	vor.u32 s10, v1;
	v3 =	vld [tilespmem:s31+$0x1E0]  }
0x125: {  	s21 =	ssub.s32 s7, s4;
	s2 =	simm.s32 @!p1 $0x0;
	p0 =	sgt.f32 s12, s13;
	vm12 =	vge.s32 v2, s22  }
0x126: {  	p1 =	slt.s32 s5, s0;
	s10 =	sand.u32 $0xF, s7;
	s12 =	sadd.s32 $0x70, s1;
	vm13 =	vle.s32 v2, s24;
	vm14 =	vlt.s32 v2, s25;
	vm15 =	vgt.s32 v2, s26  }
0x127: {  	s7 =	simm.s32 $0x1;
	s9 =	sshra.s32 s21, $0x1F;
	s0 =	smov.u32 @p1 s5;
	vm0 =	vmand vm12, vm13;
	vm6 =	vmor vm14, vm15  }
0x128: {  	p3 =	sne.s32 s10, $0x0;
	s3 =	sor.u32 s2, s9;
	p2 =	slt.s32 s0, $0x1FF;
	vm0 =	vmand vm0, vm6  }
0x129: {  	s2 =	smul.f32 $1.250000000e-01, s20;
	s20 =	sshrl.u32 s9, $0x1C;
	p4 =	sne.s32 s3, $0x1;
	v2 =	vsel vm0, $0x3F800000, v3  }
0x12a: {  	s0 =	simm.s32 @!p2 $0x1FF;
	s28 =	sadd.s32 s20, s21;
	p1 =	por !p3, !p4;
	[tilespmem:s31+$0x1E0] =	vst v2  }
0x12b: {  	s13 =	smax.f32 s2, $0.0e+00;
	s3 =	sshrl.u32 s28, $0x4;
	p1 =	por !p1, !p1;
	v2 =	vor.u32 s12, v1;
	v3 =	vld [tilespmem:s1+$0x1F0]  }
0x12c: {  	s0 =	sadd.s32 $0x1C00, s0;
	s5 =	scvt.f32.s32 s13;
	s7 =	simm.s32 @!p1 $0x0;
	vm7 =	vge.s32 v2, s22  }
0x12d: {  	p1 =	slt.f32 s2, $0.0e+00;
	s2 =	simm.s32 $0x1;
	s3 =	ssub.s32 s3, s7;
	vm8 =	vle.s32 v2, s24;
	vm9 =	vlt.s32 v2, s25;
	vm10 =	vgt.s32 v2, s26  }
0x12e: {  	s2 =	simm.s32 @!p0 $0x0;
	p0 =	sle.f32 s29, $0.0e+00;
	s20 =	sshll.u32 s3, $0x4;
	vm0 =	vmand vm7, vm8;
	vm11 =	vmor vm9, vm10  }
0x12f: {  	s3 =	sadd.s32 $0x1C01, s5;
	s2 =	sadd.s32 s2, s30;
	p2 =	sgt.s32 s20, $0x0;
	vm0 =	vmand vm0, vm11  }
0x130: {  	s3 =	simm.s32 @p1 $0x1C00;
	p1 =	slt.s32 s0, s6;
	s20 =	simm.s32 @!p2 $0x0;
	v2 =	vsel vm0, $0x3F800000, v3  }
0x131: {  	s31 =	smin.u32 s20, $0xFF0;
	[tilespmem:s1+$0x1F0] =	vst v2;
	s1 =	sadd.s32 $0x1BFF, s2;
	s2 =	smov.u32 s6  }
0x132: {  	v2 =	vor.u32 s31, v1;
	s1 =	simm.s32 @p0 $0x1BFF;
	s2 =	smov.u32 @p1 s0;
	v3 =	vld [tilespmem:s31+$0x180]  }
0x133: {  	s24 =	ssub.s32 s3, s4;
	vm12 =	vge.s32 v2, s21;
	s22 =	ssub.s32 s2, s4;
	s25 =	ssub.s32 s1, s4  }
0x134: {  	vm14 =	vlt.s32 v2, s24;
	vm13 =	vle.s32 v2, s22;
	vm15 =	vgt.s32 v2, s25  }
0x135: {  	vm0 =	vmand vm12, vm13;
	vm6 =	vmor vm14, vm15  }
0x136: {  	s10 =	smul.f32 $6.250000000e-02, s18;
	vm0 =	vmand vm0, vm6  }
0x137: {  	s7 =	smin.u32 s20, $0xFE0;
	v2 =	vsel vm0, $0x3F800000, v3  }
0x138: {  	s12 =	smax.f32 s10, $0.0e+00;
	s9 =	sadd.s32 $0x10, s7;
	[tilespmem:s31+$0x180] =	vst v2  }
0x139: {  	s2 =	scvt.f32.s32 s12;
	v2 =	vor.u32 s9, v1;
	v3 =	vld [tilespmem:s7+$0x190]  }
0x13a: {  	vm7 =	vge.s32 v2, s21  }
0x13b: {  	s13 =	scvt.s32.f32 s2;
	vm8 =	vle.s32 v2, s22;
	vm9 =	vlt.s32 v2, s24;
	vm10 =	vgt.s32 v2, s25  }
0x13c: {  	vm0 =	vmand vm7, vm8;
	vm11 =	vmor vm9, vm10  }
0x13d: {  	s29 =	sadd.f32 $-6.911054680e+02, s17;
	p0 =	sgt.f32 s12, s13;
	vm0 =	vmand vm0, vm11  }
0x13e: {  	s26 =	smin.u32 s20, $0xFD0;
	s13 =	smul.f32 $6.250000000e-02, s17;
	s9 =	sadd.f32 $6.911054680e+02, s18;
	v2 =	vsel vm0, $0x3F800000, v3  }
0x13f: {  	s30 =	sadd.s32 $0x20, s26;
	s31 =	smul.f32 $6.250000000e-02, s29;
	[tilespmem:s7+$0x190] =	vst v2  }
0x140: {  	s3 =	smul.f32 $6.250000000e-02, s9;
	v2 =	vor.u32 s30, v1;
	v3 =	vld [tilespmem:s26+$0x1A0]  }
0x141: {  	s28 =	smax.f32 s13, $0.0e+00;
	s10 =	smax.f32 s31, $0.0e+00;
	vm12 =	vge.s32 v2, s21  }
0x142: {  	s0 =	simm.s32 $0x1;
	s9 =	scvt.f32.s32 s10;
	s17 =	smax.f32 s3, $0.0e+00;
	vm13 =	vle.s32 v2, s22;
	vm14 =	vlt.s32 v2, s24;
	vm15 =	vgt.s32 v2, s25  }
0x143: {  	s0 =	simm.s32 @!p0 $0x0;
	p0 =	slt.f32 s31, $0.0e+00;
	s29 =	scvt.f32.s32 s17;
	vm0 =	vmand vm12, vm13;
	vm6 =	vmor vm14, vm15  }
0x144: {  	p1 =	slt.f32 s13, $0.0e+00;
	s0 =	sadd.s32 s2, s0;
	s2 =	sadd.s32 $0x1, s9;
	vm0 =	vmand vm0, vm6  }
0x145: {  	s2 =	simm.s32 @p0 $0x0;
	s7 =	smin.u32 s20, $0xFC0;
	s30 =	scvt.s32.f32 s29;
	v2 =	vsel vm0, $0x3F800000, v3  }
0x146: {  	s5 =	scvt.f32.s32 s28;
	p0 =	sgt.s32 s0, s2;
	s12 =	sadd.s32 $0x30, s7;
	[tilespmem:s26+$0x1A0] =	vst v2  }
0x147: {  	s18 =	smul.f32 $6.250000000e-02, s23;
	s2 =	smov.u32 @p0 s0;
	p0 =	sgt.f32 s17, s30;
	v2 =	vor.u32 s12, v1;
	v3 =	vld [tilespmem:s7+$0x1B0]  }
0x148: {  	s5 =	simm.s32 @p1 $0xFFFFFFFF;
	s0 =	simm.s32 $0x1;
	p1 =	sgt.s32 s2, $0x0;
	vm7 =	vge.s32 v2, s21  }
0x149: {  	s10 =	smin.u32 s20, $0xFA0;
	s2 =	simm.s32 @!p1 $0x0;
	s0 =	simm.s32 @!p0 $0x0;
	vm8 =	vle.s32 v2, s22;
	vm9 =	vlt.s32 v2, s24;
	vm10 =	vgt.s32 v2, s25  }
0x14a: {  	s2 =	sadd.s32 $0x1E00, s2;
	p0 =	sle.f32 s3, $0.0e+00;
	s0 =	sadd.s32 s0, s29;
	vm0 =	vmand vm7, vm8;
	vm11 =	vmor vm9, vm10  }
0x14b: {  	s3 =	smov.u32 s4;
	p1 =	sgt.s32 s2, s4;
	s0 =	sadd.s32 $0xFFFFFFFF, s0;
	vm0 =	vmand vm0, vm11  }
0x14c: {  	s3 =	smov.u32 @p1 s2;
	p1 =	slt.s32 s4, s2;
	s26 =	smin.u32 s20, $0xFB0;
	v2 =	vsel vm0, $0x3F800000, v3  }
0x14d: {  	s2 =	simm.s32 $0x1;
	s12 =	smax.f32 s18, $0.0e+00;
	s31 =	sadd.s32 $0x40, s26;
	[tilespmem:s7+$0x1B0] =	vst v2  }
0x14e: {  	s17 =	ssub.s32 s3, s4;
	s0 =	simm.s32 @p0 $0xFFFFFFFF;
	s2 =	simm.s32 @!p1 $0x0;
	v2 =	vor.u32 s31, v1;
	v3 =	vld [tilespmem:s26+$0x1C0]  }
0x14f: {  	s30 =	sand.u32 $0xF, s3;
	s23 =	scvt.f32.s32 s12;
	p1 =	slt.s32 s5, s0;
	vm12 =	vge.s32 v2, s21  }
0x150: {  	s28 =	sshra.s32 s17, $0x1F;
	p6 =	sne.s32 s30, $0x0;
	s0 =	smov.u32 @p1 s5;
	vm13 =	vle.s32 v2, s22;
	vm14 =	vlt.s32 v2, s24;
	vm15 =	vgt.s32 v2, s25  }
0x151: {  	s29 =	sor.u32 s2, s28;
	s13 =	scvt.s32.f32 s23;
	p2 =	slt.s32 s0, $0xFF;
	vm0 =	vmand vm12, vm13;
	vm6 =	vmor vm14, vm15  }
0x152: {  	s2 =	simm.s32 $0x1;
	p5 =	sne.s32 s29, $0x1;
	s0 =	simm.s32 @!p2 $0xFF;
	vm0 =	vmand vm0, vm6  }
0x153: {  	p1 =	por !p6, !p5;
	p0 =	sgt.f32 s12, s13;
	s31 =	smul.f32 $6.250000000e-02, s19;
	v2 =	vsel vm0, $0x3F800000, v3  }
0x154: {  	s12 =	sadd.s32 $0x50, s10;
	p1 =	por !p1, !p1;
	s19 =	sshrl.u32 s28, $0x1C;
	[tilespmem:s26+$0x1C0] =	vst v2  }
0x155: {  	s7 =	simm.s32 $0x1;
	s20 =	sadd.s32 s19, s17;
	s13 =	smax.f32 s31, $0.0e+00;
	v2 =	vor.u32 s12, v1;
	v3 =	vld [tilespmem:s10+$0x1D0]  }
0x156: {  	s7 =	simm.s32 @!p1 $0x0;
	s3 =	sshrl.u32 s20, $0x4;
	s5 =	scvt.f32.s32 s13;
	vm7 =	vge.s32 v2, s21  }
0x157: {  	s0 =	sadd.s32 $0x1E00, s0;
	p1 =	slt.f32 s31, $0.0e+00;
	s3 =	ssub.s32 s3, s7;
	vm8 =	vle.s32 v2, s22;
	vm9 =	vlt.s32 v2, s24;
	vm10 =	vgt.s32 v2, s25  }
0x158: {  	s2 =	simm.s32 @!p0 $0x0;
	s19 =	sshll.u32 s3, $0x4;
	s5 =	sadd.s32 $0x1E01, s5;
	vm0 =	vmand vm7, vm8;
	vm11 =	vmor vm9, vm10  }
0x159: {  	s2 =	sadd.s32 s2, s23;
	s5 =	simm.s32 @p1 $0x1E00;
	p1 =	sgt.s32 s19, $0x0;
	vm0 =	vmand vm0, vm11  }
0x15a: {  	p0 =	sle.f32 s18, $0.0e+00;
	s1 =	sadd.s32 $0x1DFF, s2;
	s19 =	simm.s32 @!p1 $0x0;
	v2 =	vsel vm0, $0x3F800000, v3  }
0x15b: {  	s2 =	smov.u32 s6;
	p1 =	slt.s32 s0, s6;
	s21 =	smin.u32 s19, $0xFF0;
	[tilespmem:s10+$0x1D0] =	vst v2  }
0x15c: {  	s1 =	simm.s32 @p0 $0x1DFF;
	s2 =	smov.u32 @p1 s0;
	v2 =	vor.u32 s21, v1;
	v3 =	vld [tilespmem:s21+$0x180]  }
0x15d: {  	s1 =	ssub.s32 s1, s4;
	s22 =	ssub.s32 s5, s4;
	s0 =	ssub.s32 s2, s4;
	vm12 =	vge.s32 v2, s17  }
0x15e: {  	vm13 =	vle.s32 v2, s0;
	vm14 =	vlt.s32 v2, s22;
	vm15 =	vgt.s32 v2, s1  }
0x15f: {  	vm0 =	vmand vm12, vm13;
	vm6 =	vmor vm14, vm15  }
0x160: {  	vm0 =	vmand vm0, vm6  }
0x161: {  	s23 =	smin.u32 s19, $0xFE0;
	v2 =	vsel vm0, $0x3F800000, v3  }
0x162: {  	s24 =	sadd.s32 $0x10, s23;
	[tilespmem:s21+$0x180] =	vst v2  }
0x163: {  	v2 =	vor.u32 s24, v1;
	v3 =	vld [tilespmem:s23+$0x190]  }
0x164: {  	vm7 =	vge.s32 v2, s17  }
0x165: {  	vm8 =	vle.s32 v2, s0;
	vm9 =	vlt.s32 v2, s22;
	vm10 =	vgt.s32 v2, s1  }
0x166: {  	vm0 =	vmand vm7, vm8;
	vm11 =	vmor vm9, vm10  }
0x167: {  	vm0 =	vmand vm0, vm11  }
0x168: {  	s25 =	smin.u32 s19, $0xFD0;
	v2 =	vsel vm0, $0x3F800000, v3  }
0x169: {  	s26 =	sadd.s32 $0x20, s25;
	[tilespmem:s23+$0x190] =	vst v2  }
0x16a: {  	v2 =	vor.u32 s26, v1;
	v3 =	vld [tilespmem:s25+$0x1A0]  }
0x16b: {  	vm12 =	vge.s32 v2, s17  }
0x16c: {  	vm13 =	vle.s32 v2, s0;
	vm14 =	vlt.s32 v2, s22;
	vm15 =	vgt.s32 v2, s1  }
0x16d: {  	vm0 =	vmand vm12, vm13;
	vm5 =	vmor vm14, vm15  }
0x16e: {  	vm0 =	vmand vm0, vm5  }
0x16f: {  	s28 =	smin.u32 s19, $0xFC0;
	v2 =	vsel vm0, $0x3F800000, v3  }
0x170: {  	s29 =	sadd.s32 $0x30, s28;
	[tilespmem:s25+$0x1A0] =	vst v2  }
0x171: {  	v2 =	vor.u32 s29, v1;
	v3 =	vld [tilespmem:s28+$0x1B0]  }
0x172: {  	vm6 =	vge.s32 v2, s17  }
0x173: {  	vm7 =	vle.s32 v2, s0;
	vm8 =	vlt.s32 v2, s22;
	vm9 =	vgt.s32 v2, s1  }
0x174: {  	vm0 =	vmand vm6, vm7;
	vm10 =	vmor vm8, vm9  }
0x175: {  	vm0 =	vmand vm0, vm10  }
0x176: {  	s30 =	smin.u32 s19, $0xFB0;
	v2 =	vsel vm0, $0x3F800000, v3  }
0x177: {  	s31 =	sadd.s32 $0x40, s30;
	[tilespmem:s28+$0x1B0] =	vst v2  }
0x178: {  	v2 =	vor.u32 s31, v1;
	v3 =	vld [tilespmem:s30+$0x1C0]  }
0x179: {  	vm11 =	vge.s32 v2, s17  }
.Ltmp6:
0x17a: {  	vm12 =	vle.s32 v2, s0;
	vm13 =	vlt.s32 v2, s22;
	vm14 =	vgt.s32 v2, s1;
	(pc) =	sbr.rel .LBB2_6-.Ltmp6, $4  }
0x17b: {  	vm0 =	vmand vm11, vm12;
	vm15 =	vmor vm13, vm14  }
0x17c: {  	vm0 =	vmand vm0, vm15  }
0x17d: {  	v2 =	vsel vm0, $0x3F800000, v3  }
0x17e: {  	[tilespmem:s30+$0x1C0] =	vst v2  }
.LBB2_8:
0x17f: {  	_ =	sfence.sel $0x180000  }
0x180: {  	[bflag:$0x0] =	sbarrier.arrive $0xFFFF  }
0x181: {  	_ =	strace $0x90000047  }
0x182: {  	s0 =	stileid.u32;
	[bflag:$0x2] =	sbarrier.arrive $0xFFFF  }
0x183: {  	p0 =	sne.s32 s0, $0x0;
	s0 =	rddreg [dreg:$0x1]  }
0x184: {  	s0 =	sadd.s32 @!p0 $0x100000, s0  }
0x185: {  	[sflag:s0] =	ssyncadd.tile.s32 @!p0 $0x1;
	_ =	shalt  }
.Lfunc_end2:
_tile_overlayer_lowered:
.L_overlay_start_2:
0x186: {  	(tag) =	ssettag $0x2  }
0x187: {  	s0 =	rddreg [dreg:$0x0];
	s2 =	stileid.u32  }
0x188: {  	s1 =	rddreg [dreg:$0x1];
	p0 =	sne.s32 s2, $0x0  }
0x189: {  	s3 =	rddreg [dreg:$0x2];
	[bflag:$0x3] =	sbarrier.arrive $0xFFFF;
	s2 =	simm.s32 @!p0 $0x1C01  }
0x18a: {  	[timem:s3], [sflag:s2] =	dma.local @!p0 [hbm:s0], s1  }
0x18b: {  	s0 =	simm.s32 @!p0 $0x1  }
0x18c: {  	_ =	swait.ge @!p0 [sflag:s0], s1  }
0x18d: {  	s1 =	ssub.s32 @!p0 $0x0, s1;
	[sflag:s0] =	ssyncset.done @!p0 $0x0  }
0x18e: {  	[sflag:s0] =	ssyncadd.s32 @!p0 s1  }
0x18f: {  	[bflag:$0x3] =	sbarrier.arrive $0xFFFF  }
0x190: {  	_ =	shalt  }

</sc_bundles>
